<compile_context>
chip_gen: v7x
topology: tpu7x:2x2x1
jax: 0.10.2.dev20260603
libtpu: 0.0.44.dev20260713+nightly
codegen_flags: <defaults>
</compile_context>

<pallas_src>
import functools

import jax
import jax.numpy as jnp
from jax import lax
from jax.experimental import pallas as pl
from jax.experimental.pallas import tpu as pltpu
from jax.experimental.pallas import tpu_sc as plsc

EMBED = 32
PACK = 128 // EMBED
CH = 320
NBUF = 2
CB = 16384
SB = CB // PACK


@functools.lru_cache(maxsize=None)
def _make_tc_transpose(vocab):
    n_blk = (vocab + CB - 1) // CB

    def body(x_ref, o_ref):
        x = x_ref[...]
        o_ref[...] = jnp.concatenate(
            [
                jnp.swapaxes(x[:, j * SB:(j + 1) * SB], 0, 1)
                for j in range(PACK)
            ],
            axis=1,
        )

    return pl.pallas_call(
        body,
        grid=(n_blk,),
        in_specs=[pl.BlockSpec((EMBED, CB), lambda i: (0, i))],
        out_specs=pl.BlockSpec((SB, 128), lambda i: (i, 0)),
        out_shape=jax.ShapeDtypeStruct((n_blk * SB, 128), jnp.float32),
    )


@functools.lru_cache(maxsize=None)
def _make_gather(n_idx, vocab128):
    info = plsc.get_sparse_core_info()
    nc, ns, nl = info.num_cores, info.num_subcores, info.num_lanes
    nw = nc * ns
    b_per_w = n_idx // nw
    n_chunk = b_per_w // CH
    assert n_chunk * CH * nw == n_idx and CH % nl == 0 and n_chunk % NBUF == 0
    n_grp = CH // nl
    mesh = plsc.VectorSubcoreMesh(core_axis_name="c", subcore_axis_name="s")

    @functools.partial(
        pl.kernel,
        mesh=mesh,
        compiler_params=pltpu.CompilerParams(
            use_tc_tiling_on_sc=False, needs_layout_passes=False
        ),
        out_type=jax.ShapeDtypeStruct((EMBED, n_idx), jnp.float32),
        scratch_types=[
            pltpu.VMEM((n_chunk, CH), jnp.int32),
            pltpu.VMEM((n_chunk, CH), jnp.int32),
            pltpu.VMEM((NBUF, CH, 128), jnp.float32),
            pltpu.VMEM((NBUF, EMBED, CH), jnp.float32),
            pltpu.SemaphoreType.DMA((NBUF,)),
            pltpu.SemaphoreType.DMA((NBUF,)),
        ],
    )
    def k(slot_hbm, off_hbm, table_hbm, out_hbm, slot_v, off_v, rows_v, st_v,
          gsem, osem):
        wid = lax.axis_index("s") * nc + lax.axis_index("c")
        base = wid * b_per_w
        pltpu.sync_copy(slot_hbm.at[wid], slot_v)
        pltpu.sync_copy(off_hbm.at[wid], off_v)

        def fire(c, i):
            pltpu.async_copy(table_hbm.at[slot_v.at[c]], rows_v.at[i], gsem.at[i])

        def extract(c, i):
            rows = rows_v.at[i]
            st = st_v.at[i]

            @plsc.parallel_loop(0, n_grp, unroll=2)
            def g_body(g):
                jvec = lax.iota(jnp.int32, nl) + g * nl
                offs = off_v[c, pl.ds(g * nl, nl)]
                for e in range(EMBED):
                    st[e, pl.ds(g * nl, nl)] = plsc.load_gather(
                        rows, [jvec, offs + e]
                    )

        for i in range(NBUF):
            fire(i, i)

        def chunk_body(m, carry):
            for i in range(NBUF):
                c = m * NBUF + i
                pltpu.make_async_copy(
                    table_hbm.at[slot_v.at[c]], rows_v.at[i], gsem.at[i]
                ).wait()

                @pl.when(c >= NBUF)
                def _():
                    pltpu.make_async_copy(
                        st_v.at[i],
                        out_hbm.at[:, pl.ds(base + (c - NBUF) * CH, CH)],
                        osem.at[i],
                    ).wait()

                extract(c, i)
                pltpu.async_copy(
                    st_v.at[i],
                    out_hbm.at[:, pl.ds(base + c * CH, CH)],
                    osem.at[i],
                )

                @pl.when(c + NBUF < n_chunk)
                def _():
                    fire(c + NBUF, i)

            return carry

        lax.fori_loop(0, n_chunk // NBUF, chunk_body, 0)

        for c in range(n_chunk - NBUF, n_chunk):
            i = c % NBUF
            pltpu.make_async_copy(
                st_v.at[i], out_hbm.at[:, pl.ds(base + c * CH, CH)], osem.at[i]
            ).wait()

    return k


def kernel(inputs, embeddings):
    b, l = inputs.shape
    n = b * l
    info = plsc.get_sparse_core_info()
    nw = info.num_cores * info.num_subcores
    n_chunk = n // nw // CH
    flat = inputs.reshape(nw, n_chunk, CH).astype(jnp.int32)
    vocab, embed = embeddings.shape
    slots = (flat // CB) * SB + flat % SB
    offs = ((flat % CB) // SB) * EMBED
    emb_t = jnp.swapaxes(embeddings, 0, 1)
    table128 = _make_tc_transpose(vocab)(emb_t)
    out_t = _make_gather(n, vocab // PACK)(slots, offs, table128)
    return jnp.swapaxes(out_t, 0, 1).reshape(b, l, embed)

# --- scband reference (transcript-rebuilt; emitter-appended) ---
"""Pipeline reference for scband-word-embedding-20504173871722 (READ-ONLY COPY).

The authoritative reference and input builder live on the scoring server;
editing this copy changes nothing except your own understanding.
"""

import jax, jax.numpy as jnp
import numpy as np

VOCAB = 1000000
EMBED = 32
B = 4096
L = 50

def setup_inputs(seed: int = 0) -> dict:
    key = jax.random.key(seed)
    k1, k2 = jax.random.split(key)
    inputs = jax.random.randint(k1, (B, L), 0, VOCAB, dtype=jnp.int64 if jax.config.jax_enable_x64 else jnp.int32)
    # glorot_uniform for [VOCAB, EMBED]: limit = sqrt(6/(fan_in+fan_out))
    limit = np.sqrt(6.0 / (VOCAB + EMBED))
    embeddings = jax.random.uniform(k2, (VOCAB, EMBED), dtype=jnp.float32, minval=-limit, maxval=limit)
    return {"inputs": inputs, "embeddings": embeddings}

def reference(inputs, embeddings):
    # mode='embedding', use_one_hot=False, use_scale=False
    flat_inputs = jnp.reshape(inputs, (-1,))
    emb = jnp.take(embeddings, flat_inputs, axis=0)
    emb = jnp.reshape(emb, inputs.shape + (EMBED,))
    return emb

if __name__ == "__main__":
    import jax
    _d = setup_inputs()
    print(jax.jit(kernel)(*tuple(_d.values())))

</pallas_src>

<mosaic_0001>
#map = affine_map<(d0, d1) -> (0, 0, 0)>
#map1 = affine_map<(d0, d1) -> (0, 0)>
module attributes {stable_mosaic.version = 14 : i64} {
  func.func @k(%arg0: i32, %arg1: i32, %arg2: memref<32x20x320xi32, #tpu.memory_space<hbm>>, %arg3: memref<32x20x320xi32, #tpu.memory_space<hbm>>, %arg4: memref<253952x128xf32, #tpu.memory_space<hbm>>, %arg5: memref<32x204800xf32, #tpu.memory_space<hbm>>, %arg6: memref<20x320xi32, #tpu.memory_space<vmem>>, %arg7: memref<20x320xi32, #tpu.memory_space<vmem>>, %arg8: memref<2x320x128xf32, #tpu.memory_space<vmem>>, %arg9: memref<2x32x320xf32, #tpu.memory_space<vmem>>, %arg10: memref<2x!tpu.dma_semaphore, #tpu.memory_space<semaphore_mem>>, %arg11: memref<2x!tpu.dma_semaphore, #tpu.memory_space<semaphore_mem>>) attributes {dimension_semantics = [#tpu.dimension_semantics<core_parallel>, #tpu.dimension_semantics<subcore_parallel>], iteration_bounds = array<i64: 2, 16>, scalar_prefetch = 0 : i64, scratch_operands = 6 : i64, tpu.core_type = #tpu.core_type<sc_vector_subcore>, window_params = [{transform_indices = #map}, {transform_indices = #map}, {transform_indices = #map1}, {transform_indices = #map1}]} {
    %mul3A = arith.constant 2 : i32
    %mul3A_0 = arith.muli %arg1, %mul3A : i32
    %add3A = arith.addi %mul3A_0, %arg0 : i32
    %mul3A_1 = arith.constant 6400 : i32
    %mul3A_2 = arith.muli %add3A, %mul3A_1 : i32
    "tpu.region"() ({
      %run_scoped3A = tpu.sem_alloc : memref<!tpu.dma_semaphore, #tpu.memory_space<semaphore_mem>>
      %dma_start3A_72 = arith.constant 0 : i32
      %dma_start3A_73 = arith.constant 0 : i32
      %dma_start3A_74 = tpu.memref_slice %arg2[%add3A, %dma_start3A_72, %dma_start3A_73] : memref<32x20x320xi32, #tpu.memory_space<hbm>> -> memref<1x20x320xi32, #tpu.memory_space<hbm>>
      %dma_start3A_75 = tpu.memref_squeeze %dma_start3A_74 : memref<1x20x320xi32, #tpu.memory_space<hbm>> -> memref<20x320xi32, #tpu.memory_space<hbm>>
      %dma_start3A_76 = arith.constant 0 : i32
      %dma_start3A_77 = arith.constant 0 : i32
      %dma_start3A_78 = tpu.memref_slice %arg2[%add3A, %dma_start3A_76, %dma_start3A_77] : memref<32x20x320xi32, #tpu.memory_space<hbm>> -> memref<1x20x320xi32, #tpu.memory_space<hbm>>
      %dma_start3A_79 = tpu.memref_squeeze %dma_start3A_78 : memref<1x20x320xi32, #tpu.memory_space<hbm>> -> memref<20x320xi32, #tpu.memory_space<hbm>>
      tpu.enqueue_dma source(%dma_start3A_79 : memref<20x320xi32, #tpu.memory_space<hbm>>) target(%arg6 : memref<20x320xi32, #tpu.memory_space<vmem>>) target_semaphore(%run_scoped3A : memref<!tpu.dma_semaphore, #tpu.memory_space<semaphore_mem>>)
      %dma_wait3A_80 = arith.constant 0 : i32
      %dma_wait3A_81 = arith.constant 0 : i32
      %dma_wait3A_82 = tpu.memref_slice %arg2[%add3A, %dma_wait3A_80, %dma_wait3A_81] : memref<32x20x320xi32, #tpu.memory_space<hbm>> -> memref<1x20x320xi32, #tpu.memory_space<hbm>>
      %dma_wait3A_83 = tpu.memref_squeeze %dma_wait3A_82 : memref<1x20x320xi32, #tpu.memory_space<hbm>> -> memref<20x320xi32, #tpu.memory_space<hbm>>
      %dma_wait3A_84 = arith.constant 0 : i32
      %dma_wait3A_85 = arith.constant 0 : i32
      %dma_wait3A_86 = tpu.memref_slice %arg2[%add3A, %dma_wait3A_84, %dma_wait3A_85] : memref<32x20x320xi32, #tpu.memory_space<hbm>> -> memref<1x20x320xi32, #tpu.memory_space<hbm>>
      %dma_wait3A_87 = tpu.memref_squeeze %dma_wait3A_86 : memref<1x20x320xi32, #tpu.memory_space<hbm>> -> memref<20x320xi32, #tpu.memory_space<hbm>>
      tpu.wait_dma2 semaphore(%run_scoped3A : memref<!tpu.dma_semaphore, #tpu.memory_space<semaphore_mem>>) src(%dma_wait3A_87 : memref<20x320xi32, #tpu.memory_space<hbm>>) dst(%arg6 : memref<20x320xi32, #tpu.memory_space<vmem>>)
      tpu.yield
    }) : () -> ()
    "tpu.region"() ({
      %run_scoped3A = tpu.sem_alloc : memref<!tpu.dma_semaphore, #tpu.memory_space<semaphore_mem>>
      %dma_start3A_72 = arith.constant 0 : i32
      %dma_start3A_73 = arith.constant 0 : i32
      %dma_start3A_74 = tpu.memref_slice %arg3[%add3A, %dma_start3A_72, %dma_start3A_73] : memref<32x20x320xi32, #tpu.memory_space<hbm>> -> memref<1x20x320xi32, #tpu.memory_space<hbm>>
      %dma_start3A_75 = tpu.memref_squeeze %dma_start3A_74 : memref<1x20x320xi32, #tpu.memory_space<hbm>> -> memref<20x320xi32, #tpu.memory_space<hbm>>
      %dma_start3A_76 = arith.constant 0 : i32
      %dma_start3A_77 = arith.constant 0 : i32
      %dma_start3A_78 = tpu.memref_slice %arg3[%add3A, %dma_start3A_76, %dma_start3A_77] : memref<32x20x320xi32, #tpu.memory_space<hbm>> -> memref<1x20x320xi32, #tpu.memory_space<hbm>>
      %dma_start3A_79 = tpu.memref_squeeze %dma_start3A_78 : memref<1x20x320xi32, #tpu.memory_space<hbm>> -> memref<20x320xi32, #tpu.memory_space<hbm>>
      tpu.enqueue_dma source(%dma_start3A_79 : memref<20x320xi32, #tpu.memory_space<hbm>>) target(%arg7 : memref<20x320xi32, #tpu.memory_space<vmem>>) target_semaphore(%run_scoped3A : memref<!tpu.dma_semaphore, #tpu.memory_space<semaphore_mem>>)
      %dma_wait3A_80 = arith.constant 0 : i32
      %dma_wait3A_81 = arith.constant 0 : i32
      %dma_wait3A_82 = tpu.memref_slice %arg3[%add3A, %dma_wait3A_80, %dma_wait3A_81] : memref<32x20x320xi32, #tpu.memory_space<hbm>> -> memref<1x20x320xi32, #tpu.memory_space<hbm>>
      %dma_wait3A_83 = tpu.memref_squeeze %dma_wait3A_82 : memref<1x20x320xi32, #tpu.memory_space<hbm>> -> memref<20x320xi32, #tpu.memory_space<hbm>>
      %dma_wait3A_84 = arith.constant 0 : i32
      %dma_wait3A_85 = arith.constant 0 : i32
      %dma_wait3A_86 = tpu.memref_slice %arg3[%add3A, %dma_wait3A_84, %dma_wait3A_85] : memref<32x20x320xi32, #tpu.memory_space<hbm>> -> memref<1x20x320xi32, #tpu.memory_space<hbm>>
      %dma_wait3A_87 = tpu.memref_squeeze %dma_wait3A_86 : memref<1x20x320xi32, #tpu.memory_space<hbm>> -> memref<20x320xi32, #tpu.memory_space<hbm>>
      tpu.wait_dma2 semaphore(%run_scoped3A : memref<!tpu.dma_semaphore, #tpu.memory_space<semaphore_mem>>) src(%dma_wait3A_87 : memref<20x320xi32, #tpu.memory_space<hbm>>) dst(%arg7 : memref<20x320xi32, #tpu.memory_space<vmem>>)
      tpu.yield
    }) : () -> ()
    %dma_start3A = arith.constant 0 : i32
    %dma_start3A_3 = arith.constant 0 : i32
    %dma_start3A_4 = arith.constant 0 : i32
    %dma_start3A_5 = arith.constant 0 : i32
    %dma_start3A_6 = arith.constant 0 : i32
    %dma_start3A_7 = tpu.memref_slice %arg8[%dma_start3A_3, %dma_start3A_5, %dma_start3A_6] : memref<2x320x128xf32, #tpu.memory_space<vmem>> -> memref<1x320x128xf32, #tpu.memory_space<vmem>>
    %dma_start3A_8 = tpu.memref_squeeze %dma_start3A_7 : memref<1x320x128xf32, #tpu.memory_space<vmem>> -> memref<320x128xf32, #tpu.memory_space<vmem>>
    %dma_start3A_9 = arith.constant 0 : i32
    %dma_start3A_10 = tpu.memref_slice %arg6[%dma_start3A, %dma_start3A_9] : memref<20x320xi32, #tpu.memory_space<vmem>> -> memref<1x320xi32, #tpu.memory_space<vmem>>
    %dma_start3A_11 = tpu.memref_squeeze %dma_start3A_10 : memref<1x320xi32, #tpu.memory_space<vmem>> -> memref<320xi32, #tpu.memory_space<vmem>>
    %dma_start3A_12 = arith.constant 0 : i32
    %dma_start3A_13 = arith.constant 0 : i32
    %dma_start3A_14 = tpu.memref_slice %arg4[%dma_start3A_12, %dma_start3A_13] : memref<253952x128xf32, #tpu.memory_space<hbm>> -> memref<253952x128xf32, #tpu.memory_space<hbm>>
    %dma_start3A_15 = tpu.memref_slice %arg10[%dma_start3A_4] : memref<2x!tpu.dma_semaphore, #tpu.memory_space<semaphore_mem>> -> memref<1x!tpu.dma_semaphore, #tpu.memory_space<semaphore_mem>>
    %dma_start3A_16 = tpu.memref_squeeze %dma_start3A_15 : memref<1x!tpu.dma_semaphore, #tpu.memory_space<semaphore_mem>> -> memref<!tpu.dma_semaphore, #tpu.memory_space<semaphore_mem>>
    tpu.enqueue_indirect_dma source(%dma_start3A_14 : memref<253952x128xf32, #tpu.memory_space<hbm>>) target(%dma_start3A_8 : memref<320x128xf32, #tpu.memory_space<vmem>>) offsets(%dma_start3A_11 : memref<320xi32, #tpu.memory_space<vmem>>) semaphore(%dma_start3A_16 : memref<!tpu.dma_semaphore, #tpu.memory_space<semaphore_mem>>)
    %dma_start3A_17 = arith.constant 1 : i32
    %dma_start3A_18 = arith.constant 1 : i32
    %dma_start3A_19 = arith.constant 1 : i32
    %dma_start3A_20 = arith.constant 0 : i32
    %dma_start3A_21 = arith.constant 0 : i32
    %dma_start3A_22 = tpu.memref_slice %arg8[%dma_start3A_18, %dma_start3A_20, %dma_start3A_21] : memref<2x320x128xf32, #tpu.memory_space<vmem>> -> memref<1x320x128xf32, #tpu.memory_space<vmem>>
    %dma_start3A_23 = tpu.memref_squeeze %dma_start3A_22 : memref<1x320x128xf32, #tpu.memory_space<vmem>> -> memref<320x128xf32, #tpu.memory_space<vmem>>
    %dma_start3A_24 = arith.constant 0 : i32
    %dma_start3A_25 = tpu.memref_slice %arg6[%dma_start3A_17, %dma_start3A_24] : memref<20x320xi32, #tpu.memory_space<vmem>> -> memref<1x320xi32, #tpu.memory_space<vmem>>
    %dma_start3A_26 = tpu.memref_squeeze %dma_start3A_25 : memref<1x320xi32, #tpu.memory_space<vmem>> -> memref<320xi32, #tpu.memory_space<vmem>>
    %dma_start3A_27 = arith.constant 0 : i32
    %dma_start3A_28 = arith.constant 0 : i32
    %dma_start3A_29 = tpu.memref_slice %arg4[%dma_start3A_27, %dma_start3A_28] : memref<253952x128xf32, #tpu.memory_space<hbm>> -> memref<253952x128xf32, #tpu.memory_space<hbm>>
    %dma_start3A_30 = tpu.memref_slice %arg10[%dma_start3A_19] : memref<2x!tpu.dma_semaphore, #tpu.memory_space<semaphore_mem>> -> memref<1x!tpu.dma_semaphore, #tpu.memory_space<semaphore_mem>>
    %dma_start3A_31 = tpu.memref_squeeze %dma_start3A_30 : memref<1x!tpu.dma_semaphore, #tpu.memory_space<semaphore_mem>> -> memref<!tpu.dma_semaphore, #tpu.memory_space<semaphore_mem>>
    tpu.enqueue_indirect_dma source(%dma_start3A_29 : memref<253952x128xf32, #tpu.memory_space<hbm>>) target(%dma_start3A_23 : memref<320x128xf32, #tpu.memory_space<vmem>>) offsets(%dma_start3A_26 : memref<320xi32, #tpu.memory_space<vmem>>) semaphore(%dma_start3A_31 : memref<!tpu.dma_semaphore, #tpu.memory_space<semaphore_mem>>)
    %scan3A = arith.constant 0 : i32
    %scan3A_32 = arith.constant 0 : i32
    %scan3A_33 = arith.constant 10 : i32
    %scan3A_34 = arith.addi %scan3A_32, %scan3A_33 : i32
    %scan3A_35 = arith.constant 1 : i32
    scf.for %scan3A_72 = %scan3A_32 to %scan3A_34 step %scan3A_35  : i32 {
      %mul3A_73 = arith.constant 2 : i32
      %mul3A_74 = arith.muli %scan3A_72, %mul3A_73 : i32
      %add3A_75 = arith.constant 0 : i32
      %add3A_76 = arith.addi %mul3A_74, %add3A_75 : i32
      %dma_wait3A_77 = arith.constant 0 : i32
      %dma_wait3A_78 = arith.constant 0 : i32
      %dma_wait3A_79 = arith.constant 0 : i32
      %dma_wait3A_80 = arith.constant 0 : i32
      %dma_wait3A_81 = tpu.memref_slice %arg8[%dma_wait3A_77, %dma_wait3A_79, %dma_wait3A_80] : memref<2x320x128xf32, #tpu.memory_space<vmem>> -> memref<1x320x128xf32, #tpu.memory_space<vmem>>
      %dma_wait3A_82 = tpu.memref_squeeze %dma_wait3A_81 : memref<1x320x128xf32, #tpu.memory_space<vmem>> -> memref<320x128xf32, #tpu.memory_space<vmem>>
      %dma_wait3A_83 = arith.constant 0 : i32
      %dma_wait3A_84 = tpu.memref_slice %arg6[%add3A_76, %dma_wait3A_83] : memref<20x320xi32, #tpu.memory_space<vmem>> -> memref<1x320xi32, #tpu.memory_space<vmem>>
      %dma_wait3A_85 = tpu.memref_squeeze %dma_wait3A_84 : memref<1x320xi32, #tpu.memory_space<vmem>> -> memref<320xi32, #tpu.memory_space<vmem>>
      %dma_wait3A_86 = arith.constant 0 : i32
      %dma_wait3A_87 = arith.constant 0 : i32
      %dma_wait3A_88 = tpu.memref_slice %arg4[%dma_wait3A_86, %dma_wait3A_87] : memref<253952x128xf32, #tpu.memory_space<hbm>> -> memref<253952x128xf32, #tpu.memory_space<hbm>>
      %dma_wait3A_89 = tpu.memref_slice %arg10[%dma_wait3A_78] : memref<2x!tpu.dma_semaphore, #tpu.memory_space<semaphore_mem>> -> memref<1x!tpu.dma_semaphore, #tpu.memory_space<semaphore_mem>>
      %dma_wait3A_90 = tpu.memref_squeeze %dma_wait3A_89 : memref<1x!tpu.dma_semaphore, #tpu.memory_space<semaphore_mem>> -> memref<!tpu.dma_semaphore, #tpu.memory_space<semaphore_mem>>
      tpu.wait_indirect_dma semaphore(%dma_wait3A_90 : memref<!tpu.dma_semaphore, #tpu.memory_space<semaphore_mem>>) src(%dma_wait3A_88 : memref<253952x128xf32, #tpu.memory_space<hbm>>) dst(%dma_wait3A_82 : memref<320x128xf32, #tpu.memory_space<vmem>>)
      %ge3A = arith.constant 2 : i32
      %ge3A_91 = arith.cmpi sge, %add3A_76, %ge3A : i32
      %convert_element_type3A = arith.extui %ge3A_91 : i1 to i32
      %cond3A = arith.constant 0 : i32
      %cond3A_92 = arith.cmpi ne, %convert_element_type3A, %cond3A : i32
      scf.if %cond3A_92 {
        %sub3A = arith.constant 2 : i32
        %sub3A_176 = arith.subi %add3A_76, %sub3A : i32
        %mul3A_177 = arith.constant 320 : i32
        %mul3A_178 = arith.muli %sub3A_176, %mul3A_177 : i32
        %add3A_179 = arith.addi %mul3A_2, %mul3A_178 : i32
        %dma_wait3A_180 = arith.constant 0 : i32
        %dma_wait3A_181 = arith.constant 0 : i32
        %dma_wait3A_182 = arith.constant 0 : i32
        %dma_wait3A_183 = arith.constant 0 : i32
        %dma_wait3A_184 = tpu.memref_slice %arg9[%dma_wait3A_180, %dma_wait3A_182, %dma_wait3A_183] : memref<2x32x320xf32, #tpu.memory_space<vmem>> -> memref<1x32x320xf32, #tpu.memory_space<vmem>>
        %dma_wait3A_185 = tpu.memref_squeeze %dma_wait3A_184 : memref<1x32x320xf32, #tpu.memory_space<vmem>> -> memref<32x320xf32, #tpu.memory_space<vmem>>
        %dma_wait3A_186 = arith.constant 0 : i32
        %dma_wait3A_187 = tpu.memref_slice %arg5[%dma_wait3A_186, %add3A_179] : memref<32x204800xf32, #tpu.memory_space<hbm>> -> memref<32x320xf32, #tpu.memory_space<hbm>>
        %dma_wait3A_188 = tpu.memref_slice %arg11[%dma_wait3A_181] : memref<2x!tpu.dma_semaphore, #tpu.memory_space<semaphore_mem>> -> memref<1x!tpu.dma_semaphore, #tpu.memory_space<semaphore_mem>>
        %dma_wait3A_189 = tpu.memref_squeeze %dma_wait3A_188 : memref<1x!tpu.dma_semaphore, #tpu.memory_space<semaphore_mem>> -> memref<!tpu.dma_semaphore, #tpu.memory_space<semaphore_mem>>
        %dma_wait3A_190 = arith.constant 0 : i32
        %dma_wait3A_191 = tpu.memref_slice %arg5[%dma_wait3A_190, %add3A_179] : memref<32x204800xf32, #tpu.memory_space<hbm>> -> memref<32x320xf32, #tpu.memory_space<hbm>>
        %dma_wait3A_192 = arith.constant 0 : i32
        %dma_wait3A_193 = arith.constant 0 : i32
        %dma_wait3A_194 = tpu.memref_slice %arg9[%dma_wait3A_180, %dma_wait3A_192, %dma_wait3A_193] : memref<2x32x320xf32, #tpu.memory_space<vmem>> -> memref<1x32x320xf32, #tpu.memory_space<vmem>>
        %dma_wait3A_195 = tpu.memref_squeeze %dma_wait3A_194 : memref<1x32x320xf32, #tpu.memory_space<vmem>> -> memref<32x320xf32, #tpu.memory_space<vmem>>
        tpu.wait_dma2 semaphore(%dma_wait3A_189 : memref<!tpu.dma_semaphore, #tpu.memory_space<semaphore_mem>>) src(%dma_wait3A_195 : memref<32x320xf32, #tpu.memory_space<vmem>>) dst(%dma_wait3A_191 : memref<32x320xf32, #tpu.memory_space<hbm>>)
      } else {
      }
      %parallel_loop3A = arith.constant 0 : i32
      %parallel_loop3A_93 = arith.constant 20 : i32
      %parallel_loop3A_94 = arith.constant 1 : i32
      %parallel_loop3A_95 = arith.constant 0 : i32
      %parallel_loop3A_96 = arith.constant 0 : i32
      scf.for %parallel_loop3A_176 = %parallel_loop3A to %parallel_loop3A_93 step %parallel_loop3A_94  : i32 {
        %parallel_loop3A_177 = tpu.iota {dimensions = array<i32: 0>} : vector<16xi32>
        %parallel_loop3A_178 = arith.constant 16 : i32
        %parallel_loop3A_179 = arith.muli %parallel_loop3A_176, %parallel_loop3A_178 : i32
        %parallel_loop3A_180 = vector.broadcast %parallel_loop3A_179 : i32 to vector<16xi32>
        %parallel_loop3A_181 = arith.addi %parallel_loop3A_177, %parallel_loop3A_180 : vector<16xi32>
        %parallel_loop3A_182 = arith.constant 16 : i32
        %parallel_loop3A_183 = arith.muli %parallel_loop3A_176, %parallel_loop3A_182 : i32
        %parallel_loop3A_184 = arith.index_cast %add3A_76 : i32 to index
        %parallel_loop3A_185 = arith.index_cast %parallel_loop3A_183 : i32 to index
        %parallel_loop3A_186 = tpu.vector_load %arg7[%parallel_loop3A_184, %parallel_loop3A_185] {strides = array<i32>} : memref<20x320xi32, #tpu.memory_space<vmem>>, vector<16xi32>,
        %parallel_loop3A_187 = arith.constant 0 : i32
        %parallel_loop3A_188 = vector.broadcast %parallel_loop3A_187 : i32 to vector<16xi32>
        %parallel_loop3A_189 = arith.addi %parallel_loop3A_186, %parallel_loop3A_188 : vector<16xi32>
        %parallel_loop3A_190 = arith.constant 0 : i32
        %parallel_loop3A_191 = arith.constant 0 : i32
        %parallel_loop3A_192 = tpu.memref_slice %arg8[%parallel_loop3A_95, %parallel_loop3A_190, %parallel_loop3A_191] : memref<2x320x128xf32, #tpu.memory_space<vmem>> -> memref<1x320x128xf32, #tpu.memory_space<vmem>>
        %parallel_loop3A_193 = tpu.memref_squeeze %parallel_loop3A_192 : memref<1x320x128xf32, #tpu.memory_space<vmem>> -> memref<320x128xf32, #tpu.memory_space<vmem>>
        %parallel_loop3A_194 = tpu.vector_load_idx %parallel_loop3A_193[%parallel_loop3A_181, %parallel_loop3A_189] : memref<320x128xf32, #tpu.memory_space<vmem>>[vector<16xi32>, vector<16xi32>], vector<16xf32>,
        %parallel_loop3A_195 = arith.constant 16 : i32
        %parallel_loop3A_196 = arith.muli %parallel_loop3A_176, %parallel_loop3A_195 : i32
        %parallel_loop3A_197 = arith.constant 0 : i32
        %parallel_loop3A_198 = arith.constant 0 : i32
        %parallel_loop3A_199 = arith.constant 0 : i32
        %parallel_loop3A_200 = tpu.memref_slice %arg9[%parallel_loop3A_96, %parallel_loop3A_198, %parallel_loop3A_199] : memref<2x32x320xf32, #tpu.memory_space<vmem>> -> memref<1x32x320xf32, #tpu.memory_space<vmem>>
        %parallel_loop3A_201 = tpu.memref_squeeze %parallel_loop3A_200 : memref<1x32x320xf32, #tpu.memory_space<vmem>> -> memref<32x320xf32, #tpu.memory_space<vmem>>
        %parallel_loop3A_202 = arith.index_cast %parallel_loop3A_197 : i32 to index
        %parallel_loop3A_203 = arith.index_cast %parallel_loop3A_196 : i32 to index
        %parallel_loop3A_204 = tpu.vector_load %parallel_loop3A_201[%parallel_loop3A_202, %parallel_loop3A_203] {strides = array<i32>} : memref<32x320xf32, #tpu.memory_space<vmem>>, vector<16xf32>,
        tpu.vector_store %parallel_loop3A_201[%parallel_loop3A_202, %parallel_loop3A_203], %parallel_loop3A_194 {strides = array<i32>} : memref<32x320xf32, #tpu.memory_space<vmem>>, vector<16xf32>,
        %parallel_loop3A_205 = arith.constant 1 : i32
        %parallel_loop3A_206 = vector.broadcast %parallel_loop3A_205 : i32 to vector<16xi32>
        %parallel_loop3A_207 = arith.addi %parallel_loop3A_186, %parallel_loop3A_206 : vector<16xi32>
        %parallel_loop3A_208 = arith.constant 0 : i32
        %parallel_loop3A_209 = arith.constant 0 : i32
        %parallel_loop3A_210 = tpu.memref_slice %arg8[%parallel_loop3A_95, %parallel_loop3A_208, %parallel_loop3A_209] : memref<2x320x128xf32, #tpu.memory_space<vmem>> -> memref<1x320x128xf32, #tpu.memory_space<vmem>>
        %parallel_loop3A_211 = tpu.memref_squeeze %parallel_loop3A_210 : memref<1x320x128xf32, #tpu.memory_space<vmem>> -> memref<320x128xf32, #tpu.memory_space<vmem>>
        %parallel_loop3A_212 = tpu.vector_load_idx %parallel_loop3A_211[%parallel_loop3A_181, %parallel_loop3A_207] : memref<320x128xf32, #tpu.memory_space<vmem>>[vector<16xi32>, vector<16xi32>], vector<16xf32>,
        %parallel_loop3A_213 = arith.constant 16 : i32
        %parallel_loop3A_214 = arith.muli %parallel_loop3A_176, %parallel_loop3A_213 : i32
        %parallel_loop3A_215 = arith.constant 1 : i32
        %parallel_loop3A_216 = arith.constant 0 : i32
        %parallel_loop3A_217 = arith.constant 0 : i32
        %parallel_loop3A_218 = tpu.memref_slice %arg9[%parallel_loop3A_96, %parallel_loop3A_216, %parallel_loop3A_217] : memref<2x32x320xf32, #tpu.memory_space<vmem>> -> memref<1x32x320xf32, #tpu.memory_space<vmem>>
        %parallel_loop3A_219 = tpu.memref_squeeze %parallel_loop3A_218 : memref<1x32x320xf32, #tpu.memory_space<vmem>> -> memref<32x320xf32, #tpu.memory_space<vmem>>
        %parallel_loop3A_220 = arith.index_cast %parallel_loop3A_215 : i32 to index
        %parallel_loop3A_221 = arith.index_cast %parallel_loop3A_214 : i32 to index
        %parallel_loop3A_222 = tpu.vector_load %parallel_loop3A_219[%parallel_loop3A_220, %parallel_loop3A_221] {strides = array<i32>} : memref<32x320xf32, #tpu.memory_space<vmem>>, vector<16xf32>,
        tpu.vector_store %parallel_loop3A_219[%parallel_loop3A_220, %parallel_loop3A_221], %parallel_loop3A_212 {strides = array<i32>} : memref<32x320xf32, #tpu.memory_space<vmem>>, vector<16xf32>,
        %parallel_loop3A_223 = arith.constant 2 : i32
        %parallel_loop3A_224 = vector.broadcast %parallel_loop3A_223 : i32 to vector<16xi32>
        %parallel_loop3A_225 = arith.addi %parallel_loop3A_186, %parallel_loop3A_224 : vector<16xi32>
        %parallel_loop3A_226 = arith.constant 0 : i32
        %parallel_loop3A_227 = arith.constant 0 : i32
        %parallel_loop3A_228 = tpu.memref_slice %arg8[%parallel_loop3A_95, %parallel_loop3A_226, %parallel_loop3A_227] : memref<2x320x128xf32, #tpu.memory_space<vmem>> -> memref<1x320x128xf32, #tpu.memory_space<vmem>>
        %parallel_loop3A_229 = tpu.memref_squeeze %parallel_loop3A_228 : memref<1x320x128xf32, #tpu.memory_space<vmem>> -> memref<320x128xf32, #tpu.memory_space<vmem>>
        %parallel_loop3A_230 = tpu.vector_load_idx %parallel_loop3A_229[%parallel_loop3A_181, %parallel_loop3A_225] : memref<320x128xf32, #tpu.memory_space<vmem>>[vector<16xi32>, vector<16xi32>], vector<16xf32>,
        %parallel_loop3A_231 = arith.constant 16 : i32
        %parallel_loop3A_232 = arith.muli %parallel_loop3A_176, %parallel_loop3A_231 : i32
        %parallel_loop3A_233 = arith.constant 2 : i32
        %parallel_loop3A_234 = arith.constant 0 : i32
        %parallel_loop3A_235 = arith.constant 0 : i32
        %parallel_loop3A_236 = tpu.memref_slice %arg9[%parallel_loop3A_96, %parallel_loop3A_234, %parallel_loop3A_235] : memref<2x32x320xf32, #tpu.memory_space<vmem>> -> memref<1x32x320xf32, #tpu.memory_space<vmem>>
        %parallel_loop3A_237 = tpu.memref_squeeze %parallel_loop3A_236 : memref<1x32x320xf32, #tpu.memory_space<vmem>> -> memref<32x320xf32, #tpu.memory_space<vmem>>
        %parallel_loop3A_238 = arith.index_cast %parallel_loop3A_233 : i32 to index
        %parallel_loop3A_239 = arith.index_cast %parallel_loop3A_232 : i32 to index
        %parallel_loop3A_240 = tpu.vector_load %parallel_loop3A_237[%parallel_loop3A_238, %parallel_loop3A_239] {strides = array<i32>} : memref<32x320xf32, #tpu.memory_space<vmem>>, vector<16xf32>,
        tpu.vector_store %parallel_loop3A_237[%parallel_loop3A_238, %parallel_loop3A_239], %parallel_loop3A_230 {strides = array<i32>} : memref<32x320xf32, #tpu.memory_space<vmem>>, vector<16xf32>,
        %parallel_loop3A_241 = arith.constant 3 : i32
        %parallel_loop3A_242 = vector.broadcast %parallel_loop3A_241 : i32 to vector<16xi32>
        %parallel_loop3A_243 = arith.addi %parallel_loop3A_186, %parallel_loop3A_242 : vector<16xi32>
        %parallel_loop3A_244 = arith.constant 0 : i32
        %parallel_loop3A_245 = arith.constant 0 : i32
        %parallel_loop3A_246 = tpu.memref_slice %arg8[%parallel_loop3A_95, %parallel_loop3A_244, %parallel_loop3A_245] : memref<2x320x128xf32, #tpu.memory_space<vmem>> -> memref<1x320x128xf32, #tpu.memory_space<vmem>>
        %parallel_loop3A_247 = tpu.memref_squeeze %parallel_loop3A_246 : memref<1x320x128xf32, #tpu.memory_space<vmem>> -> memref<320x128xf32, #tpu.memory_space<vmem>>
        %parallel_loop3A_248 = tpu.vector_load_idx %parallel_loop3A_247[%parallel_loop3A_181, %parallel_loop3A_243] : memref<320x128xf32, #tpu.memory_space<vmem>>[vector<16xi32>, vector<16xi32>], vector<16xf32>,
        %parallel_loop3A_249 = arith.constant 16 : i32
        %parallel_loop3A_250 = arith.muli %parallel_loop3A_176, %parallel_loop3A_249 : i32
        %parallel_loop3A_251 = arith.constant 3 : i32
        %parallel_loop3A_252 = arith.constant 0 : i32
        %parallel_loop3A_253 = arith.constant 0 : i32
        %parallel_loop3A_254 = tpu.memref_slice %arg9[%parallel_loop3A_96, %parallel_loop3A_252, %parallel_loop3A_253] : memref<2x32x320xf32, #tpu.memory_space<vmem>> -> memref<1x32x320xf32, #tpu.memory_space<vmem>>
        %parallel_loop3A_255 = tpu.memref_squeeze %parallel_loop3A_254 : memref<1x32x320xf32, #tpu.memory_space<vmem>> -> memref<32x320xf32, #tpu.memory_space<vmem>>
        %parallel_loop3A_256 = arith.index_cast %parallel_loop3A_251 : i32 to index
        %parallel_loop3A_257 = arith.index_cast %parallel_loop3A_250 : i32 to index
        %parallel_loop3A_258 = tpu.vector_load %parallel_loop3A_255[%parallel_loop3A_256, %parallel_loop3A_257] {strides = array<i32>} : memref<32x320xf32, #tpu.memory_space<vmem>>, vector<16xf32>,
        tpu.vector_store %parallel_loop3A_255[%parallel_loop3A_256, %parallel_loop3A_257], %parallel_loop3A_248 {strides = array<i32>} : memref<32x320xf32, #tpu.memory_space<vmem>>, vector<16xf32>,
        %parallel_loop3A_259 = arith.constant 4 : i32
        %parallel_loop3A_260 = vector.broadcast %parallel_loop3A_259 : i32 to vector<16xi32>
        %parallel_loop3A_261 = arith.addi %parallel_loop3A_186, %parallel_loop3A_260 : vector<16xi32>
        %parallel_loop3A_262 = arith.constant 0 : i32
        %parallel_loop3A_263 = arith.constant 0 : i32
        %parallel_loop3A_264 = tpu.memref_slice %arg8[%parallel_loop3A_95, %parallel_loop3A_262, %parallel_loop3A_263] : memref<2x320x128xf32, #tpu.memory_space<vmem>> -> memref<1x320x128xf32, #tpu.memory_space<vmem>>
        %parallel_loop3A_265 = tpu.memref_squeeze %parallel_loop3A_264 : memref<1x320x128xf32, #tpu.memory_space<vmem>> -> memref<320x128xf32, #tpu.memory_space<vmem>>
        %parallel_loop3A_266 = tpu.vector_load_idx %parallel_loop3A_265[%parallel_loop3A_181, %parallel_loop3A_261] : memref<320x128xf32, #tpu.memory_space<vmem>>[vector<16xi32>, vector<16xi32>], vector<16xf32>,
        %parallel_loop3A_267 = arith.constant 16 : i32
        %parallel_loop3A_268 = arith.muli %parallel_loop3A_176, %parallel_loop3A_267 : i32
        %parallel_loop3A_269 = arith.constant 4 : i32
        %parallel_loop3A_270 = arith.constant 0 : i32
        %parallel_loop3A_271 = arith.constant 0 : i32
        %parallel_loop3A_272 = tpu.memref_slice %arg9[%parallel_loop3A_96, %parallel_loop3A_270, %parallel_loop3A_271] : memref<2x32x320xf32, #tpu.memory_space<vmem>> -> memref<1x32x320xf32, #tpu.memory_space<vmem>>
        %parallel_loop3A_273 = tpu.memref_squeeze %parallel_loop3A_272 : memref<1x32x320xf32, #tpu.memory_space<vmem>> -> memref<32x320xf32, #tpu.memory_space<vmem>>
        %parallel_loop3A_274 = arith.index_cast %parallel_loop3A_269 : i32 to index
        %parallel_loop3A_275 = arith.index_cast %parallel_loop3A_268 : i32 to index
        %parallel_loop3A_276 = tpu.vector_load %parallel_loop3A_273[%parallel_loop3A_274, %parallel_loop3A_275] {strides = array<i32>} : memref<32x320xf32, #tpu.memory_space<vmem>>, vector<16xf32>,
        tpu.vector_store %parallel_loop3A_273[%parallel_loop3A_274, %parallel_loop3A_275], %parallel_loop3A_266 {strides = array<i32>} : memref<32x320xf32, #tpu.memory_space<vmem>>, vector<16xf32>,
        %parallel_loop3A_277 = arith.constant 5 : i32
        %parallel_loop3A_278 = vector.broadcast %parallel_loop3A_277 : i32 to vector<16xi32>
        %parallel_loop3A_279 = arith.addi %parallel_loop3A_186, %parallel_loop3A_278 : vector<16xi32>
        %parallel_loop3A_280 = arith.constant 0 : i32
        %parallel_loop3A_281 = arith.constant 0 : i32
        %parallel_loop3A_282 = tpu.memref_slice %arg8[%parallel_loop3A_95, %parallel_loop3A_280, %parallel_loop3A_281] : memref<2x320x128xf32, #tpu.memory_space<vmem>> -> memref<1x320x128xf32, #tpu.memory_space<vmem>>
        %parallel_loop3A_283 = tpu.memref_squeeze %parallel_loop3A_282 : memref<1x320x128xf32, #tpu.memory_space<vmem>> -> memref<320x128xf32, #tpu.memory_space<vmem>>
        %parallel_loop3A_284 = tpu.vector_load_idx %parallel_loop3A_283[%parallel_loop3A_181, %parallel_loop3A_279] : memref<320x128xf32, #tpu.memory_space<vmem>>[vector<16xi32>, vector<16xi32>], vector<16xf32>,
        %parallel_loop3A_285 = arith.constant 16 : i32
        %parallel_loop3A_286 = arith.muli %parallel_loop3A_176, %parallel_loop3A_285 : i32
        %parallel_loop3A_287 = arith.constant 5 : i32
        %parallel_loop3A_288 = arith.constant 0 : i32
        %parallel_loop3A_289 = arith.constant 0 : i32
        %parallel_loop3A_290 = tpu.memref_slice %arg9[%parallel_loop3A_96, %parallel_loop3A_288, %parallel_loop3A_289] : memref<2x32x320xf32, #tpu.memory_space<vmem>> -> memref<1x32x320xf32, #tpu.memory_space<vmem>>
        %parallel_loop3A_291 = tpu.memref_squeeze %parallel_loop3A_290 : memref<1x32x320xf32, #tpu.memory_space<vmem>> -> memref<32x320xf32, #tpu.memory_space<vmem>>
        %parallel_loop3A_292 = arith.index_cast %parallel_loop3A_287 : i32 to index
        %parallel_loop3A_293 = arith.index_cast %parallel_loop3A_286 : i32 to index
        %parallel_loop3A_294 = tpu.vector_load %parallel_loop3A_291[%parallel_loop3A_292, %parallel_loop3A_293] {strides = array<i32>} : memref<32x320xf32, #tpu.memory_space<vmem>>, vector<16xf32>,
        tpu.vector_store %parallel_loop3A_291[%parallel_loop3A_292, %parallel_loop3A_293], %parallel_loop3A_284 {strides = array<i32>} : memref<32x320xf32, #tpu.memory_space<vmem>>, vector<16xf32>,
        %parallel_loop3A_295 = arith.constant 6 : i32
        %parallel_loop3A_296 = vector.broadcast %parallel_loop3A_295 : i32 to vector<16xi32>
        %parallel_loop3A_297 = arith.addi %parallel_loop3A_186, %parallel_loop3A_296 : vector<16xi32>
        %parallel_loop3A_298 = arith.constant 0 : i32
        %parallel_loop3A_299 = arith.constant 0 : i32
        %parallel_loop3A_300 = tpu.memref_slice %arg8[%parallel_loop3A_95, %parallel_loop3A_298, %parallel_loop3A_299] : memref<2x320x128xf32, #tpu.memory_space<vmem>> -> memref<1x320x128xf32, #tpu.memory_space<vmem>>
        %parallel_loop3A_301 = tpu.memref_squeeze %parallel_loop3A_300 : memref<1x320x128xf32, #tpu.memory_space<vmem>> -> memref<320x128xf32, #tpu.memory_space<vmem>>
        %parallel_loop3A_302 = tpu.vector_load_idx %parallel_loop3A_301[%parallel_loop3A_181, %parallel_loop3A_297] : memref<320x128xf32, #tpu.memory_space<vmem>>[vector<16xi32>, vector<16xi32>], vector<16xf32>,
        %parallel_loop3A_303 = arith.constant 16 : i32
        %parallel_loop3A_304 = arith.muli %parallel_loop3A_176, %parallel_loop3A_303 : i32
        %parallel_loop3A_305 = arith.constant 6 : i32
        %parallel_loop3A_306 = arith.constant 0 : i32
        %parallel_loop3A_307 = arith.constant 0 : i32
        %parallel_loop3A_308 = tpu.memref_slice %arg9[%parallel_loop3A_96, %parallel_loop3A_306, %parallel_loop3A_307] : memref<2x32x320xf32, #tpu.memory_space<vmem>> -> memref<1x32x320xf32, #tpu.memory_space<vmem>>
        %parallel_loop3A_309 = tpu.memref_squeeze %parallel_loop3A_308 : memref<1x32x320xf32, #tpu.memory_space<vmem>> -> memref<32x320xf32, #tpu.memory_space<vmem>>
        %parallel_loop3A_310 = arith.index_cast %parallel_loop3A_305 : i32 to index
        %parallel_loop3A_311 = arith.index_cast %parallel_loop3A_304 : i32 to index
        %parallel_loop3A_312 = tpu.vector_load %parallel_loop3A_309[%parallel_loop3A_310, %parallel_loop3A_311] {strides = array<i32>} : memref<32x320xf32, #tpu.memory_space<vmem>>, vector<16xf32>,
        tpu.vector_store %parallel_loop3A_309[%parallel_loop3A_310, %parallel_loop3A_311], %parallel_loop3A_302 {strides = array<i32>} : memref<32x320xf32, #tpu.memory_space<vmem>>, vector<16xf32>,
        %parallel_loop3A_313 = arith.constant 7 : i32
        %parallel_loop3A_314 = vector.broadcast %parallel_loop3A_313 : i32 to vector<16xi32>
        %parallel_loop3A_315 = arith.addi %parallel_loop3A_186, %parallel_loop3A_314 : vector<16xi32>
        %parallel_loop3A_316 = arith.constant 0 : i32
        %parallel_loop3A_317 = arith.constant 0 : i32
        %parallel_loop3A_318 = tpu.memref_slice %arg8[%parallel_loop3A_95, %parallel_loop3A_316, %parallel_loop3A_317] : memref<2x320x128xf32, #tpu.memory_space<vmem>> -> memref<1x320x128xf32, #tpu.memory_space<vmem>>
        %parallel_loop3A_319 = tpu.memref_squeeze %parallel_loop3A_318 : memref<1x320x128xf32, #tpu.memory_space<vmem>> -> memref<320x128xf32, #tpu.memory_space<vmem>>
        %parallel_loop3A_320 = tpu.vector_load_idx %parallel_loop3A_319[%parallel_loop3A_181, %parallel_loop3A_315] : memref<320x128xf32, #tpu.memory_space<vmem>>[vector<16xi32>, vector<16xi32>], vector<16xf32>,
        %parallel_loop3A_321 = arith.constant 16 : i32
        %parallel_loop3A_322 = arith.muli %parallel_loop3A_176, %parallel_loop3A_321 : i32
        %parallel_loop3A_323 = arith.constant 7 : i32
        %parallel_loop3A_324 = arith.constant 0 : i32
        %parallel_loop3A_325 = arith.constant 0 : i32
        %parallel_loop3A_326 = tpu.memref_slice %arg9[%parallel_loop3A_96, %parallel_loop3A_324, %parallel_loop3A_325] : memref<2x32x320xf32, #tpu.memory_space<vmem>> -> memref<1x32x320xf32, #tpu.memory_space<vmem>>
        %parallel_loop3A_327 = tpu.memref_squeeze %parallel_loop3A_326 : memref<1x32x320xf32, #tpu.memory_space<vmem>> -> memref<32x320xf32, #tpu.memory_space<vmem>>
        %parallel_loop3A_328 = arith.index_cast %parallel_loop3A_323 : i32 to index
        %parallel_loop3A_329 = arith.index_cast %parallel_loop3A_322 : i32 to index
        %parallel_loop3A_330 = tpu.vector_load %parallel_loop3A_327[%parallel_loop3A_328, %parallel_loop3A_329] {strides = array<i32>} : memref<32x320xf32, #tpu.memory_space<vmem>>, vector<16xf32>,
        tpu.vector_store %parallel_loop3A_327[%parallel_loop3A_328, %parallel_loop3A_329], %parallel_loop3A_320 {strides = array<i32>} : memref<32x320xf32, #tpu.memory_space<vmem>>, vector<16xf32>,
        %parallel_loop3A_331 = arith.constant 8 : i32
        %parallel_loop3A_332 = vector.broadcast %parallel_loop3A_331 : i32 to vector<16xi32>
        %parallel_loop3A_333 = arith.addi %parallel_loop3A_186, %parallel_loop3A_332 : vector<16xi32>
        %parallel_loop3A_334 = arith.constant 0 : i32
        %parallel_loop3A_335 = arith.constant 0 : i32
        %parallel_loop3A_336 = tpu.memref_slice %arg8[%parallel_loop3A_95, %parallel_loop3A_334, %parallel_loop3A_335] : memref<2x320x128xf32, #tpu.memory_space<vmem>> -> memref<1x320x128xf32, #tpu.memory_space<vmem>>
        %parallel_loop3A_337 = tpu.memref_squeeze %parallel_loop3A_336 : memref<1x320x128xf32, #tpu.memory_space<vmem>> -> memref<320x128xf32, #tpu.memory_space<vmem>>
        %parallel_loop3A_338 = tpu.vector_load_idx %parallel_loop3A_337[%parallel_loop3A_181, %parallel_loop3A_333] : memref<320x128xf32, #tpu.memory_space<vmem>>[vector<16xi32>, vector<16xi32>], vector<16xf32>,
        %parallel_loop3A_339 = arith.constant 16 : i32
        %parallel_loop3A_340 = arith.muli %parallel_loop3A_176, %parallel_loop3A_339 : i32
        %parallel_loop3A_341 = arith.constant 8 : i32
        %parallel_loop3A_342 = arith.constant 0 : i32
        %parallel_loop3A_343 = arith.constant 0 : i32
        %parallel_loop3A_344 = tpu.memref_slice %arg9[%parallel_loop3A_96, %parallel_loop3A_342, %parallel_loop3A_343] : memref<2x32x320xf32, #tpu.memory_space<vmem>> -> memref<1x32x320xf32, #tpu.memory_space<vmem>>
        %parallel_loop3A_345 = tpu.memref_squeeze %parallel_loop3A_344 : memref<1x32x320xf32, #tpu.memory_space<vmem>> -> memref<32x320xf32, #tpu.memory_space<vmem>>
        %parallel_loop3A_346 = arith.index_cast %parallel_loop3A_341 : i32 to index
        %parallel_loop3A_347 = arith.index_cast %parallel_loop3A_340 : i32 to index
        %parallel_loop3A_348 = tpu.vector_load %parallel_loop3A_345[%parallel_loop3A_346, %parallel_loop3A_347] {strides = array<i32>} : memref<32x320xf32, #tpu.memory_space<vmem>>, vector<16xf32>,
        tpu.vector_store %parallel_loop3A_345[%parallel_loop3A_346, %parallel_loop3A_347], %parallel_loop3A_338 {strides = array<i32>} : memref<32x320xf32, #tpu.memory_space<vmem>>, vector<16xf32>,
        %parallel_loop3A_349 = arith.constant 9 : i32
        %parallel_loop3A_350 = vector.broadcast %parallel_loop3A_349 : i32 to vector<16xi32>
        %parallel_loop3A_351 = arith.addi %parallel_loop3A_186, %parallel_loop3A_350 : vector<16xi32>
        %parallel_loop3A_352 = arith.constant 0 : i32
        %parallel_loop3A_353 = arith.constant 0 : i32
        %parallel_loop3A_354 = tpu.memref_slice %arg8[%parallel_loop3A_95, %parallel_loop3A_352, %parallel_loop3A_353] : memref<2x320x128xf32, #tpu.memory_space<vmem>> -> memref<1x320x128xf32, #tpu.memory_space<vmem>>
        %parallel_loop3A_355 = tpu.memref_squeeze %parallel_loop3A_354 : memref<1x320x128xf32, #tpu.memory_space<vmem>> -> memref<320x128xf32, #tpu.memory_space<vmem>>
        %parallel_loop3A_356 = tpu.vector_load_idx %parallel_loop3A_355[%parallel_loop3A_181, %parallel_loop3A_351] : memref<320x128xf32, #tpu.memory_space<vmem>>[vector<16xi32>, vector<16xi32>], vector<16xf32>,
        %parallel_loop3A_357 = arith.constant 16 : i32
        %parallel_loop3A_358 = arith.muli %parallel_loop3A_176, %parallel_loop3A_357 : i32
        %parallel_loop3A_359 = arith.constant 9 : i32
        %parallel_loop3A_360 = arith.constant 0 : i32
        %parallel_loop3A_361 = arith.constant 0 : i32
        %parallel_loop3A_362 = tpu.memref_slice %arg9[%parallel_loop3A_96, %parallel_loop3A_360, %parallel_loop3A_361] : memref<2x32x320xf32, #tpu.memory_space<vmem>> -> memref<1x32x320xf32, #tpu.memory_space<vmem>>
        %parallel_loop3A_363 = tpu.memref_squeeze %parallel_loop3A_362 : memref<1x32x320xf32, #tpu.memory_space<vmem>> -> memref<32x320xf32, #tpu.memory_space<vmem>>
        %parallel_loop3A_364 = arith.index_cast %parallel_loop3A_359 : i32 to index
        %parallel_loop3A_365 = arith.index_cast %parallel_loop3A_358 : i32 to index
        %parallel_loop3A_366 = tpu.vector_load %parallel_loop3A_363[%parallel_loop3A_364, %parallel_loop3A_365] {strides = array<i32>} : memref<32x320xf32, #tpu.memory_space<vmem>>, vector<16xf32>,
        tpu.vector_store %parallel_loop3A_363[%parallel_loop3A_364, %parallel_loop3A_365], %parallel_loop3A_356 {strides = array<i32>} : memref<32x320xf32, #tpu.memory_space<vmem>>, vector<16xf32>,
        %parallel_loop3A_367 = arith.constant 10 : i32
        %parallel_loop3A_368 = vector.broadcast %parallel_loop3A_367 : i32 to vector<16xi32>
        %parallel_loop3A_369 = arith.addi %parallel_loop3A_186, %parallel_loop3A_368 : vector<16xi32>
        %parallel_loop3A_370 = arith.constant 0 : i32
        %parallel_loop3A_371 = arith.constant 0 : i32
        %parallel_loop3A_372 = tpu.memref_slice %arg8[%parallel_loop3A_95, %parallel_loop3A_370, %parallel_loop3A_371] : memref<2x320x128xf32, #tpu.memory_space<vmem>> -> memref<1x320x128xf32, #tpu.memory_space<vmem>>
        %parallel_loop3A_373 = tpu.memref_squeeze %parallel_loop3A_372 : memref<1x320x128xf32, #tpu.memory_space<vmem>> -> memref<320x128xf32, #tpu.memory_space<vmem>>
        %parallel_loop3A_374 = tpu.vector_load_idx %parallel_loop3A_373[%parallel_loop3A_181, %parallel_loop3A_369] : memref<320x128xf32, #tpu.memory_space<vmem>>[vector<16xi32>, vector<16xi32>], vector<16xf32>,
        %parallel_loop3A_375 = arith.constant 16 : i32
        %parallel_loop3A_376 = arith.muli %parallel_loop3A_176, %parallel_loop3A_375 : i32
        %parallel_loop3A_377 = arith.constant 10 : i32
        %parallel_loop3A_378 = arith.constant 0 : i32
        %parallel_loop3A_379 = arith.constant 0 : i32
        %parallel_loop3A_380 = tpu.memref_slice %arg9[%parallel_loop3A_96, %parallel_loop3A_378, %parallel_loop3A_379] : memref<2x32x320xf32, #tpu.memory_space<vmem>> -> memref<1x32x320xf32, #tpu.memory_space<vmem>>
        %parallel_loop3A_381 = tpu.memref_squeeze %parallel_loop3A_380 : memref<1x32x320xf32, #tpu.memory_space<vmem>> -> memref<32x320xf32, #tpu.memory_space<vmem>>
        %parallel_loop3A_382 = arith.index_cast %parallel_loop3A_377 : i32 to index
        %parallel_loop3A_383 = arith.index_cast %parallel_loop3A_376 : i32 to index
        %parallel_loop3A_384 = tpu.vector_load %parallel_loop3A_381[%parallel_loop3A_382, %parallel_loop3A_383] {strides = array<i32>} : memref<32x320xf32, #tpu.memory_space<vmem>>, vector<16xf32>,
        tpu.vector_store %parallel_loop3A_381[%parallel_loop3A_382, %parallel_loop3A_383], %parallel_loop3A_374 {strides = array<i32>} : memref<32x320xf32, #tpu.memory_space<vmem>>, vector<16xf32>,
        %parallel_loop3A_385 = arith.constant 11 : i32
        %parallel_loop3A_386 = vector.broadcast %parallel_loop3A_385 : i32 to vector<16xi32>
        %parallel_loop3A_387 = arith.addi %parallel_loop3A_186, %parallel_loop3A_386 : vector<16xi32>
        %parallel_loop3A_388 = arith.constant 0 : i32
        %parallel_loop3A_389 = arith.constant 0 : i32
        %parallel_loop3A_390 = tpu.memref_slice %arg8[%parallel_loop3A_95, %parallel_loop3A_388, %parallel_loop3A_389] : memref<2x320x128xf32, #tpu.memory_space<vmem>> -> memref<1x320x128xf32, #tpu.memory_space<vmem>>
        %parallel_loop3A_391 = tpu.memref_squeeze %parallel_loop3A_390 : memref<1x320x128xf32, #tpu.memory_space<vmem>> -> memref<320x128xf32, #tpu.memory_space<vmem>>
        %parallel_loop3A_392 = tpu.vector_load_idx %parallel_loop3A_391[%parallel_loop3A_181, %parallel_loop3A_387] : memref<320x128xf32, #tpu.memory_space<vmem>>[vector<16xi32>, vector<16xi32>], vector<16xf32>,
        %parallel_loop3A_393 = arith.constant 16 : i32
        %parallel_loop3A_394 = arith.muli %parallel_loop3A_176, %parallel_loop3A_393 : i32
        %parallel_loop3A_395 = arith.constant 11 : i32
        %parallel_loop3A_396 = arith.constant 0 : i32
        %parallel_loop3A_397 = arith.constant 0 : i32
        %parallel_loop3A_398 = tpu.memref_slice %arg9[%parallel_loop3A_96, %parallel_loop3A_396, %parallel_loop3A_397] : memref<2x32x320xf32, #tpu.memory_space<vmem>> -> memref<1x32x320xf32, #tpu.memory_space<vmem>>
        %parallel_loop3A_399 = tpu.memref_squeeze %parallel_loop3A_398 : memref<1x32x320xf32, #tpu.memory_space<vmem>> -> memref<32x320xf32, #tpu.memory_space<vmem>>
        %parallel_loop3A_400 = arith.index_cast %parallel_loop3A_395 : i32 to index
        %parallel_loop3A_401 = arith.index_cast %parallel_loop3A_394 : i32 to index
        %parallel_loop3A_402 = tpu.vector_load %parallel_loop3A_399[%parallel_loop3A_400, %parallel_loop3A_401] {strides = array<i32>} : memref<32x320xf32, #tpu.memory_space<vmem>>, vector<16xf32>,
        tpu.vector_store %parallel_loop3A_399[%parallel_loop3A_400, %parallel_loop3A_401], %parallel_loop3A_392 {strides = array<i32>} : memref<32x320xf32, #tpu.memory_space<vmem>>, vector<16xf32>,
        %parallel_loop3A_403 = arith.constant 12 : i32
        %parallel_loop3A_404 = vector.broadcast %parallel_loop3A_403 : i32 to vector<16xi32>
        %parallel_loop3A_405 = arith.addi %parallel_loop3A_186, %parallel_loop3A_404 : vector<16xi32>
        %parallel_loop3A_406 = arith.constant 0 : i32
        %parallel_loop3A_407 = arith.constant 0 : i32
        %parallel_loop3A_408 = tpu.memref_slice %arg8[%parallel_loop3A_95, %parallel_loop3A_406, %parallel_loop3A_407] : memref<2x320x128xf32, #tpu.memory_space<vmem>> -> memref<1x320x128xf32, #tpu.memory_space<vmem>>
        %parallel_loop3A_409 = tpu.memref_squeeze %parallel_loop3A_408 : memref<1x320x128xf32, #tpu.memory_space<vmem>> -> memref<320x128xf32, #tpu.memory_space<vmem>>
        %parallel_loop3A_410 = tpu.vector_load_idx %parallel_loop3A_409[%parallel_loop3A_181, %parallel_loop3A_405] : memref<320x128xf32, #tpu.memory_space<vmem>>[vector<16xi32>, vector<16xi32>], vector<16xf32>,
        %parallel_loop3A_411 = arith.constant 16 : i32
        %parallel_loop3A_412 = arith.muli %parallel_loop3A_176, %parallel_loop3A_411 : i32
        %parallel_loop3A_413 = arith.constant 12 : i32
        %parallel_loop3A_414 = arith.constant 0 : i32
        %parallel_loop3A_415 = arith.constant 0 : i32
        %parallel_loop3A_416 = tpu.memref_slice %arg9[%parallel_loop3A_96, %parallel_loop3A_414, %parallel_loop3A_415] : memref<2x32x320xf32, #tpu.memory_space<vmem>> -> memref<1x32x320xf32, #tpu.memory_space<vmem>>
        %parallel_loop3A_417 = tpu.memref_squeeze %parallel_loop3A_416 : memref<1x32x320xf32, #tpu.memory_space<vmem>> -> memref<32x320xf32, #tpu.memory_space<vmem>>
        %parallel_loop3A_418 = arith.index_cast %parallel_loop3A_413 : i32 to index
        %parallel_loop3A_419 = arith.index_cast %parallel_loop3A_412 : i32 to index
        %parallel_loop3A_420 = tpu.vector_load %parallel_loop3A_417[%parallel_loop3A_418, %parallel_loop3A_419] {strides = array<i32>} : memref<32x320xf32, #tpu.memory_space<vmem>>, vector<16xf32>,
        tpu.vector_store %parallel_loop3A_417[%parallel_loop3A_418, %parallel_loop3A_419], %parallel_loop3A_410 {strides = array<i32>} : memref<32x320xf32, #tpu.memory_space<vmem>>, vector<16xf32>,
        %parallel_loop3A_421 = arith.constant 13 : i32
        %parallel_loop3A_422 = vector.broadcast %parallel_loop3A_421 : i32 to vector<16xi32>
        %parallel_loop3A_423 = arith.addi %parallel_loop3A_186, %parallel_loop3A_422 : vector<16xi32>
        %parallel_loop3A_424 = arith.constant 0 : i32
        %parallel_loop3A_425 = arith.constant 0 : i32
        %parallel_loop3A_426 = tpu.memref_slice %arg8[%parallel_loop3A_95, %parallel_loop3A_424, %parallel_loop3A_425] : memref<2x320x128xf32, #tpu.memory_space<vmem>> -> memref<1x320x128xf32, #tpu.memory_space<vmem>>
        %parallel_loop3A_427 = tpu.memref_squeeze %parallel_loop3A_426 : memref<1x320x128xf32, #tpu.memory_space<vmem>> -> memref<320x128xf32, #tpu.memory_space<vmem>>
        %parallel_loop3A_428 = tpu.vector_load_idx %parallel_loop3A_427[%parallel_loop3A_181, %parallel_loop3A_423] : memref<320x128xf32, #tpu.memory_space<vmem>>[vector<16xi32>, vector<16xi32>], vector<16xf32>,
        %parallel_loop3A_429 = arith.constant 16 : i32
        %parallel_loop3A_430 = arith.muli %parallel_loop3A_176, %parallel_loop3A_429 : i32
        %parallel_loop3A_431 = arith.constant 13 : i32
        %parallel_loop3A_432 = arith.constant 0 : i32
        %parallel_loop3A_433 = arith.constant 0 : i32
        %parallel_loop3A_434 = tpu.memref_slice %arg9[%parallel_loop3A_96, %parallel_loop3A_432, %parallel_loop3A_433] : memref<2x32x320xf32, #tpu.memory_space<vmem>> -> memref<1x32x320xf32, #tpu.memory_space<vmem>>
        %parallel_loop3A_435 = tpu.memref_squeeze %parallel_loop3A_434 : memref<1x32x320xf32, #tpu.memory_space<vmem>> -> memref<32x320xf32, #tpu.memory_space<vmem>>
        %parallel_loop3A_436 = arith.index_cast %parallel_loop3A_431 : i32 to index
        %parallel_loop3A_437 = arith.index_cast %parallel_loop3A_430 : i32 to index
        %parallel_loop3A_438 = tpu.vector_load %parallel_loop3A_435[%parallel_loop3A_436, %parallel_loop3A_437] {strides = array<i32>} : memref<32x320xf32, #tpu.memory_space<vmem>>, vector<16xf32>,
        tpu.vector_store %parallel_loop3A_435[%parallel_loop3A_436, %parallel_loop3A_437], %parallel_loop3A_428 {strides = array<i32>} : memref<32x320xf32, #tpu.memory_space<vmem>>, vector<16xf32>,
        %parallel_loop3A_439 = arith.constant 14 : i32
        %parallel_loop3A_440 = vector.broadcast %parallel_loop3A_439 : i32 to vector<16xi32>
        %parallel_loop3A_441 = arith.addi %parallel_loop3A_186, %parallel_loop3A_440 : vector<16xi32>
        %parallel_loop3A_442 = arith.constant 0 : i32
        %parallel_loop3A_443 = arith.constant 0 : i32
        %parallel_loop3A_444 = tpu.memref_slice %arg8[%parallel_loop3A_95, %parallel_loop3A_442, %parallel_loop3A_443] : memref<2x320x128xf32, #tpu.memory_space<vmem>> -> memref<1x320x128xf32, #tpu.memory_space<vmem>>
        %parallel_loop3A_445 = tpu.memref_squeeze %parallel_loop3A_444 : memref<1x320x128xf32, #tpu.memory_space<vmem>> -> memref<320x128xf32, #tpu.memory_space<vmem>>
        %parallel_loop3A_446 = tpu.vector_load_idx %parallel_loop3A_445[%parallel_loop3A_181, %parallel_loop3A_441] : memref<320x128xf32, #tpu.memory_space<vmem>>[vector<16xi32>, vector<16xi32>], vector<16xf32>,
        %parallel_loop3A_447 = arith.constant 16 : i32
        %parallel_loop3A_448 = arith.muli %parallel_loop3A_176, %parallel_loop3A_447 : i32
        %parallel_loop3A_449 = arith.constant 14 : i32
        %parallel_loop3A_450 = arith.constant 0 : i32
        %parallel_loop3A_451 = arith.constant 0 : i32
        %parallel_loop3A_452 = tpu.memref_slice %arg9[%parallel_loop3A_96, %parallel_loop3A_450, %parallel_loop3A_451] : memref<2x32x320xf32, #tpu.memory_space<vmem>> -> memref<1x32x320xf32, #tpu.memory_space<vmem>>
        %parallel_loop3A_453 = tpu.memref_squeeze %parallel_loop3A_452 : memref<1x32x320xf32, #tpu.memory_space<vmem>> -> memref<32x320xf32, #tpu.memory_space<vmem>>
        %parallel_loop3A_454 = arith.index_cast %parallel_loop3A_449 : i32 to index
        %parallel_loop3A_455 = arith.index_cast %parallel_loop3A_448 : i32 to index
        %parallel_loop3A_456 = tpu.vector_load %parallel_loop3A_453[%parallel_loop3A_454, %parallel_loop3A_455] {strides = array<i32>} : memref<32x320xf32, #tpu.memory_space<vmem>>, vector<16xf32>,
        tpu.vector_store %parallel_loop3A_453[%parallel_loop3A_454, %parallel_loop3A_455], %parallel_loop3A_446 {strides = array<i32>} : memref<32x320xf32, #tpu.memory_space<vmem>>, vector<16xf32>,
        %parallel_loop3A_457 = arith.constant 15 : i32
        %parallel_loop3A_458 = vector.broadcast %parallel_loop3A_457 : i32 to vector<16xi32>
        %parallel_loop3A_459 = arith.addi %parallel_loop3A_186, %parallel_loop3A_458 : vector<16xi32>
        %parallel_loop3A_460 = arith.constant 0 : i32
        %parallel_loop3A_461 = arith.constant 0 : i32
        %parallel_loop3A_462 = tpu.memref_slice %arg8[%parallel_loop3A_95, %parallel_loop3A_460, %parallel_loop3A_461] : memref<2x320x128xf32, #tpu.memory_space<vmem>> -> memref<1x320x128xf32, #tpu.memory_space<vmem>>
        %parallel_loop3A_463 = tpu.memref_squeeze %parallel_loop3A_462 : memref<1x320x128xf32, #tpu.memory_space<vmem>> -> memref<320x128xf32, #tpu.memory_space<vmem>>
        %parallel_loop3A_464 = tpu.vector_load_idx %parallel_loop3A_463[%parallel_loop3A_181, %parallel_loop3A_459] : memref<320x128xf32, #tpu.memory_space<vmem>>[vector<16xi32>, vector<16xi32>], vector<16xf32>,
        %parallel_loop3A_465 = arith.constant 16 : i32
        %parallel_loop3A_466 = arith.muli %parallel_loop3A_176, %parallel_loop3A_465 : i32
        %parallel_loop3A_467 = arith.constant 15 : i32
        %parallel_loop3A_468 = arith.constant 0 : i32
        %parallel_loop3A_469 = arith.constant 0 : i32
        %parallel_loop3A_470 = tpu.memref_slice %arg9[%parallel_loop3A_96, %parallel_loop3A_468, %parallel_loop3A_469] : memref<2x32x320xf32, #tpu.memory_space<vmem>> -> memref<1x32x320xf32, #tpu.memory_space<vmem>>
        %parallel_loop3A_471 = tpu.memref_squeeze %parallel_loop3A_470 : memref<1x32x320xf32, #tpu.memory_space<vmem>> -> memref<32x320xf32, #tpu.memory_space<vmem>>
        %parallel_loop3A_472 = arith.index_cast %parallel_loop3A_467 : i32 to index
        %parallel_loop3A_473 = arith.index_cast %parallel_loop3A_466 : i32 to index
        %parallel_loop3A_474 = tpu.vector_load %parallel_loop3A_471[%parallel_loop3A_472, %parallel_loop3A_473] {strides = array<i32>} : memref<32x320xf32, #tpu.memory_space<vmem>>, vector<16xf32>,
        tpu.vector_store %parallel_loop3A_471[%parallel_loop3A_472, %parallel_loop3A_473], %parallel_loop3A_464 {strides = array<i32>} : memref<32x320xf32, #tpu.memory_space<vmem>>, vector<16xf32>,
        %parallel_loop3A_475 = arith.constant 16 : i32
        %parallel_loop3A_476 = vector.broadcast %parallel_loop3A_475 : i32 to vector<16xi32>
        %parallel_loop3A_477 = arith.addi %parallel_loop3A_186, %parallel_loop3A_476 : vector<16xi32>
        %parallel_loop3A_478 = arith.constant 0 : i32
        %parallel_loop3A_479 = arith.constant 0 : i32
        %parallel_loop3A_480 = tpu.memref_slice %arg8[%parallel_loop3A_95, %parallel_loop3A_478, %parallel_loop3A_479] : memref<2x320x128xf32, #tpu.memory_space<vmem>> -> memref<1x320x128xf32, #tpu.memory_space<vmem>>
        %parallel_loop3A_481 = tpu.memref_squeeze %parallel_loop3A_480 : memref<1x320x128xf32, #tpu.memory_space<vmem>> -> memref<320x128xf32, #tpu.memory_space<vmem>>
        %parallel_loop3A_482 = tpu.vector_load_idx %parallel_loop3A_481[%parallel_loop3A_181, %parallel_loop3A_477] : memref<320x128xf32, #tpu.memory_space<vmem>>[vector<16xi32>, vector<16xi32>], vector<16xf32>,
        %parallel_loop3A_483 = arith.constant 16 : i32
        %parallel_loop3A_484 = arith.muli %parallel_loop3A_176, %parallel_loop3A_483 : i32
        %parallel_loop3A_485 = arith.constant 16 : i32
        %parallel_loop3A_486 = arith.constant 0 : i32
        %parallel_loop3A_487 = arith.constant 0 : i32
        %parallel_loop3A_488 = tpu.memref_slice %arg9[%parallel_loop3A_96, %parallel_loop3A_486, %parallel_loop3A_487] : memref<2x32x320xf32, #tpu.memory_space<vmem>> -> memref<1x32x320xf32, #tpu.memory_space<vmem>>
        %parallel_loop3A_489 = tpu.memref_squeeze %parallel_loop3A_488 : memref<1x32x320xf32, #tpu.memory_space<vmem>> -> memref<32x320xf32, #tpu.memory_space<vmem>>
        %parallel_loop3A_490 = arith.index_cast %parallel_loop3A_485 : i32 to index
        %parallel_loop3A_491 = arith.index_cast %parallel_loop3A_484 : i32 to index
        %parallel_loop3A_492 = tpu.vector_load %parallel_loop3A_489[%parallel_loop3A_490, %parallel_loop3A_491] {strides = array<i32>} : memref<32x320xf32, #tpu.memory_space<vmem>>, vector<16xf32>,
        tpu.vector_store %parallel_loop3A_489[%parallel_loop3A_490, %parallel_loop3A_491], %parallel_loop3A_482 {strides = array<i32>} : memref<32x320xf32, #tpu.memory_space<vmem>>, vector<16xf32>,
        %parallel_loop3A_493 = arith.constant 17 : i32
        %parallel_loop3A_494 = vector.broadcast %parallel_loop3A_493 : i32 to vector<16xi32>
        %parallel_loop3A_495 = arith.addi %parallel_loop3A_186, %parallel_loop3A_494 : vector<16xi32>
        %parallel_loop3A_496 = arith.constant 0 : i32
        %parallel_loop3A_497 = arith.constant 0 : i32
        %parallel_loop3A_498 = tpu.memref_slice %arg8[%parallel_loop3A_95, %parallel_loop3A_496, %parallel_loop3A_497] : memref<2x320x128xf32, #tpu.memory_space<vmem>> -> memref<1x320x128xf32, #tpu.memory_space<vmem>>
        %parallel_loop3A_499 = tpu.memref_squeeze %parallel_loop3A_498 : memref<1x320x128xf32, #tpu.memory_space<vmem>> -> memref<320x128xf32, #tpu.memory_space<vmem>>
        %parallel_loop3A_500 = tpu.vector_load_idx %parallel_loop3A_499[%parallel_loop3A_181, %parallel_loop3A_495] : memref<320x128xf32, #tpu.memory_space<vmem>>[vector<16xi32>, vector<16xi32>], vector<16xf32>,
        %parallel_loop3A_501 = arith.constant 16 : i32
        %parallel_loop3A_502 = arith.muli %parallel_loop3A_176, %parallel_loop3A_501 : i32
        %parallel_loop3A_503 = arith.constant 17 : i32
        %parallel_loop3A_504 = arith.constant 0 : i32
        %parallel_loop3A_505 = arith.constant 0 : i32
        %parallel_loop3A_506 = tpu.memref_slice %arg9[%parallel_loop3A_96, %parallel_loop3A_504, %parallel_loop3A_505] : memref<2x32x320xf32, #tpu.memory_space<vmem>> -> memref<1x32x320xf32, #tpu.memory_space<vmem>>
        %parallel_loop3A_507 = tpu.memref_squeeze %parallel_loop3A_506 : memref<1x32x320xf32, #tpu.memory_space<vmem>> -> memref<32x320xf32, #tpu.memory_space<vmem>>
        %parallel_loop3A_508 = arith.index_cast %parallel_loop3A_503 : i32 to index
        %parallel_loop3A_509 = arith.index_cast %parallel_loop3A_502 : i32 to index
        %parallel_loop3A_510 = tpu.vector_load %parallel_loop3A_507[%parallel_loop3A_508, %parallel_loop3A_509] {strides = array<i32>} : memref<32x320xf32, #tpu.memory_space<vmem>>, vector<16xf32>,
        tpu.vector_store %parallel_loop3A_507[%parallel_loop3A_508, %parallel_loop3A_509], %parallel_loop3A_500 {strides = array<i32>} : memref<32x320xf32, #tpu.memory_space<vmem>>, vector<16xf32>,
        %parallel_loop3A_511 = arith.constant 18 : i32
        %parallel_loop3A_512 = vector.broadcast %parallel_loop3A_511 : i32 to vector<16xi32>
        %parallel_loop3A_513 = arith.addi %parallel_loop3A_186, %parallel_loop3A_512 : vector<16xi32>
        %parallel_loop3A_514 = arith.constant 0 : i32
        %parallel_loop3A_515 = arith.constant 0 : i32
        %parallel_loop3A_516 = tpu.memref_slice %arg8[%parallel_loop3A_95, %parallel_loop3A_514, %parallel_loop3A_515] : memref<2x320x128xf32, #tpu.memory_space<vmem>> -> memref<1x320x128xf32, #tpu.memory_space<vmem>>
        %parallel_loop3A_517 = tpu.memref_squeeze %parallel_loop3A_516 : memref<1x320x128xf32, #tpu.memory_space<vmem>> -> memref<320x128xf32, #tpu.memory_space<vmem>>
        %parallel_loop3A_518 = tpu.vector_load_idx %parallel_loop3A_517[%parallel_loop3A_181, %parallel_loop3A_513] : memref<320x128xf32, #tpu.memory_space<vmem>>[vector<16xi32>, vector<16xi32>], vector<16xf32>,
        %parallel_loop3A_519 = arith.constant 16 : i32
        %parallel_loop3A_520 = arith.muli %parallel_loop3A_176, %parallel_loop3A_519 : i32
        %parallel_loop3A_521 = arith.constant 18 : i32
        %parallel_loop3A_522 = arith.constant 0 : i32
        %parallel_loop3A_523 = arith.constant 0 : i32
        %parallel_loop3A_524 = tpu.memref_slice %arg9[%parallel_loop3A_96, %parallel_loop3A_522, %parallel_loop3A_523] : memref<2x32x320xf32, #tpu.memory_space<vmem>> -> memref<1x32x320xf32, #tpu.memory_space<vmem>>
        %parallel_loop3A_525 = tpu.memref_squeeze %parallel_loop3A_524 : memref<1x32x320xf32, #tpu.memory_space<vmem>> -> memref<32x320xf32, #tpu.memory_space<vmem>>
        %parallel_loop3A_526 = arith.index_cast %parallel_loop3A_521 : i32 to index
        %parallel_loop3A_527 = arith.index_cast %parallel_loop3A_520 : i32 to index
        %parallel_loop3A_528 = tpu.vector_load %parallel_loop3A_525[%parallel_loop3A_526, %parallel_loop3A_527] {strides = array<i32>} : memref<32x320xf32, #tpu.memory_space<vmem>>, vector<16xf32>,
        tpu.vector_store %parallel_loop3A_525[%parallel_loop3A_526, %parallel_loop3A_527], %parallel_loop3A_518 {strides = array<i32>} : memref<32x320xf32, #tpu.memory_space<vmem>>, vector<16xf32>,
        %parallel_loop3A_529 = arith.constant 19 : i32
        %parallel_loop3A_530 = vector.broadcast %parallel_loop3A_529 : i32 to vector<16xi32>
        %parallel_loop3A_531 = arith.addi %parallel_loop3A_186, %parallel_loop3A_530 : vector<16xi32>
        %parallel_loop3A_532 = arith.constant 0 : i32
        %parallel_loop3A_533 = arith.constant 0 : i32
        %parallel_loop3A_534 = tpu.memref_slice %arg8[%parallel_loop3A_95, %parallel_loop3A_532, %parallel_loop3A_533] : memref<2x320x128xf32, #tpu.memory_space<vmem>> -> memref<1x320x128xf32, #tpu.memory_space<vmem>>
        %parallel_loop3A_535 = tpu.memref_squeeze %parallel_loop3A_534 : memref<1x320x128xf32, #tpu.memory_space<vmem>> -> memref<320x128xf32, #tpu.memory_space<vmem>>
        %parallel_loop3A_536 = tpu.vector_load_idx %parallel_loop3A_535[%parallel_loop3A_181, %parallel_loop3A_531] : memref<320x128xf32, #tpu.memory_space<vmem>>[vector<16xi32>, vector<16xi32>], vector<16xf32>,
        %parallel_loop3A_537 = arith.constant 16 : i32
        %parallel_loop3A_538 = arith.muli %parallel_loop3A_176, %parallel_loop3A_537 : i32
        %parallel_loop3A_539 = arith.constant 19 : i32
        %parallel_loop3A_540 = arith.constant 0 : i32
        %parallel_loop3A_541 = arith.constant 0 : i32
        %parallel_loop3A_542 = tpu.memref_slice %arg9[%parallel_loop3A_96, %parallel_loop3A_540, %parallel_loop3A_541] : memref<2x32x320xf32, #tpu.memory_space<vmem>> -> memref<1x32x320xf32, #tpu.memory_space<vmem>>
        %parallel_loop3A_543 = tpu.memref_squeeze %parallel_loop3A_542 : memref<1x32x320xf32, #tpu.memory_space<vmem>> -> memref<32x320xf32, #tpu.memory_space<vmem>>
        %parallel_loop3A_544 = arith.index_cast %parallel_loop3A_539 : i32 to index
        %parallel_loop3A_545 = arith.index_cast %parallel_loop3A_538 : i32 to index
        %parallel_loop3A_546 = tpu.vector_load %parallel_loop3A_543[%parallel_loop3A_544, %parallel_loop3A_545] {strides = array<i32>} : memref<32x320xf32, #tpu.memory_space<vmem>>, vector<16xf32>,
        tpu.vector_store %parallel_loop3A_543[%parallel_loop3A_544, %parallel_loop3A_545], %parallel_loop3A_536 {strides = array<i32>} : memref<32x320xf32, #tpu.memory_space<vmem>>, vector<16xf32>,
        %parallel_loop3A_547 = arith.constant 20 : i32
        %parallel_loop3A_548 = vector.broadcast %parallel_loop3A_547 : i32 to vector<16xi32>
        %parallel_loop3A_549 = arith.addi %parallel_loop3A_186, %parallel_loop3A_548 : vector<16xi32>
        %parallel_loop3A_550 = arith.constant 0 : i32
        %parallel_loop3A_551 = arith.constant 0 : i32
        %parallel_loop3A_552 = tpu.memref_slice %arg8[%parallel_loop3A_95, %parallel_loop3A_550, %parallel_loop3A_551] : memref<2x320x128xf32, #tpu.memory_space<vmem>> -> memref<1x320x128xf32, #tpu.memory_space<vmem>>
        %parallel_loop3A_553 = tpu.memref_squeeze %parallel_loop3A_552 : memref<1x320x128xf32, #tpu.memory_space<vmem>> -> memref<320x128xf32, #tpu.memory_space<vmem>>
        %parallel_loop3A_554 = tpu.vector_load_idx %parallel_loop3A_553[%parallel_loop3A_181, %parallel_loop3A_549] : memref<320x128xf32, #tpu.memory_space<vmem>>[vector<16xi32>, vector<16xi32>], vector<16xf32>,
        %parallel_loop3A_555 = arith.constant 16 : i32
        %parallel_loop3A_556 = arith.muli %parallel_loop3A_176, %parallel_loop3A_555 : i32
        %parallel_loop3A_557 = arith.constant 20 : i32
        %parallel_loop3A_558 = arith.constant 0 : i32
        %parallel_loop3A_559 = arith.constant 0 : i32
        %parallel_loop3A_560 = tpu.memref_slice %arg9[%parallel_loop3A_96, %parallel_loop3A_558, %parallel_loop3A_559] : memref<2x32x320xf32, #tpu.memory_space<vmem>> -> memref<1x32x320xf32, #tpu.memory_space<vmem>>
        %parallel_loop3A_561 = tpu.memref_squeeze %parallel_loop3A_560 : memref<1x32x320xf32, #tpu.memory_space<vmem>> -> memref<32x320xf32, #tpu.memory_space<vmem>>
        %parallel_loop3A_562 = arith.index_cast %parallel_loop3A_557 : i32 to index
        %parallel_loop3A_563 = arith.index_cast %parallel_loop3A_556 : i32 to index
        %parallel_loop3A_564 = tpu.vector_load %parallel_loop3A_561[%parallel_loop3A_562, %parallel_loop3A_563] {strides = array<i32>} : memref<32x320xf32, #tpu.memory_space<vmem>>, vector<16xf32>,
        tpu.vector_store %parallel_loop3A_561[%parallel_loop3A_562, %parallel_loop3A_563], %parallel_loop3A_554 {strides = array<i32>} : memref<32x320xf32, #tpu.memory_space<vmem>>, vector<16xf32>,
        %parallel_loop3A_565 = arith.constant 21 : i32
        %parallel_loop3A_566 = vector.broadcast %parallel_loop3A_565 : i32 to vector<16xi32>
        %parallel_loop3A_567 = arith.addi %parallel_loop3A_186, %parallel_loop3A_566 : vector<16xi32>
        %parallel_loop3A_568 = arith.constant 0 : i32
        %parallel_loop3A_569 = arith.constant 0 : i32
        %parallel_loop3A_570 = tpu.memref_slice %arg8[%parallel_loop3A_95, %parallel_loop3A_568, %parallel_loop3A_569] : memref<2x320x128xf32, #tpu.memory_space<vmem>> -> memref<1x320x128xf32, #tpu.memory_space<vmem>>
        %parallel_loop3A_571 = tpu.memref_squeeze %parallel_loop3A_570 : memref<1x320x128xf32, #tpu.memory_space<vmem>> -> memref<320x128xf32, #tpu.memory_space<vmem>>
        %parallel_loop3A_572 = tpu.vector_load_idx %parallel_loop3A_571[%parallel_loop3A_181, %parallel_loop3A_567] : memref<320x128xf32, #tpu.memory_space<vmem>>[vector<16xi32>, vector<16xi32>], vector<16xf32>,
        %parallel_loop3A_573 = arith.constant 16 : i32
        %parallel_loop3A_574 = arith.muli %parallel_loop3A_176, %parallel_loop3A_573 : i32
        %parallel_loop3A_575 = arith.constant 21 : i32
        %parallel_loop3A_576 = arith.constant 0 : i32
        %parallel_loop3A_577 = arith.constant 0 : i32
        %parallel_loop3A_578 = tpu.memref_slice %arg9[%parallel_loop3A_96, %parallel_loop3A_576, %parallel_loop3A_577] : memref<2x32x320xf32, #tpu.memory_space<vmem>> -> memref<1x32x320xf32, #tpu.memory_space<vmem>>
        %parallel_loop3A_579 = tpu.memref_squeeze %parallel_loop3A_578 : memref<1x32x320xf32, #tpu.memory_space<vmem>> -> memref<32x320xf32, #tpu.memory_space<vmem>>
        %parallel_loop3A_580 = arith.index_cast %parallel_loop3A_575 : i32 to index
        %parallel_loop3A_581 = arith.index_cast %parallel_loop3A_574 : i32 to index
        %parallel_loop3A_582 = tpu.vector_load %parallel_loop3A_579[%parallel_loop3A_580, %parallel_loop3A_581] {strides = array<i32>} : memref<32x320xf32, #tpu.memory_space<vmem>>, vector<16xf32>,
        tpu.vector_store %parallel_loop3A_579[%parallel_loop3A_580, %parallel_loop3A_581], %parallel_loop3A_572 {strides = array<i32>} : memref<32x320xf32, #tpu.memory_space<vmem>>, vector<16xf32>,
        %parallel_loop3A_583 = arith.constant 22 : i32
        %parallel_loop3A_584 = vector.broadcast %parallel_loop3A_583 : i32 to vector<16xi32>
        %parallel_loop3A_585 = arith.addi %parallel_loop3A_186, %parallel_loop3A_584 : vector<16xi32>
        %parallel_loop3A_586 = arith.constant 0 : i32
        %parallel_loop3A_587 = arith.constant 0 : i32
        %parallel_loop3A_588 = tpu.memref_slice %arg8[%parallel_loop3A_95, %parallel_loop3A_586, %parallel_loop3A_587] : memref<2x320x128xf32, #tpu.memory_space<vmem>> -> memref<1x320x128xf32, #tpu.memory_space<vmem>>
        %parallel_loop3A_589 = tpu.memref_squeeze %parallel_loop3A_588 : memref<1x320x128xf32, #tpu.memory_space<vmem>> -> memref<320x128xf32, #tpu.memory_space<vmem>>
        %parallel_loop3A_590 = tpu.vector_load_idx %parallel_loop3A_589[%parallel_loop3A_181, %parallel_loop3A_585] : memref<320x128xf32, #tpu.memory_space<vmem>>[vector<16xi32>, vector<16xi32>], vector<16xf32>,
        %parallel_loop3A_591 = arith.constant 16 : i32
        %parallel_loop3A_592 = arith.muli %parallel_loop3A_176, %parallel_loop3A_591 : i32
        %parallel_loop3A_593 = arith.constant 22 : i32
        %parallel_loop3A_594 = arith.constant 0 : i32
        %parallel_loop3A_595 = arith.constant 0 : i32
        %parallel_loop3A_596 = tpu.memref_slice %arg9[%parallel_loop3A_96, %parallel_loop3A_594, %parallel_loop3A_595] : memref<2x32x320xf32, #tpu.memory_space<vmem>> -> memref<1x32x320xf32, #tpu.memory_space<vmem>>
        %parallel_loop3A_597 = tpu.memref_squeeze %parallel_loop3A_596 : memref<1x32x320xf32, #tpu.memory_space<vmem>> -> memref<32x320xf32, #tpu.memory_space<vmem>>
        %parallel_loop3A_598 = arith.index_cast %parallel_loop3A_593 : i32 to index
        %parallel_loop3A_599 = arith.index_cast %parallel_loop3A_592 : i32 to index
        %parallel_loop3A_600 = tpu.vector_load %parallel_loop3A_597[%parallel_loop3A_598, %parallel_loop3A_599] {strides = array<i32>} : memref<32x320xf32, #tpu.memory_space<vmem>>, vector<16xf32>,
        tpu.vector_store %parallel_loop3A_597[%parallel_loop3A_598, %parallel_loop3A_599], %parallel_loop3A_590 {strides = array<i32>} : memref<32x320xf32, #tpu.memory_space<vmem>>, vector<16xf32>,
        %parallel_loop3A_601 = arith.constant 23 : i32
        %parallel_loop3A_602 = vector.broadcast %parallel_loop3A_601 : i32 to vector<16xi32>
        %parallel_loop3A_603 = arith.addi %parallel_loop3A_186, %parallel_loop3A_602 : vector<16xi32>
        %parallel_loop3A_604 = arith.constant 0 : i32
        %parallel_loop3A_605 = arith.constant 0 : i32
        %parallel_loop3A_606 = tpu.memref_slice %arg8[%parallel_loop3A_95, %parallel_loop3A_604, %parallel_loop3A_605] : memref<2x320x128xf32, #tpu.memory_space<vmem>> -> memref<1x320x128xf32, #tpu.memory_space<vmem>>
        %parallel_loop3A_607 = tpu.memref_squeeze %parallel_loop3A_606 : memref<1x320x128xf32, #tpu.memory_space<vmem>> -> memref<320x128xf32, #tpu.memory_space<vmem>>
        %parallel_loop3A_608 = tpu.vector_load_idx %parallel_loop3A_607[%parallel_loop3A_181, %parallel_loop3A_603] : memref<320x128xf32, #tpu.memory_space<vmem>>[vector<16xi32>, vector<16xi32>], vector<16xf32>,
        %parallel_loop3A_609 = arith.constant 16 : i32
        %parallel_loop3A_610 = arith.muli %parallel_loop3A_176, %parallel_loop3A_609 : i32
        %parallel_loop3A_611 = arith.constant 23 : i32
        %parallel_loop3A_612 = arith.constant 0 : i32
        %parallel_loop3A_613 = arith.constant 0 : i32
        %parallel_loop3A_614 = tpu.memref_slice %arg9[%parallel_loop3A_96, %parallel_loop3A_612, %parallel_loop3A_613] : memref<2x32x320xf32, #tpu.memory_space<vmem>> -> memref<1x32x320xf32, #tpu.memory_space<vmem>>
        %parallel_loop3A_615 = tpu.memref_squeeze %parallel_loop3A_614 : memref<1x32x320xf32, #tpu.memory_space<vmem>> -> memref<32x320xf32, #tpu.memory_space<vmem>>
        %parallel_loop3A_616 = arith.index_cast %parallel_loop3A_611 : i32 to index
        %parallel_loop3A_617 = arith.index_cast %parallel_loop3A_610 : i32 to index
        %parallel_loop3A_618 = tpu.vector_load %parallel_loop3A_615[%parallel_loop3A_616, %parallel_loop3A_617] {strides = array<i32>} : memref<32x320xf32, #tpu.memory_space<vmem>>, vector<16xf32>,
        tpu.vector_store %parallel_loop3A_615[%parallel_loop3A_616, %parallel_loop3A_617], %parallel_loop3A_608 {strides = array<i32>} : memref<32x320xf32, #tpu.memory_space<vmem>>, vector<16xf32>,
        %parallel_loop3A_619 = arith.constant 24 : i32
        %parallel_loop3A_620 = vector.broadcast %parallel_loop3A_619 : i32 to vector<16xi32>
        %parallel_loop3A_621 = arith.addi %parallel_loop3A_186, %parallel_loop3A_620 : vector<16xi32>
        %parallel_loop3A_622 = arith.constant 0 : i32
        %parallel_loop3A_623 = arith.constant 0 : i32
        %parallel_loop3A_624 = tpu.memref_slice %arg8[%parallel_loop3A_95, %parallel_loop3A_622, %parallel_loop3A_623] : memref<2x320x128xf32, #tpu.memory_space<vmem>> -> memref<1x320x128xf32, #tpu.memory_space<vmem>>
        %parallel_loop3A_625 = tpu.memref_squeeze %parallel_loop3A_624 : memref<1x320x128xf32, #tpu.memory_space<vmem>> -> memref<320x128xf32, #tpu.memory_space<vmem>>
        %parallel_loop3A_626 = tpu.vector_load_idx %parallel_loop3A_625[%parallel_loop3A_181, %parallel_loop3A_621] : memref<320x128xf32, #tpu.memory_space<vmem>>[vector<16xi32>, vector<16xi32>], vector<16xf32>,
        %parallel_loop3A_627 = arith.constant 16 : i32
        %parallel_loop3A_628 = arith.muli %parallel_loop3A_176, %parallel_loop3A_627 : i32
        %parallel_loop3A_629 = arith.constant 24 : i32
        %parallel_loop3A_630 = arith.constant 0 : i32
        %parallel_loop3A_631 = arith.constant 0 : i32
        %parallel_loop3A_632 = tpu.memref_slice %arg9[%parallel_loop3A_96, %parallel_loop3A_630, %parallel_loop3A_631] : memref<2x32x320xf32, #tpu.memory_space<vmem>> -> memref<1x32x320xf32, #tpu.memory_space<vmem>>
        %parallel_loop3A_633 = tpu.memref_squeeze %parallel_loop3A_632 : memref<1x32x320xf32, #tpu.memory_space<vmem>> -> memref<32x320xf32, #tpu.memory_space<vmem>>
        %parallel_loop3A_634 = arith.index_cast %parallel_loop3A_629 : i32 to index
        %parallel_loop3A_635 = arith.index_cast %parallel_loop3A_628 : i32 to index
        %parallel_loop3A_636 = tpu.vector_load %parallel_loop3A_633[%parallel_loop3A_634, %parallel_loop3A_635] {strides = array<i32>} : memref<32x320xf32, #tpu.memory_space<vmem>>, vector<16xf32>,
        tpu.vector_store %parallel_loop3A_633[%parallel_loop3A_634, %parallel_loop3A_635], %parallel_loop3A_626 {strides = array<i32>} : memref<32x320xf32, #tpu.memory_space<vmem>>, vector<16xf32>,
        %parallel_loop3A_637 = arith.constant 25 : i32
        %parallel_loop3A_638 = vector.broadcast %parallel_loop3A_637 : i32 to vector<16xi32>
        %parallel_loop3A_639 = arith.addi %parallel_loop3A_186, %parallel_loop3A_638 : vector<16xi32>
        %parallel_loop3A_640 = arith.constant 0 : i32
        %parallel_loop3A_641 = arith.constant 0 : i32
        %parallel_loop3A_642 = tpu.memref_slice %arg8[%parallel_loop3A_95, %parallel_loop3A_640, %parallel_loop3A_641] : memref<2x320x128xf32, #tpu.memory_space<vmem>> -> memref<1x320x128xf32, #tpu.memory_space<vmem>>
        %parallel_loop3A_643 = tpu.memref_squeeze %parallel_loop3A_642 : memref<1x320x128xf32, #tpu.memory_space<vmem>> -> memref<320x128xf32, #tpu.memory_space<vmem>>
        %parallel_loop3A_644 = tpu.vector_load_idx %parallel_loop3A_643[%parallel_loop3A_181, %parallel_loop3A_639] : memref<320x128xf32, #tpu.memory_space<vmem>>[vector<16xi32>, vector<16xi32>], vector<16xf32>,
        %parallel_loop3A_645 = arith.constant 16 : i32
        %parallel_loop3A_646 = arith.muli %parallel_loop3A_176, %parallel_loop3A_645 : i32
        %parallel_loop3A_647 = arith.constant 25 : i32
        %parallel_loop3A_648 = arith.constant 0 : i32
        %parallel_loop3A_649 = arith.constant 0 : i32
        %parallel_loop3A_650 = tpu.memref_slice %arg9[%parallel_loop3A_96, %parallel_loop3A_648, %parallel_loop3A_649] : memref<2x32x320xf32, #tpu.memory_space<vmem>> -> memref<1x32x320xf32, #tpu.memory_space<vmem>>
        %parallel_loop3A_651 = tpu.memref_squeeze %parallel_loop3A_650 : memref<1x32x320xf32, #tpu.memory_space<vmem>> -> memref<32x320xf32, #tpu.memory_space<vmem>>
        %parallel_loop3A_652 = arith.index_cast %parallel_loop3A_647 : i32 to index
        %parallel_loop3A_653 = arith.index_cast %parallel_loop3A_646 : i32 to index
        %parallel_loop3A_654 = tpu.vector_load %parallel_loop3A_651[%parallel_loop3A_652, %parallel_loop3A_653] {strides = array<i32>} : memref<32x320xf32, #tpu.memory_space<vmem>>, vector<16xf32>,
        tpu.vector_store %parallel_loop3A_651[%parallel_loop3A_652, %parallel_loop3A_653], %parallel_loop3A_644 {strides = array<i32>} : memref<32x320xf32, #tpu.memory_space<vmem>>, vector<16xf32>,
        %parallel_loop3A_655 = arith.constant 26 : i32
        %parallel_loop3A_656 = vector.broadcast %parallel_loop3A_655 : i32 to vector<16xi32>
        %parallel_loop3A_657 = arith.addi %parallel_loop3A_186, %parallel_loop3A_656 : vector<16xi32>
        %parallel_loop3A_658 = arith.constant 0 : i32
        %parallel_loop3A_659 = arith.constant 0 : i32
        %parallel_loop3A_660 = tpu.memref_slice %arg8[%parallel_loop3A_95, %parallel_loop3A_658, %parallel_loop3A_659] : memref<2x320x128xf32, #tpu.memory_space<vmem>> -> memref<1x320x128xf32, #tpu.memory_space<vmem>>
        %parallel_loop3A_661 = tpu.memref_squeeze %parallel_loop3A_660 : memref<1x320x128xf32, #tpu.memory_space<vmem>> -> memref<320x128xf32, #tpu.memory_space<vmem>>
        %parallel_loop3A_662 = tpu.vector_load_idx %parallel_loop3A_661[%parallel_loop3A_181, %parallel_loop3A_657] : memref<320x128xf32, #tpu.memory_space<vmem>>[vector<16xi32>, vector<16xi32>], vector<16xf32>,
        %parallel_loop3A_663 = arith.constant 16 : i32
        %parallel_loop3A_664 = arith.muli %parallel_loop3A_176, %parallel_loop3A_663 : i32
        %parallel_loop3A_665 = arith.constant 26 : i32
        %parallel_loop3A_666 = arith.constant 0 : i32
        %parallel_loop3A_667 = arith.constant 0 : i32
        %parallel_loop3A_668 = tpu.memref_slice %arg9[%parallel_loop3A_96, %parallel_loop3A_666, %parallel_loop3A_667] : memref<2x32x320xf32, #tpu.memory_space<vmem>> -> memref<1x32x320xf32, #tpu.memory_space<vmem>>
        %parallel_loop3A_669 = tpu.memref_squeeze %parallel_loop3A_668 : memref<1x32x320xf32, #tpu.memory_space<vmem>> -> memref<32x320xf32, #tpu.memory_space<vmem>>
        %parallel_loop3A_670 = arith.index_cast %parallel_loop3A_665 : i32 to index
        %parallel_loop3A_671 = arith.index_cast %parallel_loop3A_664 : i32 to index
        %parallel_loop3A_672 = tpu.vector_load %parallel_loop3A_669[%parallel_loop3A_670, %parallel_loop3A_671] {strides = array<i32>} : memref<32x320xf32, #tpu.memory_space<vmem>>, vector<16xf32>,
        tpu.vector_store %parallel_loop3A_669[%parallel_loop3A_670, %parallel_loop3A_671], %parallel_loop3A_662 {strides = array<i32>} : memref<32x320xf32, #tpu.memory_space<vmem>>, vector<16xf32>,
        %parallel_loop3A_673 = arith.constant 27 : i32
        %parallel_loop3A_674 = vector.broadcast %parallel_loop3A_673 : i32 to vector<16xi32>
        %parallel_loop3A_675 = arith.addi %parallel_loop3A_186, %parallel_loop3A_674 : vector<16xi32>
        %parallel_loop3A_676 = arith.constant 0 : i32
        %parallel_loop3A_677 = arith.constant 0 : i32
        %parallel_loop3A_678 = tpu.memref_slice %arg8[%parallel_loop3A_95, %parallel_loop3A_676, %parallel_loop3A_677] : memref<2x320x128xf32, #tpu.memory_space<vmem>> -> memref<1x320x128xf32, #tpu.memory_space<vmem>>
        %parallel_loop3A_679 = tpu.memref_squeeze %parallel_loop3A_678 : memref<1x320x128xf32, #tpu.memory_space<vmem>> -> memref<320x128xf32, #tpu.memory_space<vmem>>
        %parallel_loop3A_680 = tpu.vector_load_idx %parallel_loop3A_679[%parallel_loop3A_181, %parallel_loop3A_675] : memref<320x128xf32, #tpu.memory_space<vmem>>[vector<16xi32>, vector<16xi32>], vector<16xf32>,
        %parallel_loop3A_681 = arith.constant 16 : i32
        %parallel_loop3A_682 = arith.muli %parallel_loop3A_176, %parallel_loop3A_681 : i32
        %parallel_loop3A_683 = arith.constant 27 : i32
        %parallel_loop3A_684 = arith.constant 0 : i32
        %parallel_loop3A_685 = arith.constant 0 : i32
        %parallel_loop3A_686 = tpu.memref_slice %arg9[%parallel_loop3A_96, %parallel_loop3A_684, %parallel_loop3A_685] : memref<2x32x320xf32, #tpu.memory_space<vmem>> -> memref<1x32x320xf32, #tpu.memory_space<vmem>>
        %parallel_loop3A_687 = tpu.memref_squeeze %parallel_loop3A_686 : memref<1x32x320xf32, #tpu.memory_space<vmem>> -> memref<32x320xf32, #tpu.memory_space<vmem>>
        %parallel_loop3A_688 = arith.index_cast %parallel_loop3A_683 : i32 to index
        %parallel_loop3A_689 = arith.index_cast %parallel_loop3A_682 : i32 to index
        %parallel_loop3A_690 = tpu.vector_load %parallel_loop3A_687[%parallel_loop3A_688, %parallel_loop3A_689] {strides = array<i32>} : memref<32x320xf32, #tpu.memory_space<vmem>>, vector<16xf32>,
        tpu.vector_store %parallel_loop3A_687[%parallel_loop3A_688, %parallel_loop3A_689], %parallel_loop3A_680 {strides = array<i32>} : memref<32x320xf32, #tpu.memory_space<vmem>>, vector<16xf32>,
        %parallel_loop3A_691 = arith.constant 28 : i32
        %parallel_loop3A_692 = vector.broadcast %parallel_loop3A_691 : i32 to vector<16xi32>
        %parallel_loop3A_693 = arith.addi %parallel_loop3A_186, %parallel_loop3A_692 : vector<16xi32>
        %parallel_loop3A_694 = arith.constant 0 : i32
        %parallel_loop3A_695 = arith.constant 0 : i32
        %parallel_loop3A_696 = tpu.memref_slice %arg8[%parallel_loop3A_95, %parallel_loop3A_694, %parallel_loop3A_695] : memref<2x320x128xf32, #tpu.memory_space<vmem>> -> memref<1x320x128xf32, #tpu.memory_space<vmem>>
        %parallel_loop3A_697 = tpu.memref_squeeze %parallel_loop3A_696 : memref<1x320x128xf32, #tpu.memory_space<vmem>> -> memref<320x128xf32, #tpu.memory_space<vmem>>
        %parallel_loop3A_698 = tpu.vector_load_idx %parallel_loop3A_697[%parallel_loop3A_181, %parallel_loop3A_693] : memref<320x128xf32, #tpu.memory_space<vmem>>[vector<16xi32>, vector<16xi32>], vector<16xf32>,
        %parallel_loop3A_699 = arith.constant 16 : i32
        %parallel_loop3A_700 = arith.muli %parallel_loop3A_176, %parallel_loop3A_699 : i32
        %parallel_loop3A_701 = arith.constant 28 : i32
        %parallel_loop3A_702 = arith.constant 0 : i32
        %parallel_loop3A_703 = arith.constant 0 : i32
        %parallel_loop3A_704 = tpu.memref_slice %arg9[%parallel_loop3A_96, %parallel_loop3A_702, %parallel_loop3A_703] : memref<2x32x320xf32, #tpu.memory_space<vmem>> -> memref<1x32x320xf32, #tpu.memory_space<vmem>>
        %parallel_loop3A_705 = tpu.memref_squeeze %parallel_loop3A_704 : memref<1x32x320xf32, #tpu.memory_space<vmem>> -> memref<32x320xf32, #tpu.memory_space<vmem>>
        %parallel_loop3A_706 = arith.index_cast %parallel_loop3A_701 : i32 to index
        %parallel_loop3A_707 = arith.index_cast %parallel_loop3A_700 : i32 to index
        %parallel_loop3A_708 = tpu.vector_load %parallel_loop3A_705[%parallel_loop3A_706, %parallel_loop3A_707] {strides = array<i32>} : memref<32x320xf32, #tpu.memory_space<vmem>>, vector<16xf32>,
        tpu.vector_store %parallel_loop3A_705[%parallel_loop3A_706, %parallel_loop3A_707], %parallel_loop3A_698 {strides = array<i32>} : memref<32x320xf32, #tpu.memory_space<vmem>>, vector<16xf32>,
        %parallel_loop3A_709 = arith.constant 29 : i32
        %parallel_loop3A_710 = vector.broadcast %parallel_loop3A_709 : i32 to vector<16xi32>
        %parallel_loop3A_711 = arith.addi %parallel_loop3A_186, %parallel_loop3A_710 : vector<16xi32>
        %parallel_loop3A_712 = arith.constant 0 : i32
        %parallel_loop3A_713 = arith.constant 0 : i32
        %parallel_loop3A_714 = tpu.memref_slice %arg8[%parallel_loop3A_95, %parallel_loop3A_712, %parallel_loop3A_713] : memref<2x320x128xf32, #tpu.memory_space<vmem>> -> memref<1x320x128xf32, #tpu.memory_space<vmem>>
        %parallel_loop3A_715 = tpu.memref_squeeze %parallel_loop3A_714 : memref<1x320x128xf32, #tpu.memory_space<vmem>> -> memref<320x128xf32, #tpu.memory_space<vmem>>
        %parallel_loop3A_716 = tpu.vector_load_idx %parallel_loop3A_715[%parallel_loop3A_181, %parallel_loop3A_711] : memref<320x128xf32, #tpu.memory_space<vmem>>[vector<16xi32>, vector<16xi32>], vector<16xf32>,
        %parallel_loop3A_717 = arith.constant 16 : i32
        %parallel_loop3A_718 = arith.muli %parallel_loop3A_176, %parallel_loop3A_717 : i32
        %parallel_loop3A_719 = arith.constant 29 : i32
        %parallel_loop3A_720 = arith.constant 0 : i32
        %parallel_loop3A_721 = arith.constant 0 : i32
        %parallel_loop3A_722 = tpu.memref_slice %arg9[%parallel_loop3A_96, %parallel_loop3A_720, %parallel_loop3A_721] : memref<2x32x320xf32, #tpu.memory_space<vmem>> -> memref<1x32x320xf32, #tpu.memory_space<vmem>>
        %parallel_loop3A_723 = tpu.memref_squeeze %parallel_loop3A_722 : memref<1x32x320xf32, #tpu.memory_space<vmem>> -> memref<32x320xf32, #tpu.memory_space<vmem>>
        %parallel_loop3A_724 = arith.index_cast %parallel_loop3A_719 : i32 to index
        %parallel_loop3A_725 = arith.index_cast %parallel_loop3A_718 : i32 to index
        %parallel_loop3A_726 = tpu.vector_load %parallel_loop3A_723[%parallel_loop3A_724, %parallel_loop3A_725] {strides = array<i32>} : memref<32x320xf32, #tpu.memory_space<vmem>>, vector<16xf32>,
        tpu.vector_store %parallel_loop3A_723[%parallel_loop3A_724, %parallel_loop3A_725], %parallel_loop3A_716 {strides = array<i32>} : memref<32x320xf32, #tpu.memory_space<vmem>>, vector<16xf32>,
        %parallel_loop3A_727 = arith.constant 30 : i32
        %parallel_loop3A_728 = vector.broadcast %parallel_loop3A_727 : i32 to vector<16xi32>
        %parallel_loop3A_729 = arith.addi %parallel_loop3A_186, %parallel_loop3A_728 : vector<16xi32>
        %parallel_loop3A_730 = arith.constant 0 : i32
        %parallel_loop3A_731 = arith.constant 0 : i32
        %parallel_loop3A_732 = tpu.memref_slice %arg8[%parallel_loop3A_95, %parallel_loop3A_730, %parallel_loop3A_731] : memref<2x320x128xf32, #tpu.memory_space<vmem>> -> memref<1x320x128xf32, #tpu.memory_space<vmem>>
        %parallel_loop3A_733 = tpu.memref_squeeze %parallel_loop3A_732 : memref<1x320x128xf32, #tpu.memory_space<vmem>> -> memref<320x128xf32, #tpu.memory_space<vmem>>
        %parallel_loop3A_734 = tpu.vector_load_idx %parallel_loop3A_733[%parallel_loop3A_181, %parallel_loop3A_729] : memref<320x128xf32, #tpu.memory_space<vmem>>[vector<16xi32>, vector<16xi32>], vector<16xf32>,
        %parallel_loop3A_735 = arith.constant 16 : i32
        %parallel_loop3A_736 = arith.muli %parallel_loop3A_176, %parallel_loop3A_735 : i32
        %parallel_loop3A_737 = arith.constant 30 : i32
        %parallel_loop3A_738 = arith.constant 0 : i32
        %parallel_loop3A_739 = arith.constant 0 : i32
        %parallel_loop3A_740 = tpu.memref_slice %arg9[%parallel_loop3A_96, %parallel_loop3A_738, %parallel_loop3A_739] : memref<2x32x320xf32, #tpu.memory_space<vmem>> -> memref<1x32x320xf32, #tpu.memory_space<vmem>>
        %parallel_loop3A_741 = tpu.memref_squeeze %parallel_loop3A_740 : memref<1x32x320xf32, #tpu.memory_space<vmem>> -> memref<32x320xf32, #tpu.memory_space<vmem>>
        %parallel_loop3A_742 = arith.index_cast %parallel_loop3A_737 : i32 to index
        %parallel_loop3A_743 = arith.index_cast %parallel_loop3A_736 : i32 to index
        %parallel_loop3A_744 = tpu.vector_load %parallel_loop3A_741[%parallel_loop3A_742, %parallel_loop3A_743] {strides = array<i32>} : memref<32x320xf32, #tpu.memory_space<vmem>>, vector<16xf32>,
        tpu.vector_store %parallel_loop3A_741[%parallel_loop3A_742, %parallel_loop3A_743], %parallel_loop3A_734 {strides = array<i32>} : memref<32x320xf32, #tpu.memory_space<vmem>>, vector<16xf32>,
        %parallel_loop3A_745 = arith.constant 31 : i32
        %parallel_loop3A_746 = vector.broadcast %parallel_loop3A_745 : i32 to vector<16xi32>
        %parallel_loop3A_747 = arith.addi %parallel_loop3A_186, %parallel_loop3A_746 : vector<16xi32>
        %parallel_loop3A_748 = arith.constant 0 : i32
        %parallel_loop3A_749 = arith.constant 0 : i32
        %parallel_loop3A_750 = tpu.memref_slice %arg8[%parallel_loop3A_95, %parallel_loop3A_748, %parallel_loop3A_749] : memref<2x320x128xf32, #tpu.memory_space<vmem>> -> memref<1x320x128xf32, #tpu.memory_space<vmem>>
        %parallel_loop3A_751 = tpu.memref_squeeze %parallel_loop3A_750 : memref<1x320x128xf32, #tpu.memory_space<vmem>> -> memref<320x128xf32, #tpu.memory_space<vmem>>
        %parallel_loop3A_752 = tpu.vector_load_idx %parallel_loop3A_751[%parallel_loop3A_181, %parallel_loop3A_747] : memref<320x128xf32, #tpu.memory_space<vmem>>[vector<16xi32>, vector<16xi32>], vector<16xf32>,
        %parallel_loop3A_753 = arith.constant 16 : i32
        %parallel_loop3A_754 = arith.muli %parallel_loop3A_176, %parallel_loop3A_753 : i32
        %parallel_loop3A_755 = arith.constant 31 : i32
        %parallel_loop3A_756 = arith.constant 0 : i32
        %parallel_loop3A_757 = arith.constant 0 : i32
        %parallel_loop3A_758 = tpu.memref_slice %arg9[%parallel_loop3A_96, %parallel_loop3A_756, %parallel_loop3A_757] : memref<2x32x320xf32, #tpu.memory_space<vmem>> -> memref<1x32x320xf32, #tpu.memory_space<vmem>>
        %parallel_loop3A_759 = tpu.memref_squeeze %parallel_loop3A_758 : memref<1x32x320xf32, #tpu.memory_space<vmem>> -> memref<32x320xf32, #tpu.memory_space<vmem>>
        %parallel_loop3A_760 = arith.index_cast %parallel_loop3A_755 : i32 to index
        %parallel_loop3A_761 = arith.index_cast %parallel_loop3A_754 : i32 to index
        %parallel_loop3A_762 = tpu.vector_load %parallel_loop3A_759[%parallel_loop3A_760, %parallel_loop3A_761] {strides = array<i32>} : memref<32x320xf32, #tpu.memory_space<vmem>>, vector<16xf32>,
        tpu.vector_store %parallel_loop3A_759[%parallel_loop3A_760, %parallel_loop3A_761], %parallel_loop3A_752 {strides = array<i32>} : memref<32x320xf32, #tpu.memory_space<vmem>>, vector<16xf32>,
      } {sc.loop_unroll_factor = 2 : i64, sc.parallel_access}
      %mul3A_97 = arith.constant 320 : i32
      %mul3A_98 = arith.muli %add3A_76, %mul3A_97 : i32
      %add3A_99 = arith.addi %mul3A_2, %mul3A_98 : i32
      %dma_start3A_100 = arith.constant 0 : i32
      %dma_start3A_101 = arith.constant 0 : i32
      %dma_start3A_102 = arith.constant 0 : i32
      %dma_start3A_103 = arith.constant 0 : i32
      %dma_start3A_104 = tpu.memref_slice %arg9[%dma_start3A_100, %dma_start3A_102, %dma_start3A_103] : memref<2x32x320xf32, #tpu.memory_space<vmem>> -> memref<1x32x320xf32, #tpu.memory_space<vmem>>
      %dma_start3A_105 = tpu.memref_squeeze %dma_start3A_104 : memref<1x32x320xf32, #tpu.memory_space<vmem>> -> memref<32x320xf32, #tpu.memory_space<vmem>>
      %dma_start3A_106 = arith.constant 0 : i32
      %dma_start3A_107 = tpu.memref_slice %arg5[%dma_start3A_106, %add3A_99] : memref<32x204800xf32, #tpu.memory_space<hbm>> -> memref<32x320xf32, #tpu.memory_space<hbm>>
      %dma_start3A_108 = tpu.memref_slice %arg11[%dma_start3A_101] : memref<2x!tpu.dma_semaphore, #tpu.memory_space<semaphore_mem>> -> memref<1x!tpu.dma_semaphore, #tpu.memory_space<semaphore_mem>>
      %dma_start3A_109 = tpu.memref_squeeze %dma_start3A_108 : memref<1x!tpu.dma_semaphore, #tpu.memory_space<semaphore_mem>> -> memref<!tpu.dma_semaphore, #tpu.memory_space<semaphore_mem>>
      %dma_start3A_110 = arith.constant 0 : i32
      %dma_start3A_111 = tpu.memref_slice %arg5[%dma_start3A_110, %add3A_99] : memref<32x204800xf32, #tpu.memory_space<hbm>> -> memref<32x320xf32, #tpu.memory_space<hbm>>
      %dma_start3A_112 = arith.constant 0 : i32
      %dma_start3A_113 = arith.constant 0 : i32
      %dma_start3A_114 = tpu.memref_slice %arg9[%dma_start3A_100, %dma_start3A_112, %dma_start3A_113] : memref<2x32x320xf32, #tpu.memory_space<vmem>> -> memref<1x32x320xf32, #tpu.memory_space<vmem>>
      %dma_start3A_115 = tpu.memref_squeeze %dma_start3A_114 : memref<1x32x320xf32, #tpu.memory_space<vmem>> -> memref<32x320xf32, #tpu.memory_space<vmem>>
      tpu.enqueue_dma source(%dma_start3A_115 : memref<32x320xf32, #tpu.memory_space<vmem>>) target(%dma_start3A_111 : memref<32x320xf32, #tpu.memory_space<hbm>>) target_semaphore(%dma_start3A_109 : memref<!tpu.dma_semaphore, #tpu.memory_space<semaphore_mem>>)
      %add3A_116 = arith.constant 2 : i32
      %add3A_117 = arith.addi %add3A_76, %add3A_116 : i32
      %lt3A = arith.constant 20 : i32
      %lt3A_118 = arith.cmpi slt, %add3A_117, %lt3A : i32
      %convert_element_type3A_119 = arith.extui %lt3A_118 : i1 to i32
      %cond3A_120 = arith.constant 0 : i32
      %cond3A_121 = arith.cmpi ne, %convert_element_type3A_119, %cond3A_120 : i32
      scf.if %cond3A_121 {
        %add3A_176 = arith.constant 2 : i32
        %add3A_177 = arith.addi %add3A_76, %add3A_176 : i32
        %dma_start3A_178 = arith.constant 0 : i32
        %dma_start3A_179 = arith.constant 0 : i32
        %dma_start3A_180 = arith.constant 0 : i32
        %dma_start3A_181 = arith.constant 0 : i32
        %dma_start3A_182 = tpu.memref_slice %arg8[%dma_start3A_178, %dma_start3A_180, %dma_start3A_181] : memref<2x320x128xf32, #tpu.memory_space<vmem>> -> memref<1x320x128xf32, #tpu.memory_space<vmem>>
        %dma_start3A_183 = tpu.memref_squeeze %dma_start3A_182 : memref<1x320x128xf32, #tpu.memory_space<vmem>> -> memref<320x128xf32, #tpu.memory_space<vmem>>
        %dma_start3A_184 = arith.constant 0 : i32
        %dma_start3A_185 = tpu.memref_slice %arg6[%add3A_177, %dma_start3A_184] : memref<20x320xi32, #tpu.memory_space<vmem>> -> memref<1x320xi32, #tpu.memory_space<vmem>>
        %dma_start3A_186 = tpu.memref_squeeze %dma_start3A_185 : memref<1x320xi32, #tpu.memory_space<vmem>> -> memref<320xi32, #tpu.memory_space<vmem>>
        %dma_start3A_187 = arith.constant 0 : i32
        %dma_start3A_188 = arith.constant 0 : i32
        %dma_start3A_189 = tpu.memref_slice %arg4[%dma_start3A_187, %dma_start3A_188] : memref<253952x128xf32, #tpu.memory_space<hbm>> -> memref<253952x128xf32, #tpu.memory_space<hbm>>
        %dma_start3A_190 = tpu.memref_slice %arg10[%dma_start3A_179] : memref<2x!tpu.dma_semaphore, #tpu.memory_space<semaphore_mem>> -> memref<1x!tpu.dma_semaphore, #tpu.memory_space<semaphore_mem>>
        %dma_start3A_191 = tpu.memref_squeeze %dma_start3A_190 : memref<1x!tpu.dma_semaphore, #tpu.memory_space<semaphore_mem>> -> memref<!tpu.dma_semaphore, #tpu.memory_space<semaphore_mem>>
        tpu.enqueue_indirect_dma source(%dma_start3A_189 : memref<253952x128xf32, #tpu.memory_space<hbm>>) target(%dma_start3A_183 : memref<320x128xf32, #tpu.memory_space<vmem>>) offsets(%dma_start3A_186 : memref<320xi32, #tpu.memory_space<vmem>>) semaphore(%dma_start3A_191 : memref<!tpu.dma_semaphore, #tpu.memory_space<semaphore_mem>>)
      } else {
      }
      %mul3A_122 = arith.constant 2 : i32
      %mul3A_123 = arith.muli %scan3A_72, %mul3A_122 : i32
      %add3A_124 = arith.constant 1 : i32
      %add3A_125 = arith.addi %mul3A_123, %add3A_124 : i32
      %dma_wait3A_126 = arith.constant 1 : i32
      %dma_wait3A_127 = arith.constant 1 : i32
      %dma_wait3A_128 = arith.constant 0 : i32
      %dma_wait3A_129 = arith.constant 0 : i32
      %dma_wait3A_130 = tpu.memref_slice %arg8[%dma_wait3A_126, %dma_wait3A_128, %dma_wait3A_129] : memref<2x320x128xf32, #tpu.memory_space<vmem>> -> memref<1x320x128xf32, #tpu.memory_space<vmem>>
      %dma_wait3A_131 = tpu.memref_squeeze %dma_wait3A_130 : memref<1x320x128xf32, #tpu.memory_space<vmem>> -> memref<320x128xf32, #tpu.memory_space<vmem>>
      %dma_wait3A_132 = arith.constant 0 : i32
      %dma_wait3A_133 = tpu.memref_slice %arg6[%add3A_125, %dma_wait3A_132] : memref<20x320xi32, #tpu.memory_space<vmem>> -> memref<1x320xi32, #tpu.memory_space<vmem>>
      %dma_wait3A_134 = tpu.memref_squeeze %dma_wait3A_133 : memref<1x320xi32, #tpu.memory_space<vmem>> -> memref<320xi32, #tpu.memory_space<vmem>>
      %dma_wait3A_135 = arith.constant 0 : i32
      %dma_wait3A_136 = arith.constant 0 : i32
      %dma_wait3A_137 = tpu.memref_slice %arg4[%dma_wait3A_135, %dma_wait3A_136] : memref<253952x128xf32, #tpu.memory_space<hbm>> -> memref<253952x128xf32, #tpu.memory_space<hbm>>
      %dma_wait3A_138 = tpu.memref_slice %arg10[%dma_wait3A_127] : memref<2x!tpu.dma_semaphore, #tpu.memory_space<semaphore_mem>> -> memref<1x!tpu.dma_semaphore, #tpu.memory_space<semaphore_mem>>
      %dma_wait3A_139 = tpu.memref_squeeze %dma_wait3A_138 : memref<1x!tpu.dma_semaphore, #tpu.memory_space<semaphore_mem>> -> memref<!tpu.dma_semaphore, #tpu.memory_space<semaphore_mem>>
      tpu.wait_indirect_dma semaphore(%dma_wait3A_139 : memref<!tpu.dma_semaphore, #tpu.memory_space<semaphore_mem>>) src(%dma_wait3A_137 : memref<253952x128xf32, #tpu.memory_space<hbm>>) dst(%dma_wait3A_131 : memref<320x128xf32, #tpu.memory_space<vmem>>)
      %ge3A_140 = arith.constant 2 : i32
      %ge3A_141 = arith.cmpi sge, %add3A_125, %ge3A_140 : i32
      %convert_element_type3A_142 = arith.extui %ge3A_141 : i1 to i32
      %cond3A_143 = arith.constant 0 : i32
      %cond3A_144 = arith.cmpi ne, %convert_element_type3A_142, %cond3A_143 : i32
      scf.if %cond3A_144 {
        %sub3A = arith.constant 2 : i32
        %sub3A_176 = arith.subi %add3A_125, %sub3A : i32
        %mul3A_177 = arith.constant 320 : i32
        %mul3A_178 = arith.muli %sub3A_176, %mul3A_177 : i32
        %add3A_179 = arith.addi %mul3A_2, %mul3A_178 : i32
        %dma_wait3A_180 = arith.constant 1 : i32
        %dma_wait3A_181 = arith.constant 1 : i32
        %dma_wait3A_182 = arith.constant 0 : i32
        %dma_wait3A_183 = arith.constant 0 : i32
        %dma_wait3A_184 = tpu.memref_slice %arg9[%dma_wait3A_180, %dma_wait3A_182, %dma_wait3A_183] : memref<2x32x320xf32, #tpu.memory_space<vmem>> -> memref<1x32x320xf32, #tpu.memory_space<vmem>>
        %dma_wait3A_185 = tpu.memref_squeeze %dma_wait3A_184 : memref<1x32x320xf32, #tpu.memory_space<vmem>> -> memref<32x320xf32, #tpu.memory_space<vmem>>
        %dma_wait3A_186 = arith.constant 0 : i32
        %dma_wait3A_187 = tpu.memref_slice %arg5[%dma_wait3A_186, %add3A_179] : memref<32x204800xf32, #tpu.memory_space<hbm>> -> memref<32x320xf32, #tpu.memory_space<hbm>>
        %dma_wait3A_188 = tpu.memref_slice %arg11[%dma_wait3A_181] : memref<2x!tpu.dma_semaphore, #tpu.memory_space<semaphore_mem>> -> memref<1x!tpu.dma_semaphore, #tpu.memory_space<semaphore_mem>>
        %dma_wait3A_189 = tpu.memref_squeeze %dma_wait3A_188 : memref<1x!tpu.dma_semaphore, #tpu.memory_space<semaphore_mem>> -> memref<!tpu.dma_semaphore, #tpu.memory_space<semaphore_mem>>
        %dma_wait3A_190 = arith.constant 0 : i32
        %dma_wait3A_191 = tpu.memref_slice %arg5[%dma_wait3A_190, %add3A_179] : memref<32x204800xf32, #tpu.memory_space<hbm>> -> memref<32x320xf32, #tpu.memory_space<hbm>>
        %dma_wait3A_192 = arith.constant 0 : i32
        %dma_wait3A_193 = arith.constant 0 : i32
        %dma_wait3A_194 = tpu.memref_slice %arg9[%dma_wait3A_180, %dma_wait3A_192, %dma_wait3A_193] : memref<2x32x320xf32, #tpu.memory_space<vmem>> -> memref<1x32x320xf32, #tpu.memory_space<vmem>>
        %dma_wait3A_195 = tpu.memref_squeeze %dma_wait3A_194 : memref<1x32x320xf32, #tpu.memory_space<vmem>> -> memref<32x320xf32, #tpu.memory_space<vmem>>
        tpu.wait_dma2 semaphore(%dma_wait3A_189 : memref<!tpu.dma_semaphore, #tpu.memory_space<semaphore_mem>>) src(%dma_wait3A_195 : memref<32x320xf32, #tpu.memory_space<vmem>>) dst(%dma_wait3A_191 : memref<32x320xf32, #tpu.memory_space<hbm>>)
      } else {
      }
      %parallel_loop3A_145 = arith.constant 0 : i32
      %parallel_loop3A_146 = arith.constant 20 : i32
      %parallel_loop3A_147 = arith.constant 1 : i32
      %parallel_loop3A_148 = arith.constant 1 : i32
      %parallel_loop3A_149 = arith.constant 1 : i32
      scf.for %parallel_loop3A_176 = %parallel_loop3A_145 to %parallel_loop3A_146 step %parallel_loop3A_147  : i32 {
        %parallel_loop3A_177 = tpu.iota {dimensions = array<i32: 0>} : vector<16xi32>
        %parallel_loop3A_178 = arith.constant 16 : i32
        %parallel_loop3A_179 = arith.muli %parallel_loop3A_176, %parallel_loop3A_178 : i32
        %parallel_loop3A_180 = vector.broadcast %parallel_loop3A_179 : i32 to vector<16xi32>
        %parallel_loop3A_181 = arith.addi %parallel_loop3A_177, %parallel_loop3A_180 : vector<16xi32>
        %parallel_loop3A_182 = arith.constant 16 : i32
        %parallel_loop3A_183 = arith.muli %parallel_loop3A_176, %parallel_loop3A_182 : i32
        %parallel_loop3A_184 = arith.index_cast %add3A_125 : i32 to index
        %parallel_loop3A_185 = arith.index_cast %parallel_loop3A_183 : i32 to index
        %parallel_loop3A_186 = tpu.vector_load %arg7[%parallel_loop3A_184, %parallel_loop3A_185] {strides = array<i32>} : memref<20x320xi32, #tpu.memory_space<vmem>>, vector<16xi32>,
        %parallel_loop3A_187 = arith.constant 0 : i32
        %parallel_loop3A_188 = vector.broadcast %parallel_loop3A_187 : i32 to vector<16xi32>
        %parallel_loop3A_189 = arith.addi %parallel_loop3A_186, %parallel_loop3A_188 : vector<16xi32>
        %parallel_loop3A_190 = arith.constant 0 : i32
        %parallel_loop3A_191 = arith.constant 0 : i32
        %parallel_loop3A_192 = tpu.memref_slice %arg8[%parallel_loop3A_148, %parallel_loop3A_190, %parallel_loop3A_191] : memref<2x320x128xf32, #tpu.memory_space<vmem>> -> memref<1x320x128xf32, #tpu.memory_space<vmem>>
        %parallel_loop3A_193 = tpu.memref_squeeze %parallel_loop3A_192 : memref<1x320x128xf32, #tpu.memory_space<vmem>> -> memref<320x128xf32, #tpu.memory_space<vmem>>
        %parallel_loop3A_194 = tpu.vector_load_idx %parallel_loop3A_193[%parallel_loop3A_181, %parallel_loop3A_189] : memref<320x128xf32, #tpu.memory_space<vmem>>[vector<16xi32>, vector<16xi32>], vector<16xf32>,
        %parallel_loop3A_195 = arith.constant 16 : i32
        %parallel_loop3A_196 = arith.muli %parallel_loop3A_176, %parallel_loop3A_195 : i32
        %parallel_loop3A_197 = arith.constant 0 : i32
        %parallel_loop3A_198 = arith.constant 0 : i32
        %parallel_loop3A_199 = arith.constant 0 : i32
        %parallel_loop3A_200 = tpu.memref_slice %arg9[%parallel_loop3A_149, %parallel_loop3A_198, %parallel_loop3A_199] : memref<2x32x320xf32, #tpu.memory_space<vmem>> -> memref<1x32x320xf32, #tpu.memory_space<vmem>>
        %parallel_loop3A_201 = tpu.memref_squeeze %parallel_loop3A_200 : memref<1x32x320xf32, #tpu.memory_space<vmem>> -> memref<32x320xf32, #tpu.memory_space<vmem>>
        %parallel_loop3A_202 = arith.index_cast %parallel_loop3A_197 : i32 to index
        %parallel_loop3A_203 = arith.index_cast %parallel_loop3A_196 : i32 to index
        %parallel_loop3A_204 = tpu.vector_load %parallel_loop3A_201[%parallel_loop3A_202, %parallel_loop3A_203] {strides = array<i32>} : memref<32x320xf32, #tpu.memory_space<vmem>>, vector<16xf32>,
        tpu.vector_store %parallel_loop3A_201[%parallel_loop3A_202, %parallel_loop3A_203], %parallel_loop3A_194 {strides = array<i32>} : memref<32x320xf32, #tpu.memory_space<vmem>>, vector<16xf32>,
        %parallel_loop3A_205 = arith.constant 1 : i32
        %parallel_loop3A_206 = vector.broadcast %parallel_loop3A_205 : i32 to vector<16xi32>
        %parallel_loop3A_207 = arith.addi %parallel_loop3A_186, %parallel_loop3A_206 : vector<16xi32>
        %parallel_loop3A_208 = arith.constant 0 : i32
        %parallel_loop3A_209 = arith.constant 0 : i32
        %parallel_loop3A_210 = tpu.memref_slice %arg8[%parallel_loop3A_148, %parallel_loop3A_208, %parallel_loop3A_209] : memref<2x320x128xf32, #tpu.memory_space<vmem>> -> memref<1x320x128xf32, #tpu.memory_space<vmem>>
        %parallel_loop3A_211 = tpu.memref_squeeze %parallel_loop3A_210 : memref<1x320x128xf32, #tpu.memory_space<vmem>> -> memref<320x128xf32, #tpu.memory_space<vmem>>
        %parallel_loop3A_212 = tpu.vector_load_idx %parallel_loop3A_211[%parallel_loop3A_181, %parallel_loop3A_207] : memref<320x128xf32, #tpu.memory_space<vmem>>[vector<16xi32>, vector<16xi32>], vector<16xf32>,
        %parallel_loop3A_213 = arith.constant 16 : i32
        %parallel_loop3A_214 = arith.muli %parallel_loop3A_176, %parallel_loop3A_213 : i32
        %parallel_loop3A_215 = arith.constant 1 : i32
        %parallel_loop3A_216 = arith.constant 0 : i32
        %parallel_loop3A_217 = arith.constant 0 : i32
        %parallel_loop3A_218 = tpu.memref_slice %arg9[%parallel_loop3A_149, %parallel_loop3A_216, %parallel_loop3A_217] : memref<2x32x320xf32, #tpu.memory_space<vmem>> -> memref<1x32x320xf32, #tpu.memory_space<vmem>>
        %parallel_loop3A_219 = tpu.memref_squeeze %parallel_loop3A_218 : memref<1x32x320xf32, #tpu.memory_space<vmem>> -> memref<32x320xf32, #tpu.memory_space<vmem>>
        %parallel_loop3A_220 = arith.index_cast %parallel_loop3A_215 : i32 to index
        %parallel_loop3A_221 = arith.index_cast %parallel_loop3A_214 : i32 to index
        %parallel_loop3A_222 = tpu.vector_load %parallel_loop3A_219[%parallel_loop3A_220, %parallel_loop3A_221] {strides = array<i32>} : memref<32x320xf32, #tpu.memory_space<vmem>>, vector<16xf32>,
        tpu.vector_store %parallel_loop3A_219[%parallel_loop3A_220, %parallel_loop3A_221], %parallel_loop3A_212 {strides = array<i32>} : memref<32x320xf32, #tpu.memory_space<vmem>>, vector<16xf32>,
        %parallel_loop3A_223 = arith.constant 2 : i32
        %parallel_loop3A_224 = vector.broadcast %parallel_loop3A_223 : i32 to vector<16xi32>
        %parallel_loop3A_225 = arith.addi %parallel_loop3A_186, %parallel_loop3A_224 : vector<16xi32>
        %parallel_loop3A_226 = arith.constant 0 : i32
        %parallel_loop3A_227 = arith.constant 0 : i32
        %parallel_loop3A_228 = tpu.memref_slice %arg8[%parallel_loop3A_148, %parallel_loop3A_226, %parallel_loop3A_227] : memref<2x320x128xf32, #tpu.memory_space<vmem>> -> memref<1x320x128xf32, #tpu.memory_space<vmem>>
        %parallel_loop3A_229 = tpu.memref_squeeze %parallel_loop3A_228 : memref<1x320x128xf32, #tpu.memory_space<vmem>> -> memref<320x128xf32, #tpu.memory_space<vmem>>
        %parallel_loop3A_230 = tpu.vector_load_idx %parallel_loop3A_229[%parallel_loop3A_181, %parallel_loop3A_225] : memref<320x128xf32, #tpu.memory_space<vmem>>[vector<16xi32>, vector<16xi32>], vector<16xf32>,
        %parallel_loop3A_231 = arith.constant 16 : i32
        %parallel_loop3A_232 = arith.muli %parallel_loop3A_176, %parallel_loop3A_231 : i32
        %parallel_loop3A_233 = arith.constant 2 : i32
        %parallel_loop3A_234 = arith.constant 0 : i32
        %parallel_loop3A_235 = arith.constant 0 : i32
        %parallel_loop3A_236 = tpu.memref_slice %arg9[%parallel_loop3A_149, %parallel_loop3A_234, %parallel_loop3A_235] : memref<2x32x320xf32, #tpu.memory_space<vmem>> -> memref<1x32x320xf32, #tpu.memory_space<vmem>>
        %parallel_loop3A_237 = tpu.memref_squeeze %parallel_loop3A_236 : memref<1x32x320xf32, #tpu.memory_space<vmem>> -> memref<32x320xf32, #tpu.memory_space<vmem>>
        %parallel_loop3A_238 = arith.index_cast %parallel_loop3A_233 : i32 to index
        %parallel_loop3A_239 = arith.index_cast %parallel_loop3A_232 : i32 to index
        %parallel_loop3A_240 = tpu.vector_load %parallel_loop3A_237[%parallel_loop3A_238, %parallel_loop3A_239] {strides = array<i32>} : memref<32x320xf32, #tpu.memory_space<vmem>>, vector<16xf32>,
        tpu.vector_store %parallel_loop3A_237[%parallel_loop3A_238, %parallel_loop3A_239], %parallel_loop3A_230 {strides = array<i32>} : memref<32x320xf32, #tpu.memory_space<vmem>>, vector<16xf32>,
        %parallel_loop3A_241 = arith.constant 3 : i32
        %parallel_loop3A_242 = vector.broadcast %parallel_loop3A_241 : i32 to vector<16xi32>
        %parallel_loop3A_243 = arith.addi %parallel_loop3A_186, %parallel_loop3A_242 : vector<16xi32>
        %parallel_loop3A_244 = arith.constant 0 : i32
        %parallel_loop3A_245 = arith.constant 0 : i32
        %parallel_loop3A_246 = tpu.memref_slice %arg8[%parallel_loop3A_148, %parallel_loop3A_244, %parallel_loop3A_245] : memref<2x320x128xf32, #tpu.memory_space<vmem>> -> memref<1x320x128xf32, #tpu.memory_space<vmem>>
        %parallel_loop3A_247 = tpu.memref_squeeze %parallel_loop3A_246 : memref<1x320x128xf32, #tpu.memory_space<vmem>> -> memref<320x128xf32, #tpu.memory_space<vmem>>
        %parallel_loop3A_248 = tpu.vector_load_idx %parallel_loop3A_247[%parallel_loop3A_181, %parallel_loop3A_243] : memref<320x128xf32, #tpu.memory_space<vmem>>[vector<16xi32>, vector<16xi32>], vector<16xf32>,
        %parallel_loop3A_249 = arith.constant 16 : i32
        %parallel_loop3A_250 = arith.muli %parallel_loop3A_176, %parallel_loop3A_249 : i32
        %parallel_loop3A_251 = arith.constant 3 : i32
        %parallel_loop3A_252 = arith.constant 0 : i32
        %parallel_loop3A_253 = arith.constant 0 : i32
        %parallel_loop3A_254 = tpu.memref_slice %arg9[%parallel_loop3A_149, %parallel_loop3A_252, %parallel_loop3A_253] : memref<2x32x320xf32, #tpu.memory_space<vmem>> -> memref<1x32x320xf32, #tpu.memory_space<vmem>>
        %parallel_loop3A_255 = tpu.memref_squeeze %parallel_loop3A_254 : memref<1x32x320xf32, #tpu.memory_space<vmem>> -> memref<32x320xf32, #tpu.memory_space<vmem>>
        %parallel_loop3A_256 = arith.index_cast %parallel_loop3A_251 : i32 to index
        %parallel_loop3A_257 = arith.index_cast %parallel_loop3A_250 : i32 to index
        %parallel_loop3A_258 = tpu.vector_load %parallel_loop3A_255[%parallel_loop3A_256, %parallel_loop3A_257] {strides = array<i32>} : memref<32x320xf32, #tpu.memory_space<vmem>>, vector<16xf32>,
        tpu.vector_store %parallel_loop3A_255[%parallel_loop3A_256, %parallel_loop3A_257], %parallel_loop3A_248 {strides = array<i32>} : memref<32x320xf32, #tpu.memory_space<vmem>>, vector<16xf32>,
        %parallel_loop3A_259 = arith.constant 4 : i32
        %parallel_loop3A_260 = vector.broadcast %parallel_loop3A_259 : i32 to vector<16xi32>
        %parallel_loop3A_261 = arith.addi %parallel_loop3A_186, %parallel_loop3A_260 : vector<16xi32>
        %parallel_loop3A_262 = arith.constant 0 : i32
        %parallel_loop3A_263 = arith.constant 0 : i32
        %parallel_loop3A_264 = tpu.memref_slice %arg8[%parallel_loop3A_148, %parallel_loop3A_262, %parallel_loop3A_263] : memref<2x320x128xf32, #tpu.memory_space<vmem>> -> memref<1x320x128xf32, #tpu.memory_space<vmem>>
        %parallel_loop3A_265 = tpu.memref_squeeze %parallel_loop3A_264 : memref<1x320x128xf32, #tpu.memory_space<vmem>> -> memref<320x128xf32, #tpu.memory_space<vmem>>
        %parallel_loop3A_266 = tpu.vector_load_idx %parallel_loop3A_265[%parallel_loop3A_181, %parallel_loop3A_261] : memref<320x128xf32, #tpu.memory_space<vmem>>[vector<16xi32>, vector<16xi32>], vector<16xf32>,
        %parallel_loop3A_267 = arith.constant 16 : i32
        %parallel_loop3A_268 = arith.muli %parallel_loop3A_176, %parallel_loop3A_267 : i32
        %parallel_loop3A_269 = arith.constant 4 : i32
        %parallel_loop3A_270 = arith.constant 0 : i32
        %parallel_loop3A_271 = arith.constant 0 : i32
        %parallel_loop3A_272 = tpu.memref_slice %arg9[%parallel_loop3A_149, %parallel_loop3A_270, %parallel_loop3A_271] : memref<2x32x320xf32, #tpu.memory_space<vmem>> -> memref<1x32x320xf32, #tpu.memory_space<vmem>>
        %parallel_loop3A_273 = tpu.memref_squeeze %parallel_loop3A_272 : memref<1x32x320xf32, #tpu.memory_space<vmem>> -> memref<32x320xf32, #tpu.memory_space<vmem>>
        %parallel_loop3A_274 = arith.index_cast %parallel_loop3A_269 : i32 to index
        %parallel_loop3A_275 = arith.index_cast %parallel_loop3A_268 : i32 to index
        %parallel_loop3A_276 = tpu.vector_load %parallel_loop3A_273[%parallel_loop3A_274, %parallel_loop3A_275] {strides = array<i32>} : memref<32x320xf32, #tpu.memory_space<vmem>>, vector<16xf32>,
        tpu.vector_store %parallel_loop3A_273[%parallel_loop3A_274, %parallel_loop3A_275], %parallel_loop3A_266 {strides = array<i32>} : memref<32x320xf32, #tpu.memory_space<vmem>>, vector<16xf32>,
        %parallel_loop3A_277 = arith.constant 5 : i32
        %parallel_loop3A_278 = vector.broadcast %parallel_loop3A_277 : i32 to vector<16xi32>
        %parallel_loop3A_279 = arith.addi %parallel_loop3A_186, %parallel_loop3A_278 : vector<16xi32>
        %parallel_loop3A_280 = arith.constant 0 : i32
        %parallel_loop3A_281 = arith.constant 0 : i32
        %parallel_loop3A_282 = tpu.memref_slice %arg8[%parallel_loop3A_148, %parallel_loop3A_280, %parallel_loop3A_281] : memref<2x320x128xf32, #tpu.memory_space<vmem>> -> memref<1x320x128xf32, #tpu.memory_space<vmem>>
        %parallel_loop3A_283 = tpu.memref_squeeze %parallel_loop3A_282 : memref<1x320x128xf32, #tpu.memory_space<vmem>> -> memref<320x128xf32, #tpu.memory_space<vmem>>
        %parallel_loop3A_284 = tpu.vector_load_idx %parallel_loop3A_283[%parallel_loop3A_181, %parallel_loop3A_279] : memref<320x128xf32, #tpu.memory_space<vmem>>[vector<16xi32>, vector<16xi32>], vector<16xf32>,
        %parallel_loop3A_285 = arith.constant 16 : i32
        %parallel_loop3A_286 = arith.muli %parallel_loop3A_176, %parallel_loop3A_285 : i32
        %parallel_loop3A_287 = arith.constant 5 : i32
        %parallel_loop3A_288 = arith.constant 0 : i32
        %parallel_loop3A_289 = arith.constant 0 : i32
        %parallel_loop3A_290 = tpu.memref_slice %arg9[%parallel_loop3A_149, %parallel_loop3A_288, %parallel_loop3A_289] : memref<2x32x320xf32, #tpu.memory_space<vmem>> -> memref<1x32x320xf32, #tpu.memory_space<vmem>>
        %parallel_loop3A_291 = tpu.memref_squeeze %parallel_loop3A_290 : memref<1x32x320xf32, #tpu.memory_space<vmem>> -> memref<32x320xf32, #tpu.memory_space<vmem>>
        %parallel_loop3A_292 = arith.index_cast %parallel_loop3A_287 : i32 to index
        %parallel_loop3A_293 = arith.index_cast %parallel_loop3A_286 : i32 to index
        %parallel_loop3A_294 = tpu.vector_load %parallel_loop3A_291[%parallel_loop3A_292, %parallel_loop3A_293] {strides = array<i32>} : memref<32x320xf32, #tpu.memory_space<vmem>>, vector<16xf32>,
        tpu.vector_store %parallel_loop3A_291[%parallel_loop3A_292, %parallel_loop3A_293], %parallel_loop3A_284 {strides = array<i32>} : memref<32x320xf32, #tpu.memory_space<vmem>>, vector<16xf32>,
        %parallel_loop3A_295 = arith.constant 6 : i32
        %parallel_loop3A_296 = vector.broadcast %parallel_loop3A_295 : i32 to vector<16xi32>
        %parallel_loop3A_297 = arith.addi %parallel_loop3A_186, %parallel_loop3A_296 : vector<16xi32>
        %parallel_loop3A_298 = arith.constant 0 : i32
        %parallel_loop3A_299 = arith.constant 0 : i32
        %parallel_loop3A_300 = tpu.memref_slice %arg8[%parallel_loop3A_148, %parallel_loop3A_298, %parallel_loop3A_299] : memref<2x320x128xf32, #tpu.memory_space<vmem>> -> memref<1x320x128xf32, #tpu.memory_space<vmem>>
        %parallel_loop3A_301 = tpu.memref_squeeze %parallel_loop3A_300 : memref<1x320x128xf32, #tpu.memory_space<vmem>> -> memref<320x128xf32, #tpu.memory_space<vmem>>
        %parallel_loop3A_302 = tpu.vector_load_idx %parallel_loop3A_301[%parallel_loop3A_181, %parallel_loop3A_297] : memref<320x128xf32, #tpu.memory_space<vmem>>[vector<16xi32>, vector<16xi32>], vector<16xf32>,
        %parallel_loop3A_303 = arith.constant 16 : i32
        %parallel_loop3A_304 = arith.muli %parallel_loop3A_176, %parallel_loop3A_303 : i32
        %parallel_loop3A_305 = arith.constant 6 : i32
        %parallel_loop3A_306 = arith.constant 0 : i32
        %parallel_loop3A_307 = arith.constant 0 : i32
        %parallel_loop3A_308 = tpu.memref_slice %arg9[%parallel_loop3A_149, %parallel_loop3A_306, %parallel_loop3A_307] : memref<2x32x320xf32, #tpu.memory_space<vmem>> -> memref<1x32x320xf32, #tpu.memory_space<vmem>>
        %parallel_loop3A_309 = tpu.memref_squeeze %parallel_loop3A_308 : memref<1x32x320xf32, #tpu.memory_space<vmem>> -> memref<32x320xf32, #tpu.memory_space<vmem>>
        %parallel_loop3A_310 = arith.index_cast %parallel_loop3A_305 : i32 to index
        %parallel_loop3A_311 = arith.index_cast %parallel_loop3A_304 : i32 to index
        %parallel_loop3A_312 = tpu.vector_load %parallel_loop3A_309[%parallel_loop3A_310, %parallel_loop3A_311] {strides = array<i32>} : memref<32x320xf32, #tpu.memory_space<vmem>>, vector<16xf32>,
        tpu.vector_store %parallel_loop3A_309[%parallel_loop3A_310, %parallel_loop3A_311], %parallel_loop3A_302 {strides = array<i32>} : memref<32x320xf32, #tpu.memory_space<vmem>>, vector<16xf32>,
        %parallel_loop3A_313 = arith.constant 7 : i32
        %parallel_loop3A_314 = vector.broadcast %parallel_loop3A_313 : i32 to vector<16xi32>
        %parallel_loop3A_315 = arith.addi %parallel_loop3A_186, %parallel_loop3A_314 : vector<16xi32>
        %parallel_loop3A_316 = arith.constant 0 : i32
        %parallel_loop3A_317 = arith.constant 0 : i32
        %parallel_loop3A_318 = tpu.memref_slice %arg8[%parallel_loop3A_148, %parallel_loop3A_316, %parallel_loop3A_317] : memref<2x320x128xf32, #tpu.memory_space<vmem>> -> memref<1x320x128xf32, #tpu.memory_space<vmem>>
        %parallel_loop3A_319 = tpu.memref_squeeze %parallel_loop3A_318 : memref<1x320x128xf32, #tpu.memory_space<vmem>> -> memref<320x128xf32, #tpu.memory_space<vmem>>
        %parallel_loop3A_320 = tpu.vector_load_idx %parallel_loop3A_319[%parallel_loop3A_181, %parallel_loop3A_315] : memref<320x128xf32, #tpu.memory_space<vmem>>[vector<16xi32>, vector<16xi32>], vector<16xf32>,
        %parallel_loop3A_321 = arith.constant 16 : i32
        %parallel_loop3A_322 = arith.muli %parallel_loop3A_176, %parallel_loop3A_321 : i32
        %parallel_loop3A_323 = arith.constant 7 : i32
        %parallel_loop3A_324 = arith.constant 0 : i32
        %parallel_loop3A_325 = arith.constant 0 : i32
        %parallel_loop3A_326 = tpu.memref_slice %arg9[%parallel_loop3A_149, %parallel_loop3A_324, %parallel_loop3A_325] : memref<2x32x320xf32, #tpu.memory_space<vmem>> -> memref<1x32x320xf32, #tpu.memory_space<vmem>>
        %parallel_loop3A_327 = tpu.memref_squeeze %parallel_loop3A_326 : memref<1x32x320xf32, #tpu.memory_space<vmem>> -> memref<32x320xf32, #tpu.memory_space<vmem>>
        %parallel_loop3A_328 = arith.index_cast %parallel_loop3A_323 : i32 to index
        %parallel_loop3A_329 = arith.index_cast %parallel_loop3A_322 : i32 to index
        %parallel_loop3A_330 = tpu.vector_load %parallel_loop3A_327[%parallel_loop3A_328, %parallel_loop3A_329] {strides = array<i32>} : memref<32x320xf32, #tpu.memory_space<vmem>>, vector<16xf32>,
        tpu.vector_store %parallel_loop3A_327[%parallel_loop3A_328, %parallel_loop3A_329], %parallel_loop3A_320 {strides = array<i32>} : memref<32x320xf32, #tpu.memory_space<vmem>>, vector<16xf32>,
        %parallel_loop3A_331 = arith.constant 8 : i32
        %parallel_loop3A_332 = vector.broadcast %parallel_loop3A_331 : i32 to vector<16xi32>
        %parallel_loop3A_333 = arith.addi %parallel_loop3A_186, %parallel_loop3A_332 : vector<16xi32>
        %parallel_loop3A_334 = arith.constant 0 : i32
        %parallel_loop3A_335 = arith.constant 0 : i32
        %parallel_loop3A_336 = tpu.memref_slice %arg8[%parallel_loop3A_148, %parallel_loop3A_334, %parallel_loop3A_335] : memref<2x320x128xf32, #tpu.memory_space<vmem>> -> memref<1x320x128xf32, #tpu.memory_space<vmem>>
        %parallel_loop3A_337 = tpu.memref_squeeze %parallel_loop3A_336 : memref<1x320x128xf32, #tpu.memory_space<vmem>> -> memref<320x128xf32, #tpu.memory_space<vmem>>
        %parallel_loop3A_338 = tpu.vector_load_idx %parallel_loop3A_337[%parallel_loop3A_181, %parallel_loop3A_333] : memref<320x128xf32, #tpu.memory_space<vmem>>[vector<16xi32>, vector<16xi32>], vector<16xf32>,
        %parallel_loop3A_339 = arith.constant 16 : i32
        %parallel_loop3A_340 = arith.muli %parallel_loop3A_176, %parallel_loop3A_339 : i32
        %parallel_loop3A_341 = arith.constant 8 : i32
        %parallel_loop3A_342 = arith.constant 0 : i32
        %parallel_loop3A_343 = arith.constant 0 : i32
        %parallel_loop3A_344 = tpu.memref_slice %arg9[%parallel_loop3A_149, %parallel_loop3A_342, %parallel_loop3A_343] : memref<2x32x320xf32, #tpu.memory_space<vmem>> -> memref<1x32x320xf32, #tpu.memory_space<vmem>>
        %parallel_loop3A_345 = tpu.memref_squeeze %parallel_loop3A_344 : memref<1x32x320xf32, #tpu.memory_space<vmem>> -> memref<32x320xf32, #tpu.memory_space<vmem>>
        %parallel_loop3A_346 = arith.index_cast %parallel_loop3A_341 : i32 to index
        %parallel_loop3A_347 = arith.index_cast %parallel_loop3A_340 : i32 to index
        %parallel_loop3A_348 = tpu.vector_load %parallel_loop3A_345[%parallel_loop3A_346, %parallel_loop3A_347] {strides = array<i32>} : memref<32x320xf32, #tpu.memory_space<vmem>>, vector<16xf32>,
        tpu.vector_store %parallel_loop3A_345[%parallel_loop3A_346, %parallel_loop3A_347], %parallel_loop3A_338 {strides = array<i32>} : memref<32x320xf32, #tpu.memory_space<vmem>>, vector<16xf32>,
        %parallel_loop3A_349 = arith.constant 9 : i32
        %parallel_loop3A_350 = vector.broadcast %parallel_loop3A_349 : i32 to vector<16xi32>
        %parallel_loop3A_351 = arith.addi %parallel_loop3A_186, %parallel_loop3A_350 : vector<16xi32>
        %parallel_loop3A_352 = arith.constant 0 : i32
        %parallel_loop3A_353 = arith.constant 0 : i32
        %parallel_loop3A_354 = tpu.memref_slice %arg8[%parallel_loop3A_148, %parallel_loop3A_352, %parallel_loop3A_353] : memref<2x320x128xf32, #tpu.memory_space<vmem>> -> memref<1x320x128xf32, #tpu.memory_space<vmem>>
        %parallel_loop3A_355 = tpu.memref_squeeze %parallel_loop3A_354 : memref<1x320x128xf32, #tpu.memory_space<vmem>> -> memref<320x128xf32, #tpu.memory_space<vmem>>
        %parallel_loop3A_356 = tpu.vector_load_idx %parallel_loop3A_355[%parallel_loop3A_181, %parallel_loop3A_351] : memref<320x128xf32, #tpu.memory_space<vmem>>[vector<16xi32>, vector<16xi32>], vector<16xf32>,
        %parallel_loop3A_357 = arith.constant 16 : i32
        %parallel_loop3A_358 = arith.muli %parallel_loop3A_176, %parallel_loop3A_357 : i32
        %parallel_loop3A_359 = arith.constant 9 : i32
        %parallel_loop3A_360 = arith.constant 0 : i32
        %parallel_loop3A_361 = arith.constant 0 : i32
        %parallel_loop3A_362 = tpu.memref_slice %arg9[%parallel_loop3A_149, %parallel_loop3A_360, %parallel_loop3A_361] : memref<2x32x320xf32, #tpu.memory_space<vmem>> -> memref<1x32x320xf32, #tpu.memory_space<vmem>>
        %parallel_loop3A_363 = tpu.memref_squeeze %parallel_loop3A_362 : memref<1x32x320xf32, #tpu.memory_space<vmem>> -> memref<32x320xf32, #tpu.memory_space<vmem>>
        %parallel_loop3A_364 = arith.index_cast %parallel_loop3A_359 : i32 to index
        %parallel_loop3A_365 = arith.index_cast %parallel_loop3A_358 : i32 to index
        %parallel_loop3A_366 = tpu.vector_load %parallel_loop3A_363[%parallel_loop3A_364, %parallel_loop3A_365] {strides = array<i32>} : memref<32x320xf32, #tpu.memory_space<vmem>>, vector<16xf32>,
        tpu.vector_store %parallel_loop3A_363[%parallel_loop3A_364, %parallel_loop3A_365], %parallel_loop3A_356 {strides = array<i32>} : memref<32x320xf32, #tpu.memory_space<vmem>>, vector<16xf32>,
        %parallel_loop3A_367 = arith.constant 10 : i32
        %parallel_loop3A_368 = vector.broadcast %parallel_loop3A_367 : i32 to vector<16xi32>
        %parallel_loop3A_369 = arith.addi %parallel_loop3A_186, %parallel_loop3A_368 : vector<16xi32>
        %parallel_loop3A_370 = arith.constant 0 : i32
        %parallel_loop3A_371 = arith.constant 0 : i32
        %parallel_loop3A_372 = tpu.memref_slice %arg8[%parallel_loop3A_148, %parallel_loop3A_370, %parallel_loop3A_371] : memref<2x320x128xf32, #tpu.memory_space<vmem>> -> memref<1x320x128xf32, #tpu.memory_space<vmem>>
        %parallel_loop3A_373 = tpu.memref_squeeze %parallel_loop3A_372 : memref<1x320x128xf32, #tpu.memory_space<vmem>> -> memref<320x128xf32, #tpu.memory_space<vmem>>
        %parallel_loop3A_374 = tpu.vector_load_idx %parallel_loop3A_373[%parallel_loop3A_181, %parallel_loop3A_369] : memref<320x128xf32, #tpu.memory_space<vmem>>[vector<16xi32>, vector<16xi32>], vector<16xf32>,
        %parallel_loop3A_375 = arith.constant 16 : i32
        %parallel_loop3A_376 = arith.muli %parallel_loop3A_176, %parallel_loop3A_375 : i32
        %parallel_loop3A_377 = arith.constant 10 : i32
        %parallel_loop3A_378 = arith.constant 0 : i32
        %parallel_loop3A_379 = arith.constant 0 : i32
        %parallel_loop3A_380 = tpu.memref_slice %arg9[%parallel_loop3A_149, %parallel_loop3A_378, %parallel_loop3A_379] : memref<2x32x320xf32, #tpu.memory_space<vmem>> -> memref<1x32x320xf32, #tpu.memory_space<vmem>>
        %parallel_loop3A_381 = tpu.memref_squeeze %parallel_loop3A_380 : memref<1x32x320xf32, #tpu.memory_space<vmem>> -> memref<32x320xf32, #tpu.memory_space<vmem>>
        %parallel_loop3A_382 = arith.index_cast %parallel_loop3A_377 : i32 to index
        %parallel_loop3A_383 = arith.index_cast %parallel_loop3A_376 : i32 to index
        %parallel_loop3A_384 = tpu.vector_load %parallel_loop3A_381[%parallel_loop3A_382, %parallel_loop3A_383] {strides = array<i32>} : memref<32x320xf32, #tpu.memory_space<vmem>>, vector<16xf32>,
        tpu.vector_store %parallel_loop3A_381[%parallel_loop3A_382, %parallel_loop3A_383], %parallel_loop3A_374 {strides = array<i32>} : memref<32x320xf32, #tpu.memory_space<vmem>>, vector<16xf32>,
        %parallel_loop3A_385 = arith.constant 11 : i32
        %parallel_loop3A_386 = vector.broadcast %parallel_loop3A_385 : i32 to vector<16xi32>
        %parallel_loop3A_387 = arith.addi %parallel_loop3A_186, %parallel_loop3A_386 : vector<16xi32>
        %parallel_loop3A_388 = arith.constant 0 : i32
        %parallel_loop3A_389 = arith.constant 0 : i32
        %parallel_loop3A_390 = tpu.memref_slice %arg8[%parallel_loop3A_148, %parallel_loop3A_388, %parallel_loop3A_389] : memref<2x320x128xf32, #tpu.memory_space<vmem>> -> memref<1x320x128xf32, #tpu.memory_space<vmem>>
        %parallel_loop3A_391 = tpu.memref_squeeze %parallel_loop3A_390 : memref<1x320x128xf32, #tpu.memory_space<vmem>> -> memref<320x128xf32, #tpu.memory_space<vmem>>
        %parallel_loop3A_392 = tpu.vector_load_idx %parallel_loop3A_391[%parallel_loop3A_181, %parallel_loop3A_387] : memref<320x128xf32, #tpu.memory_space<vmem>>[vector<16xi32>, vector<16xi32>], vector<16xf32>,
        %parallel_loop3A_393 = arith.constant 16 : i32
        %parallel_loop3A_394 = arith.muli %parallel_loop3A_176, %parallel_loop3A_393 : i32
        %parallel_loop3A_395 = arith.constant 11 : i32
        %parallel_loop3A_396 = arith.constant 0 : i32
        %parallel_loop3A_397 = arith.constant 0 : i32
        %parallel_loop3A_398 = tpu.memref_slice %arg9[%parallel_loop3A_149, %parallel_loop3A_396, %parallel_loop3A_397] : memref<2x32x320xf32, #tpu.memory_space<vmem>> -> memref<1x32x320xf32, #tpu.memory_space<vmem>>
        %parallel_loop3A_399 = tpu.memref_squeeze %parallel_loop3A_398 : memref<1x32x320xf32, #tpu.memory_space<vmem>> -> memref<32x320xf32, #tpu.memory_space<vmem>>
        %parallel_loop3A_400 = arith.index_cast %parallel_loop3A_395 : i32 to index
        %parallel_loop3A_401 = arith.index_cast %parallel_loop3A_394 : i32 to index
        %parallel_loop3A_402 = tpu.vector_load %parallel_loop3A_399[%parallel_loop3A_400, %parallel_loop3A_401] {strides = array<i32>} : memref<32x320xf32, #tpu.memory_space<vmem>>, vector<16xf32>,
        tpu.vector_store %parallel_loop3A_399[%parallel_loop3A_400, %parallel_loop3A_401], %parallel_loop3A_392 {strides = array<i32>} : memref<32x320xf32, #tpu.memory_space<vmem>>, vector<16xf32>,
        %parallel_loop3A_403 = arith.constant 12 : i32
        %parallel_loop3A_404 = vector.broadcast %parallel_loop3A_403 : i32 to vector<16xi32>
        %parallel_loop3A_405 = arith.addi %parallel_loop3A_186, %parallel_loop3A_404 : vector<16xi32>
        %parallel_loop3A_406 = arith.constant 0 : i32
        %parallel_loop3A_407 = arith.constant 0 : i32
        %parallel_loop3A_408 = tpu.memref_slice %arg8[%parallel_loop3A_148, %parallel_loop3A_406, %parallel_loop3A_407] : memref<2x320x128xf32, #tpu.memory_space<vmem>> -> memref<1x320x128xf32, #tpu.memory_space<vmem>>
        %parallel_loop3A_409 = tpu.memref_squeeze %parallel_loop3A_408 : memref<1x320x128xf32, #tpu.memory_space<vmem>> -> memref<320x128xf32, #tpu.memory_space<vmem>>
        %parallel_loop3A_410 = tpu.vector_load_idx %parallel_loop3A_409[%parallel_loop3A_181, %parallel_loop3A_405] : memref<320x128xf32, #tpu.memory_space<vmem>>[vector<16xi32>, vector<16xi32>], vector<16xf32>,
        %parallel_loop3A_411 = arith.constant 16 : i32
        %parallel_loop3A_412 = arith.muli %parallel_loop3A_176, %parallel_loop3A_411 : i32
        %parallel_loop3A_413 = arith.constant 12 : i32
        %parallel_loop3A_414 = arith.constant 0 : i32
        %parallel_loop3A_415 = arith.constant 0 : i32
        %parallel_loop3A_416 = tpu.memref_slice %arg9[%parallel_loop3A_149, %parallel_loop3A_414, %parallel_loop3A_415] : memref<2x32x320xf32, #tpu.memory_space<vmem>> -> memref<1x32x320xf32, #tpu.memory_space<vmem>>
        %parallel_loop3A_417 = tpu.memref_squeeze %parallel_loop3A_416 : memref<1x32x320xf32, #tpu.memory_space<vmem>> -> memref<32x320xf32, #tpu.memory_space<vmem>>
        %parallel_loop3A_418 = arith.index_cast %parallel_loop3A_413 : i32 to index
        %parallel_loop3A_419 = arith.index_cast %parallel_loop3A_412 : i32 to index
        %parallel_loop3A_420 = tpu.vector_load %parallel_loop3A_417[%parallel_loop3A_418, %parallel_loop3A_419] {strides = array<i32>} : memref<32x320xf32, #tpu.memory_space<vmem>>, vector<16xf32>,
        tpu.vector_store %parallel_loop3A_417[%parallel_loop3A_418, %parallel_loop3A_419], %parallel_loop3A_410 {strides = array<i32>} : memref<32x320xf32, #tpu.memory_space<vmem>>, vector<16xf32>,
        %parallel_loop3A_421 = arith.constant 13 : i32
        %parallel_loop3A_422 = vector.broadcast %parallel_loop3A_421 : i32 to vector<16xi32>
        %parallel_loop3A_423 = arith.addi %parallel_loop3A_186, %parallel_loop3A_422 : vector<16xi32>
        %parallel_loop3A_424 = arith.constant 0 : i32
        %parallel_loop3A_425 = arith.constant 0 : i32
        %parallel_loop3A_426 = tpu.memref_slice %arg8[%parallel_loop3A_148, %parallel_loop3A_424, %parallel_loop3A_425] : memref<2x320x128xf32, #tpu.memory_space<vmem>> -> memref<1x320x128xf32, #tpu.memory_space<vmem>>
        %parallel_loop3A_427 = tpu.memref_squeeze %parallel_loop3A_426 : memref<1x320x128xf32, #tpu.memory_space<vmem>> -> memref<320x128xf32, #tpu.memory_space<vmem>>
        %parallel_loop3A_428 = tpu.vector_load_idx %parallel_loop3A_427[%parallel_loop3A_181, %parallel_loop3A_423] : memref<320x128xf32, #tpu.memory_space<vmem>>[vector<16xi32>, vector<16xi32>], vector<16xf32>,
        %parallel_loop3A_429 = arith.constant 16 : i32
        %parallel_loop3A_430 = arith.muli %parallel_loop3A_176, %parallel_loop3A_429 : i32
        %parallel_loop3A_431 = arith.constant 13 : i32
        %parallel_loop3A_432 = arith.constant 0 : i32
        %parallel_loop3A_433 = arith.constant 0 : i32
        %parallel_loop3A_434 = tpu.memref_slice %arg9[%parallel_loop3A_149, %parallel_loop3A_432, %parallel_loop3A_433] : memref<2x32x320xf32, #tpu.memory_space<vmem>> -> memref<1x32x320xf32, #tpu.memory_space<vmem>>
        %parallel_loop3A_435 = tpu.memref_squeeze %parallel_loop3A_434 : memref<1x32x320xf32, #tpu.memory_space<vmem>> -> memref<32x320xf32, #tpu.memory_space<vmem>>
        %parallel_loop3A_436 = arith.index_cast %parallel_loop3A_431 : i32 to index
        %parallel_loop3A_437 = arith.index_cast %parallel_loop3A_430 : i32 to index
        %parallel_loop3A_438 = tpu.vector_load %parallel_loop3A_435[%parallel_loop3A_436, %parallel_loop3A_437] {strides = array<i32>} : memref<32x320xf32, #tpu.memory_space<vmem>>, vector<16xf32>,
        tpu.vector_store %parallel_loop3A_435[%parallel_loop3A_436, %parallel_loop3A_437], %parallel_loop3A_428 {strides = array<i32>} : memref<32x320xf32, #tpu.memory_space<vmem>>, vector<16xf32>,
        %parallel_loop3A_439 = arith.constant 14 : i32
        %parallel_loop3A_440 = vector.broadcast %parallel_loop3A_439 : i32 to vector<16xi32>
        %parallel_loop3A_441 = arith.addi %parallel_loop3A_186, %parallel_loop3A_440 : vector<16xi32>
        %parallel_loop3A_442 = arith.constant 0 : i32
        %parallel_loop3A_443 = arith.constant 0 : i32
        %parallel_loop3A_444 = tpu.memref_slice %arg8[%parallel_loop3A_148, %parallel_loop3A_442, %parallel_loop3A_443] : memref<2x320x128xf32, #tpu.memory_space<vmem>> -> memref<1x320x128xf32, #tpu.memory_space<vmem>>
        %parallel_loop3A_445 = tpu.memref_squeeze %parallel_loop3A_444 : memref<1x320x128xf32, #tpu.memory_space<vmem>> -> memref<320x128xf32, #tpu.memory_space<vmem>>
        %parallel_loop3A_446 = tpu.vector_load_idx %parallel_loop3A_445[%parallel_loop3A_181, %parallel_loop3A_441] : memref<320x128xf32, #tpu.memory_space<vmem>>[vector<16xi32>, vector<16xi32>], vector<16xf32>,
        %parallel_loop3A_447 = arith.constant 16 : i32
        %parallel_loop3A_448 = arith.muli %parallel_loop3A_176, %parallel_loop3A_447 : i32
        %parallel_loop3A_449 = arith.constant 14 : i32
        %parallel_loop3A_450 = arith.constant 0 : i32
        %parallel_loop3A_451 = arith.constant 0 : i32
        %parallel_loop3A_452 = tpu.memref_slice %arg9[%parallel_loop3A_149, %parallel_loop3A_450, %parallel_loop3A_451] : memref<2x32x320xf32, #tpu.memory_space<vmem>> -> memref<1x32x320xf32, #tpu.memory_space<vmem>>
        %parallel_loop3A_453 = tpu.memref_squeeze %parallel_loop3A_452 : memref<1x32x320xf32, #tpu.memory_space<vmem>> -> memref<32x320xf32, #tpu.memory_space<vmem>>
        %parallel_loop3A_454 = arith.index_cast %parallel_loop3A_449 : i32 to index
        %parallel_loop3A_455 = arith.index_cast %parallel_loop3A_448 : i32 to index
        %parallel_loop3A_456 = tpu.vector_load %parallel_loop3A_453[%parallel_loop3A_454, %parallel_loop3A_455] {strides = array<i32>} : memref<32x320xf32, #tpu.memory_space<vmem>>, vector<16xf32>,
        tpu.vector_store %parallel_loop3A_453[%parallel_loop3A_454, %parallel_loop3A_455], %parallel_loop3A_446 {strides = array<i32>} : memref<32x320xf32, #tpu.memory_space<vmem>>, vector<16xf32>,
        %parallel_loop3A_457 = arith.constant 15 : i32
        %parallel_loop3A_458 = vector.broadcast %parallel_loop3A_457 : i32 to vector<16xi32>
        %parallel_loop3A_459 = arith.addi %parallel_loop3A_186, %parallel_loop3A_458 : vector<16xi32>
        %parallel_loop3A_460 = arith.constant 0 : i32
        %parallel_loop3A_461 = arith.constant 0 : i32
        %parallel_loop3A_462 = tpu.memref_slice %arg8[%parallel_loop3A_148, %parallel_loop3A_460, %parallel_loop3A_461] : memref<2x320x128xf32, #tpu.memory_space<vmem>> -> memref<1x320x128xf32, #tpu.memory_space<vmem>>
        %parallel_loop3A_463 = tpu.memref_squeeze %parallel_loop3A_462 : memref<1x320x128xf32, #tpu.memory_space<vmem>> -> memref<320x128xf32, #tpu.memory_space<vmem>>
        %parallel_loop3A_464 = tpu.vector_load_idx %parallel_loop3A_463[%parallel_loop3A_181, %parallel_loop3A_459] : memref<320x128xf32, #tpu.memory_space<vmem>>[vector<16xi32>, vector<16xi32>], vector<16xf32>,
        %parallel_loop3A_465 = arith.constant 16 : i32
        %parallel_loop3A_466 = arith.muli %parallel_loop3A_176, %parallel_loop3A_465 : i32
        %parallel_loop3A_467 = arith.constant 15 : i32
        %parallel_loop3A_468 = arith.constant 0 : i32
        %parallel_loop3A_469 = arith.constant 0 : i32
        %parallel_loop3A_470 = tpu.memref_slice %arg9[%parallel_loop3A_149, %parallel_loop3A_468, %parallel_loop3A_469] : memref<2x32x320xf32, #tpu.memory_space<vmem>> -> memref<1x32x320xf32, #tpu.memory_space<vmem>>
        %parallel_loop3A_471 = tpu.memref_squeeze %parallel_loop3A_470 : memref<1x32x320xf32, #tpu.memory_space<vmem>> -> memref<32x320xf32, #tpu.memory_space<vmem>>
        %parallel_loop3A_472 = arith.index_cast %parallel_loop3A_467 : i32 to index
        %parallel_loop3A_473 = arith.index_cast %parallel_loop3A_466 : i32 to index
        %parallel_loop3A_474 = tpu.vector_load %parallel_loop3A_471[%parallel_loop3A_472, %parallel_loop3A_473] {strides = array<i32>} : memref<32x320xf32, #tpu.memory_space<vmem>>, vector<16xf32>,
        tpu.vector_store %parallel_loop3A_471[%parallel_loop3A_472, %parallel_loop3A_473], %parallel_loop3A_464 {strides = array<i32>} : memref<32x320xf32, #tpu.memory_space<vmem>>, vector<16xf32>,
        %parallel_loop3A_475 = arith.constant 16 : i32
        %parallel_loop3A_476 = vector.broadcast %parallel_loop3A_475 : i32 to vector<16xi32>
        %parallel_loop3A_477 = arith.addi %parallel_loop3A_186, %parallel_loop3A_476 : vector<16xi32>
        %parallel_loop3A_478 = arith.constant 0 : i32
        %parallel_loop3A_479 = arith.constant 0 : i32
        %parallel_loop3A_480 = tpu.memref_slice %arg8[%parallel_loop3A_148, %parallel_loop3A_478, %parallel_loop3A_479] : memref<2x320x128xf32, #tpu.memory_space<vmem>> -> memref<1x320x128xf32, #tpu.memory_space<vmem>>
        %parallel_loop3A_481 = tpu.memref_squeeze %parallel_loop3A_480 : memref<1x320x128xf32, #tpu.memory_space<vmem>> -> memref<320x128xf32, #tpu.memory_space<vmem>>
        %parallel_loop3A_482 = tpu.vector_load_idx %parallel_loop3A_481[%parallel_loop3A_181, %parallel_loop3A_477] : memref<320x128xf32, #tpu.memory_space<vmem>>[vector<16xi32>, vector<16xi32>], vector<16xf32>,
        %parallel_loop3A_483 = arith.constant 16 : i32
        %parallel_loop3A_484 = arith.muli %parallel_loop3A_176, %parallel_loop3A_483 : i32
        %parallel_loop3A_485 = arith.constant 16 : i32
        %parallel_loop3A_486 = arith.constant 0 : i32
        %parallel_loop3A_487 = arith.constant 0 : i32
        %parallel_loop3A_488 = tpu.memref_slice %arg9[%parallel_loop3A_149, %parallel_loop3A_486, %parallel_loop3A_487] : memref<2x32x320xf32, #tpu.memory_space<vmem>> -> memref<1x32x320xf32, #tpu.memory_space<vmem>>
        %parallel_loop3A_489 = tpu.memref_squeeze %parallel_loop3A_488 : memref<1x32x320xf32, #tpu.memory_space<vmem>> -> memref<32x320xf32, #tpu.memory_space<vmem>>
        %parallel_loop3A_490 = arith.index_cast %parallel_loop3A_485 : i32 to index
        %parallel_loop3A_491 = arith.index_cast %parallel_loop3A_484 : i32 to index
        %parallel_loop3A_492 = tpu.vector_load %parallel_loop3A_489[%parallel_loop3A_490, %parallel_loop3A_491] {strides = array<i32>} : memref<32x320xf32, #tpu.memory_space<vmem>>, vector<16xf32>,
        tpu.vector_store %parallel_loop3A_489[%parallel_loop3A_490, %parallel_loop3A_491], %parallel_loop3A_482 {strides = array<i32>} : memref<32x320xf32, #tpu.memory_space<vmem>>, vector<16xf32>,
        %parallel_loop3A_493 = arith.constant 17 : i32
        %parallel_loop3A_494 = vector.broadcast %parallel_loop3A_493 : i32 to vector<16xi32>
        %parallel_loop3A_495 = arith.addi %parallel_loop3A_186, %parallel_loop3A_494 : vector<16xi32>
        %parallel_loop3A_496 = arith.constant 0 : i32
        %parallel_loop3A_497 = arith.constant 0 : i32
        %parallel_loop3A_498 = tpu.memref_slice %arg8[%parallel_loop3A_148, %parallel_loop3A_496, %parallel_loop3A_497] : memref<2x320x128xf32, #tpu.memory_space<vmem>> -> memref<1x320x128xf32, #tpu.memory_space<vmem>>
        %parallel_loop3A_499 = tpu.memref_squeeze %parallel_loop3A_498 : memref<1x320x128xf32, #tpu.memory_space<vmem>> -> memref<320x128xf32, #tpu.memory_space<vmem>>
        %parallel_loop3A_500 = tpu.vector_load_idx %parallel_loop3A_499[%parallel_loop3A_181, %parallel_loop3A_495] : memref<320x128xf32, #tpu.memory_space<vmem>>[vector<16xi32>, vector<16xi32>], vector<16xf32>,
        %parallel_loop3A_501 = arith.constant 16 : i32
        %parallel_loop3A_502 = arith.muli %parallel_loop3A_176, %parallel_loop3A_501 : i32
        %parallel_loop3A_503 = arith.constant 17 : i32
        %parallel_loop3A_504 = arith.constant 0 : i32
        %parallel_loop3A_505 = arith.constant 0 : i32
        %parallel_loop3A_506 = tpu.memref_slice %arg9[%parallel_loop3A_149, %parallel_loop3A_504, %parallel_loop3A_505] : memref<2x32x320xf32, #tpu.memory_space<vmem>> -> memref<1x32x320xf32, #tpu.memory_space<vmem>>
        %parallel_loop3A_507 = tpu.memref_squeeze %parallel_loop3A_506 : memref<1x32x320xf32, #tpu.memory_space<vmem>> -> memref<32x320xf32, #tpu.memory_space<vmem>>
        %parallel_loop3A_508 = arith.index_cast %parallel_loop3A_503 : i32 to index
        %parallel_loop3A_509 = arith.index_cast %parallel_loop3A_502 : i32 to index
        %parallel_loop3A_510 = tpu.vector_load %parallel_loop3A_507[%parallel_loop3A_508, %parallel_loop3A_509] {strides = array<i32>} : memref<32x320xf32, #tpu.memory_space<vmem>>, vector<16xf32>,
        tpu.vector_store %parallel_loop3A_507[%parallel_loop3A_508, %parallel_loop3A_509], %parallel_loop3A_500 {strides = array<i32>} : memref<32x320xf32, #tpu.memory_space<vmem>>, vector<16xf32>,
        %parallel_loop3A_511 = arith.constant 18 : i32
        %parallel_loop3A_512 = vector.broadcast %parallel_loop3A_511 : i32 to vector<16xi32>
        %parallel_loop3A_513 = arith.addi %parallel_loop3A_186, %parallel_loop3A_512 : vector<16xi32>
        %parallel_loop3A_514 = arith.constant 0 : i32
        %parallel_loop3A_515 = arith.constant 0 : i32
        %parallel_loop3A_516 = tpu.memref_slice %arg8[%parallel_loop3A_148, %parallel_loop3A_514, %parallel_loop3A_515] : memref<2x320x128xf32, #tpu.memory_space<vmem>> -> memref<1x320x128xf32, #tpu.memory_space<vmem>>
        %parallel_loop3A_517 = tpu.memref_squeeze %parallel_loop3A_516 : memref<1x320x128xf32, #tpu.memory_space<vmem>> -> memref<320x128xf32, #tpu.memory_space<vmem>>
        %parallel_loop3A_518 = tpu.vector_load_idx %parallel_loop3A_517[%parallel_loop3A_181, %parallel_loop3A_513] : memref<320x128xf32, #tpu.memory_space<vmem>>[vector<16xi32>, vector<16xi32>], vector<16xf32>,
        %parallel_loop3A_519 = arith.constant 16 : i32
        %parallel_loop3A_520 = arith.muli %parallel_loop3A_176, %parallel_loop3A_519 : i32
        %parallel_loop3A_521 = arith.constant 18 : i32
        %parallel_loop3A_522 = arith.constant 0 : i32
        %parallel_loop3A_523 = arith.constant 0 : i32
        %parallel_loop3A_524 = tpu.memref_slice %arg9[%parallel_loop3A_149, %parallel_loop3A_522, %parallel_loop3A_523] : memref<2x32x320xf32, #tpu.memory_space<vmem>> -> memref<1x32x320xf32, #tpu.memory_space<vmem>>
        %parallel_loop3A_525 = tpu.memref_squeeze %parallel_loop3A_524 : memref<1x32x320xf32, #tpu.memory_space<vmem>> -> memref<32x320xf32, #tpu.memory_space<vmem>>
        %parallel_loop3A_526 = arith.index_cast %parallel_loop3A_521 : i32 to index
        %parallel_loop3A_527 = arith.index_cast %parallel_loop3A_520 : i32 to index
        %parallel_loop3A_528 = tpu.vector_load %parallel_loop3A_525[%parallel_loop3A_526, %parallel_loop3A_527] {strides = array<i32>} : memref<32x320xf32, #tpu.memory_space<vmem>>, vector<16xf32>,
        tpu.vector_store %parallel_loop3A_525[%parallel_loop3A_526, %parallel_loop3A_527], %parallel_loop3A_518 {strides = array<i32>} : memref<32x320xf32, #tpu.memory_space<vmem>>, vector<16xf32>,
        %parallel_loop3A_529 = arith.constant 19 : i32
        %parallel_loop3A_530 = vector.broadcast %parallel_loop3A_529 : i32 to vector<16xi32>
        %parallel_loop3A_531 = arith.addi %parallel_loop3A_186, %parallel_loop3A_530 : vector<16xi32>
        %parallel_loop3A_532 = arith.constant 0 : i32
        %parallel_loop3A_533 = arith.constant 0 : i32
        %parallel_loop3A_534 = tpu.memref_slice %arg8[%parallel_loop3A_148, %parallel_loop3A_532, %parallel_loop3A_533] : memref<2x320x128xf32, #tpu.memory_space<vmem>> -> memref<1x320x128xf32, #tpu.memory_space<vmem>>
        %parallel_loop3A_535 = tpu.memref_squeeze %parallel_loop3A_534 : memref<1x320x128xf32, #tpu.memory_space<vmem>> -> memref<320x128xf32, #tpu.memory_space<vmem>>
        %parallel_loop3A_536 = tpu.vector_load_idx %parallel_loop3A_535[%parallel_loop3A_181, %parallel_loop3A_531] : memref<320x128xf32, #tpu.memory_space<vmem>>[vector<16xi32>, vector<16xi32>], vector<16xf32>,
        %parallel_loop3A_537 = arith.constant 16 : i32
        %parallel_loop3A_538 = arith.muli %parallel_loop3A_176, %parallel_loop3A_537 : i32
        %parallel_loop3A_539 = arith.constant 19 : i32
        %parallel_loop3A_540 = arith.constant 0 : i32
        %parallel_loop3A_541 = arith.constant 0 : i32
        %parallel_loop3A_542 = tpu.memref_slice %arg9[%parallel_loop3A_149, %parallel_loop3A_540, %parallel_loop3A_541] : memref<2x32x320xf32, #tpu.memory_space<vmem>> -> memref<1x32x320xf32, #tpu.memory_space<vmem>>
        %parallel_loop3A_543 = tpu.memref_squeeze %parallel_loop3A_542 : memref<1x32x320xf32, #tpu.memory_space<vmem>> -> memref<32x320xf32, #tpu.memory_space<vmem>>
        %parallel_loop3A_544 = arith.index_cast %parallel_loop3A_539 : i32 to index
        %parallel_loop3A_545 = arith.index_cast %parallel_loop3A_538 : i32 to index
        %parallel_loop3A_546 = tpu.vector_load %parallel_loop3A_543[%parallel_loop3A_544, %parallel_loop3A_545] {strides = array<i32>} : memref<32x320xf32, #tpu.memory_space<vmem>>, vector<16xf32>,
        tpu.vector_store %parallel_loop3A_543[%parallel_loop3A_544, %parallel_loop3A_545], %parallel_loop3A_536 {strides = array<i32>} : memref<32x320xf32, #tpu.memory_space<vmem>>, vector<16xf32>,
        %parallel_loop3A_547 = arith.constant 20 : i32
        %parallel_loop3A_548 = vector.broadcast %parallel_loop3A_547 : i32 to vector<16xi32>
        %parallel_loop3A_549 = arith.addi %parallel_loop3A_186, %parallel_loop3A_548 : vector<16xi32>
        %parallel_loop3A_550 = arith.constant 0 : i32
        %parallel_loop3A_551 = arith.constant 0 : i32
        %parallel_loop3A_552 = tpu.memref_slice %arg8[%parallel_loop3A_148, %parallel_loop3A_550, %parallel_loop3A_551] : memref<2x320x128xf32, #tpu.memory_space<vmem>> -> memref<1x320x128xf32, #tpu.memory_space<vmem>>
        %parallel_loop3A_553 = tpu.memref_squeeze %parallel_loop3A_552 : memref<1x320x128xf32, #tpu.memory_space<vmem>> -> memref<320x128xf32, #tpu.memory_space<vmem>>
        %parallel_loop3A_554 = tpu.vector_load_idx %parallel_loop3A_553[%parallel_loop3A_181, %parallel_loop3A_549] : memref<320x128xf32, #tpu.memory_space<vmem>>[vector<16xi32>, vector<16xi32>], vector<16xf32>,
        %parallel_loop3A_555 = arith.constant 16 : i32
        %parallel_loop3A_556 = arith.muli %parallel_loop3A_176, %parallel_loop3A_555 : i32
        %parallel_loop3A_557 = arith.constant 20 : i32
        %parallel_loop3A_558 = arith.constant 0 : i32
        %parallel_loop3A_559 = arith.constant 0 : i32
        %parallel_loop3A_560 = tpu.memref_slice %arg9[%parallel_loop3A_149, %parallel_loop3A_558, %parallel_loop3A_559] : memref<2x32x320xf32, #tpu.memory_space<vmem>> -> memref<1x32x320xf32, #tpu.memory_space<vmem>>
        %parallel_loop3A_561 = tpu.memref_squeeze %parallel_loop3A_560 : memref<1x32x320xf32, #tpu.memory_space<vmem>> -> memref<32x320xf32, #tpu.memory_space<vmem>>
        %parallel_loop3A_562 = arith.index_cast %parallel_loop3A_557 : i32 to index
        %parallel_loop3A_563 = arith.index_cast %parallel_loop3A_556 : i32 to index
        %parallel_loop3A_564 = tpu.vector_load %parallel_loop3A_561[%parallel_loop3A_562, %parallel_loop3A_563] {strides = array<i32>} : memref<32x320xf32, #tpu.memory_space<vmem>>, vector<16xf32>,
        tpu.vector_store %parallel_loop3A_561[%parallel_loop3A_562, %parallel_loop3A_563], %parallel_loop3A_554 {strides = array<i32>} : memref<32x320xf32, #tpu.memory_space<vmem>>, vector<16xf32>,
        %parallel_loop3A_565 = arith.constant 21 : i32
        %parallel_loop3A_566 = vector.broadcast %parallel_loop3A_565 : i32 to vector<16xi32>
        %parallel_loop3A_567 = arith.addi %parallel_loop3A_186, %parallel_loop3A_566 : vector<16xi32>
        %parallel_loop3A_568 = arith.constant 0 : i32
        %parallel_loop3A_569 = arith.constant 0 : i32
        %parallel_loop3A_570 = tpu.memref_slice %arg8[%parallel_loop3A_148, %parallel_loop3A_568, %parallel_loop3A_569] : memref<2x320x128xf32, #tpu.memory_space<vmem>> -> memref<1x320x128xf32, #tpu.memory_space<vmem>>
        %parallel_loop3A_571 = tpu.memref_squeeze %parallel_loop3A_570 : memref<1x320x128xf32, #tpu.memory_space<vmem>> -> memref<320x128xf32, #tpu.memory_space<vmem>>
        %parallel_loop3A_572 = tpu.vector_load_idx %parallel_loop3A_571[%parallel_loop3A_181, %parallel_loop3A_567] : memref<320x128xf32, #tpu.memory_space<vmem>>[vector<16xi32>, vector<16xi32>], vector<16xf32>,
        %parallel_loop3A_573 = arith.constant 16 : i32
        %parallel_loop3A_574 = arith.muli %parallel_loop3A_176, %parallel_loop3A_573 : i32
        %parallel_loop3A_575 = arith.constant 21 : i32
        %parallel_loop3A_576 = arith.constant 0 : i32
        %parallel_loop3A_577 = arith.constant 0 : i32
        %parallel_loop3A_578 = tpu.memref_slice %arg9[%parallel_loop3A_149, %parallel_loop3A_576, %parallel_loop3A_577] : memref<2x32x320xf32, #tpu.memory_space<vmem>> -> memref<1x32x320xf32, #tpu.memory_space<vmem>>
        %parallel_loop3A_579 = tpu.memref_squeeze %parallel_loop3A_578 : memref<1x32x320xf32, #tpu.memory_space<vmem>> -> memref<32x320xf32, #tpu.memory_space<vmem>>
        %parallel_loop3A_580 = arith.index_cast %parallel_loop3A_575 : i32 to index
        %parallel_loop3A_581 = arith.index_cast %parallel_loop3A_574 : i32 to index
        %parallel_loop3A_582 = tpu.vector_load %parallel_loop3A_579[%parallel_loop3A_580, %parallel_loop3A_581] {strides = array<i32>} : memref<32x320xf32, #tpu.memory_space<vmem>>, vector<16xf32>,
        tpu.vector_store %parallel_loop3A_579[%parallel_loop3A_580, %parallel_loop3A_581], %parallel_loop3A_572 {strides = array<i32>} : memref<32x320xf32, #tpu.memory_space<vmem>>, vector<16xf32>,
        %parallel_loop3A_583 = arith.constant 22 : i32
        %parallel_loop3A_584 = vector.broadcast %parallel_loop3A_583 : i32 to vector<16xi32>
        %parallel_loop3A_585 = arith.addi %parallel_loop3A_186, %parallel_loop3A_584 : vector<16xi32>
        %parallel_loop3A_586 = arith.constant 0 : i32
        %parallel_loop3A_587 = arith.constant 0 : i32
        %parallel_loop3A_588 = tpu.memref_slice %arg8[%parallel_loop3A_148, %parallel_loop3A_586, %parallel_loop3A_587] : memref<2x320x128xf32, #tpu.memory_space<vmem>> -> memref<1x320x128xf32, #tpu.memory_space<vmem>>
        %parallel_loop3A_589 = tpu.memref_squeeze %parallel_loop3A_588 : memref<1x320x128xf32, #tpu.memory_space<vmem>> -> memref<320x128xf32, #tpu.memory_space<vmem>>
        %parallel_loop3A_590 = tpu.vector_load_idx %parallel_loop3A_589[%parallel_loop3A_181, %parallel_loop3A_585] : memref<320x128xf32, #tpu.memory_space<vmem>>[vector<16xi32>, vector<16xi32>], vector<16xf32>,
        %parallel_loop3A_591 = arith.constant 16 : i32
        %parallel_loop3A_592 = arith.muli %parallel_loop3A_176, %parallel_loop3A_591 : i32
        %parallel_loop3A_593 = arith.constant 22 : i32
        %parallel_loop3A_594 = arith.constant 0 : i32
        %parallel_loop3A_595 = arith.constant 0 : i32
        %parallel_loop3A_596 = tpu.memref_slice %arg9[%parallel_loop3A_149, %parallel_loop3A_594, %parallel_loop3A_595] : memref<2x32x320xf32, #tpu.memory_space<vmem>> -> memref<1x32x320xf32, #tpu.memory_space<vmem>>
        %parallel_loop3A_597 = tpu.memref_squeeze %parallel_loop3A_596 : memref<1x32x320xf32, #tpu.memory_space<vmem>> -> memref<32x320xf32, #tpu.memory_space<vmem>>
        %parallel_loop3A_598 = arith.index_cast %parallel_loop3A_593 : i32 to index
        %parallel_loop3A_599 = arith.index_cast %parallel_loop3A_592 : i32 to index
        %parallel_loop3A_600 = tpu.vector_load %parallel_loop3A_597[%parallel_loop3A_598, %parallel_loop3A_599] {strides = array<i32>} : memref<32x320xf32, #tpu.memory_space<vmem>>, vector<16xf32>,
        tpu.vector_store %parallel_loop3A_597[%parallel_loop3A_598, %parallel_loop3A_599], %parallel_loop3A_590 {strides = array<i32>} : memref<32x320xf32, #tpu.memory_space<vmem>>, vector<16xf32>,
        %parallel_loop3A_601 = arith.constant 23 : i32
        %parallel_loop3A_602 = vector.broadcast %parallel_loop3A_601 : i32 to vector<16xi32>
        %parallel_loop3A_603 = arith.addi %parallel_loop3A_186, %parallel_loop3A_602 : vector<16xi32>
        %parallel_loop3A_604 = arith.constant 0 : i32
        %parallel_loop3A_605 = arith.constant 0 : i32
        %parallel_loop3A_606 = tpu.memref_slice %arg8[%parallel_loop3A_148, %parallel_loop3A_604, %parallel_loop3A_605] : memref<2x320x128xf32, #tpu.memory_space<vmem>> -> memref<1x320x128xf32, #tpu.memory_space<vmem>>
        %parallel_loop3A_607 = tpu.memref_squeeze %parallel_loop3A_606 : memref<1x320x128xf32, #tpu.memory_space<vmem>> -> memref<320x128xf32, #tpu.memory_space<vmem>>
        %parallel_loop3A_608 = tpu.vector_load_idx %parallel_loop3A_607[%parallel_loop3A_181, %parallel_loop3A_603] : memref<320x128xf32, #tpu.memory_space<vmem>>[vector<16xi32>, vector<16xi32>], vector<16xf32>,
        %parallel_loop3A_609 = arith.constant 16 : i32
        %parallel_loop3A_610 = arith.muli %parallel_loop3A_176, %parallel_loop3A_609 : i32
        %parallel_loop3A_611 = arith.constant 23 : i32
        %parallel_loop3A_612 = arith.constant 0 : i32
        %parallel_loop3A_613 = arith.constant 0 : i32
        %parallel_loop3A_614 = tpu.memref_slice %arg9[%parallel_loop3A_149, %parallel_loop3A_612, %parallel_loop3A_613] : memref<2x32x320xf32, #tpu.memory_space<vmem>> -> memref<1x32x320xf32, #tpu.memory_space<vmem>>
        %parallel_loop3A_615 = tpu.memref_squeeze %parallel_loop3A_614 : memref<1x32x320xf32, #tpu.memory_space<vmem>> -> memref<32x320xf32, #tpu.memory_space<vmem>>
        %parallel_loop3A_616 = arith.index_cast %parallel_loop3A_611 : i32 to index
        %parallel_loop3A_617 = arith.index_cast %parallel_loop3A_610 : i32 to index
        %parallel_loop3A_618 = tpu.vector_load %parallel_loop3A_615[%parallel_loop3A_616, %parallel_loop3A_617] {strides = array<i32>} : memref<32x320xf32, #tpu.memory_space<vmem>>, vector<16xf32>,
        tpu.vector_store %parallel_loop3A_615[%parallel_loop3A_616, %parallel_loop3A_617], %parallel_loop3A_608 {strides = array<i32>} : memref<32x320xf32, #tpu.memory_space<vmem>>, vector<16xf32>,
        %parallel_loop3A_619 = arith.constant 24 : i32
        %parallel_loop3A_620 = vector.broadcast %parallel_loop3A_619 : i32 to vector<16xi32>
        %parallel_loop3A_621 = arith.addi %parallel_loop3A_186, %parallel_loop3A_620 : vector<16xi32>
        %parallel_loop3A_622 = arith.constant 0 : i32
        %parallel_loop3A_623 = arith.constant 0 : i32
        %parallel_loop3A_624 = tpu.memref_slice %arg8[%parallel_loop3A_148, %parallel_loop3A_622, %parallel_loop3A_623] : memref<2x320x128xf32, #tpu.memory_space<vmem>> -> memref<1x320x128xf32, #tpu.memory_space<vmem>>
        %parallel_loop3A_625 = tpu.memref_squeeze %parallel_loop3A_624 : memref<1x320x128xf32, #tpu.memory_space<vmem>> -> memref<320x128xf32, #tpu.memory_space<vmem>>
        %parallel_loop3A_626 = tpu.vector_load_idx %parallel_loop3A_625[%parallel_loop3A_181, %parallel_loop3A_621] : memref<320x128xf32, #tpu.memory_space<vmem>>[vector<16xi32>, vector<16xi32>], vector<16xf32>,
        %parallel_loop3A_627 = arith.constant 16 : i32
        %parallel_loop3A_628 = arith.muli %parallel_loop3A_176, %parallel_loop3A_627 : i32
        %parallel_loop3A_629 = arith.constant 24 : i32
        %parallel_loop3A_630 = arith.constant 0 : i32
        %parallel_loop3A_631 = arith.constant 0 : i32
        %parallel_loop3A_632 = tpu.memref_slice %arg9[%parallel_loop3A_149, %parallel_loop3A_630, %parallel_loop3A_631] : memref<2x32x320xf32, #tpu.memory_space<vmem>> -> memref<1x32x320xf32, #tpu.memory_space<vmem>>
        %parallel_loop3A_633 = tpu.memref_squeeze %parallel_loop3A_632 : memref<1x32x320xf32, #tpu.memory_space<vmem>> -> memref<32x320xf32, #tpu.memory_space<vmem>>
        %parallel_loop3A_634 = arith.index_cast %parallel_loop3A_629 : i32 to index
        %parallel_loop3A_635 = arith.index_cast %parallel_loop3A_628 : i32 to index
        %parallel_loop3A_636 = tpu.vector_load %parallel_loop3A_633[%parallel_loop3A_634, %parallel_loop3A_635] {strides = array<i32>} : memref<32x320xf32, #tpu.memory_space<vmem>>, vector<16xf32>,
        tpu.vector_store %parallel_loop3A_633[%parallel_loop3A_634, %parallel_loop3A_635], %parallel_loop3A_626 {strides = array<i32>} : memref<32x320xf32, #tpu.memory_space<vmem>>, vector<16xf32>,
        %parallel_loop3A_637 = arith.constant 25 : i32
        %parallel_loop3A_638 = vector.broadcast %parallel_loop3A_637 : i32 to vector<16xi32>
        %parallel_loop3A_639 = arith.addi %parallel_loop3A_186, %parallel_loop3A_638 : vector<16xi32>
        %parallel_loop3A_640 = arith.constant 0 : i32
        %parallel_loop3A_641 = arith.constant 0 : i32
        %parallel_loop3A_642 = tpu.memref_slice %arg8[%parallel_loop3A_148, %parallel_loop3A_640, %parallel_loop3A_641] : memref<2x320x128xf32, #tpu.memory_space<vmem>> -> memref<1x320x128xf32, #tpu.memory_space<vmem>>
        %parallel_loop3A_643 = tpu.memref_squeeze %parallel_loop3A_642 : memref<1x320x128xf32, #tpu.memory_space<vmem>> -> memref<320x128xf32, #tpu.memory_space<vmem>>
        %parallel_loop3A_644 = tpu.vector_load_idx %parallel_loop3A_643[%parallel_loop3A_181, %parallel_loop3A_639] : memref<320x128xf32, #tpu.memory_space<vmem>>[vector<16xi32>, vector<16xi32>], vector<16xf32>,
        %parallel_loop3A_645 = arith.constant 16 : i32
        %parallel_loop3A_646 = arith.muli %parallel_loop3A_176, %parallel_loop3A_645 : i32
        %parallel_loop3A_647 = arith.constant 25 : i32
        %parallel_loop3A_648 = arith.constant 0 : i32
        %parallel_loop3A_649 = arith.constant 0 : i32
        %parallel_loop3A_650 = tpu.memref_slice %arg9[%parallel_loop3A_149, %parallel_loop3A_648, %parallel_loop3A_649] : memref<2x32x320xf32, #tpu.memory_space<vmem>> -> memref<1x32x320xf32, #tpu.memory_space<vmem>>
        %parallel_loop3A_651 = tpu.memref_squeeze %parallel_loop3A_650 : memref<1x32x320xf32, #tpu.memory_space<vmem>> -> memref<32x320xf32, #tpu.memory_space<vmem>>
        %parallel_loop3A_652 = arith.index_cast %parallel_loop3A_647 : i32 to index
        %parallel_loop3A_653 = arith.index_cast %parallel_loop3A_646 : i32 to index
        %parallel_loop3A_654 = tpu.vector_load %parallel_loop3A_651[%parallel_loop3A_652, %parallel_loop3A_653] {strides = array<i32>} : memref<32x320xf32, #tpu.memory_space<vmem>>, vector<16xf32>,
        tpu.vector_store %parallel_loop3A_651[%parallel_loop3A_652, %parallel_loop3A_653], %parallel_loop3A_644 {strides = array<i32>} : memref<32x320xf32, #tpu.memory_space<vmem>>, vector<16xf32>,
        %parallel_loop3A_655 = arith.constant 26 : i32
        %parallel_loop3A_656 = vector.broadcast %parallel_loop3A_655 : i32 to vector<16xi32>
        %parallel_loop3A_657 = arith.addi %parallel_loop3A_186, %parallel_loop3A_656 : vector<16xi32>
        %parallel_loop3A_658 = arith.constant 0 : i32
        %parallel_loop3A_659 = arith.constant 0 : i32
        %parallel_loop3A_660 = tpu.memref_slice %arg8[%parallel_loop3A_148, %parallel_loop3A_658, %parallel_loop3A_659] : memref<2x320x128xf32, #tpu.memory_space<vmem>> -> memref<1x320x128xf32, #tpu.memory_space<vmem>>
        %parallel_loop3A_661 = tpu.memref_squeeze %parallel_loop3A_660 : memref<1x320x128xf32, #tpu.memory_space<vmem>> -> memref<320x128xf32, #tpu.memory_space<vmem>>
        %parallel_loop3A_662 = tpu.vector_load_idx %parallel_loop3A_661[%parallel_loop3A_181, %parallel_loop3A_657] : memref<320x128xf32, #tpu.memory_space<vmem>>[vector<16xi32>, vector<16xi32>], vector<16xf32>,
        %parallel_loop3A_663 = arith.constant 16 : i32
        %parallel_loop3A_664 = arith.muli %parallel_loop3A_176, %parallel_loop3A_663 : i32
        %parallel_loop3A_665 = arith.constant 26 : i32
        %parallel_loop3A_666 = arith.constant 0 : i32
        %parallel_loop3A_667 = arith.constant 0 : i32
        %parallel_loop3A_668 = tpu.memref_slice %arg9[%parallel_loop3A_149, %parallel_loop3A_666, %parallel_loop3A_667] : memref<2x32x320xf32, #tpu.memory_space<vmem>> -> memref<1x32x320xf32, #tpu.memory_space<vmem>>
        %parallel_loop3A_669 = tpu.memref_squeeze %parallel_loop3A_668 : memref<1x32x320xf32, #tpu.memory_space<vmem>> -> memref<32x320xf32, #tpu.memory_space<vmem>>
        %parallel_loop3A_670 = arith.index_cast %parallel_loop3A_665 : i32 to index
        %parallel_loop3A_671 = arith.index_cast %parallel_loop3A_664 : i32 to index
        %parallel_loop3A_672 = tpu.vector_load %parallel_loop3A_669[%parallel_loop3A_670, %parallel_loop3A_671] {strides = array<i32>} : memref<32x320xf32, #tpu.memory_space<vmem>>, vector<16xf32>,
        tpu.vector_store %parallel_loop3A_669[%parallel_loop3A_670, %parallel_loop3A_671], %parallel_loop3A_662 {strides = array<i32>} : memref<32x320xf32, #tpu.memory_space<vmem>>, vector<16xf32>,
        %parallel_loop3A_673 = arith.constant 27 : i32
        %parallel_loop3A_674 = vector.broadcast %parallel_loop3A_673 : i32 to vector<16xi32>
        %parallel_loop3A_675 = arith.addi %parallel_loop3A_186, %parallel_loop3A_674 : vector<16xi32>
        %parallel_loop3A_676 = arith.constant 0 : i32
        %parallel_loop3A_677 = arith.constant 0 : i32
        %parallel_loop3A_678 = tpu.memref_slice %arg8[%parallel_loop3A_148, %parallel_loop3A_676, %parallel_loop3A_677] : memref<2x320x128xf32, #tpu.memory_space<vmem>> -> memref<1x320x128xf32, #tpu.memory_space<vmem>>
        %parallel_loop3A_679 = tpu.memref_squeeze %parallel_loop3A_678 : memref<1x320x128xf32, #tpu.memory_space<vmem>> -> memref<320x128xf32, #tpu.memory_space<vmem>>
        %parallel_loop3A_680 = tpu.vector_load_idx %parallel_loop3A_679[%parallel_loop3A_181, %parallel_loop3A_675] : memref<320x128xf32, #tpu.memory_space<vmem>>[vector<16xi32>, vector<16xi32>], vector<16xf32>,
        %parallel_loop3A_681 = arith.constant 16 : i32
        %parallel_loop3A_682 = arith.muli %parallel_loop3A_176, %parallel_loop3A_681 : i32
        %parallel_loop3A_683 = arith.constant 27 : i32
        %parallel_loop3A_684 = arith.constant 0 : i32
        %parallel_loop3A_685 = arith.constant 0 : i32
        %parallel_loop3A_686 = tpu.memref_slice %arg9[%parallel_loop3A_149, %parallel_loop3A_684, %parallel_loop3A_685] : memref<2x32x320xf32, #tpu.memory_space<vmem>> -> memref<1x32x320xf32, #tpu.memory_space<vmem>>
        %parallel_loop3A_687 = tpu.memref_squeeze %parallel_loop3A_686 : memref<1x32x320xf32, #tpu.memory_space<vmem>> -> memref<32x320xf32, #tpu.memory_space<vmem>>
        %parallel_loop3A_688 = arith.index_cast %parallel_loop3A_683 : i32 to index
        %parallel_loop3A_689 = arith.index_cast %parallel_loop3A_682 : i32 to index
        %parallel_loop3A_690 = tpu.vector_load %parallel_loop3A_687[%parallel_loop3A_688, %parallel_loop3A_689] {strides = array<i32>} : memref<32x320xf32, #tpu.memory_space<vmem>>, vector<16xf32>,
        tpu.vector_store %parallel_loop3A_687[%parallel_loop3A_688, %parallel_loop3A_689], %parallel_loop3A_680 {strides = array<i32>} : memref<32x320xf32, #tpu.memory_space<vmem>>, vector<16xf32>,
        %parallel_loop3A_691 = arith.constant 28 : i32
        %parallel_loop3A_692 = vector.broadcast %parallel_loop3A_691 : i32 to vector<16xi32>
        %parallel_loop3A_693 = arith.addi %parallel_loop3A_186, %parallel_loop3A_692 : vector<16xi32>
        %parallel_loop3A_694 = arith.constant 0 : i32
        %parallel_loop3A_695 = arith.constant 0 : i32
        %parallel_loop3A_696 = tpu.memref_slice %arg8[%parallel_loop3A_148, %parallel_loop3A_694, %parallel_loop3A_695] : memref<2x320x128xf32, #tpu.memory_space<vmem>> -> memref<1x320x128xf32, #tpu.memory_space<vmem>>
        %parallel_loop3A_697 = tpu.memref_squeeze %parallel_loop3A_696 : memref<1x320x128xf32, #tpu.memory_space<vmem>> -> memref<320x128xf32, #tpu.memory_space<vmem>>
        %parallel_loop3A_698 = tpu.vector_load_idx %parallel_loop3A_697[%parallel_loop3A_181, %parallel_loop3A_693] : memref<320x128xf32, #tpu.memory_space<vmem>>[vector<16xi32>, vector<16xi32>], vector<16xf32>,
        %parallel_loop3A_699 = arith.constant 16 : i32
        %parallel_loop3A_700 = arith.muli %parallel_loop3A_176, %parallel_loop3A_699 : i32
        %parallel_loop3A_701 = arith.constant 28 : i32
        %parallel_loop3A_702 = arith.constant 0 : i32
        %parallel_loop3A_703 = arith.constant 0 : i32
        %parallel_loop3A_704 = tpu.memref_slice %arg9[%parallel_loop3A_149, %parallel_loop3A_702, %parallel_loop3A_703] : memref<2x32x320xf32, #tpu.memory_space<vmem>> -> memref<1x32x320xf32, #tpu.memory_space<vmem>>
        %parallel_loop3A_705 = tpu.memref_squeeze %parallel_loop3A_704 : memref<1x32x320xf32, #tpu.memory_space<vmem>> -> memref<32x320xf32, #tpu.memory_space<vmem>>
        %parallel_loop3A_706 = arith.index_cast %parallel_loop3A_701 : i32 to index
        %parallel_loop3A_707 = arith.index_cast %parallel_loop3A_700 : i32 to index
        %parallel_loop3A_708 = tpu.vector_load %parallel_loop3A_705[%parallel_loop3A_706, %parallel_loop3A_707] {strides = array<i32>} : memref<32x320xf32, #tpu.memory_space<vmem>>, vector<16xf32>,
        tpu.vector_store %parallel_loop3A_705[%parallel_loop3A_706, %parallel_loop3A_707], %parallel_loop3A_698 {strides = array<i32>} : memref<32x320xf32, #tpu.memory_space<vmem>>, vector<16xf32>,
        %parallel_loop3A_709 = arith.constant 29 : i32
        %parallel_loop3A_710 = vector.broadcast %parallel_loop3A_709 : i32 to vector<16xi32>
        %parallel_loop3A_711 = arith.addi %parallel_loop3A_186, %parallel_loop3A_710 : vector<16xi32>
        %parallel_loop3A_712 = arith.constant 0 : i32
        %parallel_loop3A_713 = arith.constant 0 : i32
        %parallel_loop3A_714 = tpu.memref_slice %arg8[%parallel_loop3A_148, %parallel_loop3A_712, %parallel_loop3A_713] : memref<2x320x128xf32, #tpu.memory_space<vmem>> -> memref<1x320x128xf32, #tpu.memory_space<vmem>>
        %parallel_loop3A_715 = tpu.memref_squeeze %parallel_loop3A_714 : memref<1x320x128xf32, #tpu.memory_space<vmem>> -> memref<320x128xf32, #tpu.memory_space<vmem>>
        %parallel_loop3A_716 = tpu.vector_load_idx %parallel_loop3A_715[%parallel_loop3A_181, %parallel_loop3A_711] : memref<320x128xf32, #tpu.memory_space<vmem>>[vector<16xi32>, vector<16xi32>], vector<16xf32>,
        %parallel_loop3A_717 = arith.constant 16 : i32
        %parallel_loop3A_718 = arith.muli %parallel_loop3A_176, %parallel_loop3A_717 : i32
        %parallel_loop3A_719 = arith.constant 29 : i32
        %parallel_loop3A_720 = arith.constant 0 : i32
        %parallel_loop3A_721 = arith.constant 0 : i32
        %parallel_loop3A_722 = tpu.memref_slice %arg9[%parallel_loop3A_149, %parallel_loop3A_720, %parallel_loop3A_721] : memref<2x32x320xf32, #tpu.memory_space<vmem>> -> memref<1x32x320xf32, #tpu.memory_space<vmem>>
        %parallel_loop3A_723 = tpu.memref_squeeze %parallel_loop3A_722 : memref<1x32x320xf32, #tpu.memory_space<vmem>> -> memref<32x320xf32, #tpu.memory_space<vmem>>
        %parallel_loop3A_724 = arith.index_cast %parallel_loop3A_719 : i32 to index
        %parallel_loop3A_725 = arith.index_cast %parallel_loop3A_718 : i32 to index
        %parallel_loop3A_726 = tpu.vector_load %parallel_loop3A_723[%parallel_loop3A_724, %parallel_loop3A_725] {strides = array<i32>} : memref<32x320xf32, #tpu.memory_space<vmem>>, vector<16xf32>,
        tpu.vector_store %parallel_loop3A_723[%parallel_loop3A_724, %parallel_loop3A_725], %parallel_loop3A_716 {strides = array<i32>} : memref<32x320xf32, #tpu.memory_space<vmem>>, vector<16xf32>,
        %parallel_loop3A_727 = arith.constant 30 : i32
        %parallel_loop3A_728 = vector.broadcast %parallel_loop3A_727 : i32 to vector<16xi32>
        %parallel_loop3A_729 = arith.addi %parallel_loop3A_186, %parallel_loop3A_728 : vector<16xi32>
        %parallel_loop3A_730 = arith.constant 0 : i32
        %parallel_loop3A_731 = arith.constant 0 : i32
        %parallel_loop3A_732 = tpu.memref_slice %arg8[%parallel_loop3A_148, %parallel_loop3A_730, %parallel_loop3A_731] : memref<2x320x128xf32, #tpu.memory_space<vmem>> -> memref<1x320x128xf32, #tpu.memory_space<vmem>>
        %parallel_loop3A_733 = tpu.memref_squeeze %parallel_loop3A_732 : memref<1x320x128xf32, #tpu.memory_space<vmem>> -> memref<320x128xf32, #tpu.memory_space<vmem>>
        %parallel_loop3A_734 = tpu.vector_load_idx %parallel_loop3A_733[%parallel_loop3A_181, %parallel_loop3A_729] : memref<320x128xf32, #tpu.memory_space<vmem>>[vector<16xi32>, vector<16xi32>], vector<16xf32>,
        %parallel_loop3A_735 = arith.constant 16 : i32
        %parallel_loop3A_736 = arith.muli %parallel_loop3A_176, %parallel_loop3A_735 : i32
        %parallel_loop3A_737 = arith.constant 30 : i32
        %parallel_loop3A_738 = arith.constant 0 : i32
        %parallel_loop3A_739 = arith.constant 0 : i32
        %parallel_loop3A_740 = tpu.memref_slice %arg9[%parallel_loop3A_149, %parallel_loop3A_738, %parallel_loop3A_739] : memref<2x32x320xf32, #tpu.memory_space<vmem>> -> memref<1x32x320xf32, #tpu.memory_space<vmem>>
        %parallel_loop3A_741 = tpu.memref_squeeze %parallel_loop3A_740 : memref<1x32x320xf32, #tpu.memory_space<vmem>> -> memref<32x320xf32, #tpu.memory_space<vmem>>
        %parallel_loop3A_742 = arith.index_cast %parallel_loop3A_737 : i32 to index
        %parallel_loop3A_743 = arith.index_cast %parallel_loop3A_736 : i32 to index
        %parallel_loop3A_744 = tpu.vector_load %parallel_loop3A_741[%parallel_loop3A_742, %parallel_loop3A_743] {strides = array<i32>} : memref<32x320xf32, #tpu.memory_space<vmem>>, vector<16xf32>,
        tpu.vector_store %parallel_loop3A_741[%parallel_loop3A_742, %parallel_loop3A_743], %parallel_loop3A_734 {strides = array<i32>} : memref<32x320xf32, #tpu.memory_space<vmem>>, vector<16xf32>,
        %parallel_loop3A_745 = arith.constant 31 : i32
        %parallel_loop3A_746 = vector.broadcast %parallel_loop3A_745 : i32 to vector<16xi32>
        %parallel_loop3A_747 = arith.addi %parallel_loop3A_186, %parallel_loop3A_746 : vector<16xi32>
        %parallel_loop3A_748 = arith.constant 0 : i32
        %parallel_loop3A_749 = arith.constant 0 : i32
        %parallel_loop3A_750 = tpu.memref_slice %arg8[%parallel_loop3A_148, %parallel_loop3A_748, %parallel_loop3A_749] : memref<2x320x128xf32, #tpu.memory_space<vmem>> -> memref<1x320x128xf32, #tpu.memory_space<vmem>>
        %parallel_loop3A_751 = tpu.memref_squeeze %parallel_loop3A_750 : memref<1x320x128xf32, #tpu.memory_space<vmem>> -> memref<320x128xf32, #tpu.memory_space<vmem>>
        %parallel_loop3A_752 = tpu.vector_load_idx %parallel_loop3A_751[%parallel_loop3A_181, %parallel_loop3A_747] : memref<320x128xf32, #tpu.memory_space<vmem>>[vector<16xi32>, vector<16xi32>], vector<16xf32>,
        %parallel_loop3A_753 = arith.constant 16 : i32
        %parallel_loop3A_754 = arith.muli %parallel_loop3A_176, %parallel_loop3A_753 : i32
        %parallel_loop3A_755 = arith.constant 31 : i32
        %parallel_loop3A_756 = arith.constant 0 : i32
        %parallel_loop3A_757 = arith.constant 0 : i32
        %parallel_loop3A_758 = tpu.memref_slice %arg9[%parallel_loop3A_149, %parallel_loop3A_756, %parallel_loop3A_757] : memref<2x32x320xf32, #tpu.memory_space<vmem>> -> memref<1x32x320xf32, #tpu.memory_space<vmem>>
        %parallel_loop3A_759 = tpu.memref_squeeze %parallel_loop3A_758 : memref<1x32x320xf32, #tpu.memory_space<vmem>> -> memref<32x320xf32, #tpu.memory_space<vmem>>
        %parallel_loop3A_760 = arith.index_cast %parallel_loop3A_755 : i32 to index
        %parallel_loop3A_761 = arith.index_cast %parallel_loop3A_754 : i32 to index
        %parallel_loop3A_762 = tpu.vector_load %parallel_loop3A_759[%parallel_loop3A_760, %parallel_loop3A_761] {strides = array<i32>} : memref<32x320xf32, #tpu.memory_space<vmem>>, vector<16xf32>,
        tpu.vector_store %parallel_loop3A_759[%parallel_loop3A_760, %parallel_loop3A_761], %parallel_loop3A_752 {strides = array<i32>} : memref<32x320xf32, #tpu.memory_space<vmem>>, vector<16xf32>,
      } {sc.loop_unroll_factor = 2 : i64, sc.parallel_access}
      %mul3A_150 = arith.constant 320 : i32
      %mul3A_151 = arith.muli %add3A_125, %mul3A_150 : i32
      %add3A_152 = arith.addi %mul3A_2, %mul3A_151 : i32
      %dma_start3A_153 = arith.constant 1 : i32
      %dma_start3A_154 = arith.constant 1 : i32
      %dma_start3A_155 = arith.constant 0 : i32
      %dma_start3A_156 = arith.constant 0 : i32
      %dma_start3A_157 = tpu.memref_slice %arg9[%dma_start3A_153, %dma_start3A_155, %dma_start3A_156] : memref<2x32x320xf32, #tpu.memory_space<vmem>> -> memref<1x32x320xf32, #tpu.memory_space<vmem>>
      %dma_start3A_158 = tpu.memref_squeeze %dma_start3A_157 : memref<1x32x320xf32, #tpu.memory_space<vmem>> -> memref<32x320xf32, #tpu.memory_space<vmem>>
      %dma_start3A_159 = arith.constant 0 : i32
      %dma_start3A_160 = tpu.memref_slice %arg5[%dma_start3A_159, %add3A_152] : memref<32x204800xf32, #tpu.memory_space<hbm>> -> memref<32x320xf32, #tpu.memory_space<hbm>>
      %dma_start3A_161 = tpu.memref_slice %arg11[%dma_start3A_154] : memref<2x!tpu.dma_semaphore, #tpu.memory_space<semaphore_mem>> -> memref<1x!tpu.dma_semaphore, #tpu.memory_space<semaphore_mem>>
      %dma_start3A_162 = tpu.memref_squeeze %dma_start3A_161 : memref<1x!tpu.dma_semaphore, #tpu.memory_space<semaphore_mem>> -> memref<!tpu.dma_semaphore, #tpu.memory_space<semaphore_mem>>
      %dma_start3A_163 = arith.constant 0 : i32
      %dma_start3A_164 = tpu.memref_slice %arg5[%dma_start3A_163, %add3A_152] : memref<32x204800xf32, #tpu.memory_space<hbm>> -> memref<32x320xf32, #tpu.memory_space<hbm>>
      %dma_start3A_165 = arith.constant 0 : i32
      %dma_start3A_166 = arith.constant 0 : i32
      %dma_start3A_167 = tpu.memref_slice %arg9[%dma_start3A_153, %dma_start3A_165, %dma_start3A_166] : memref<2x32x320xf32, #tpu.memory_space<vmem>> -> memref<1x32x320xf32, #tpu.memory_space<vmem>>
      %dma_start3A_168 = tpu.memref_squeeze %dma_start3A_167 : memref<1x32x320xf32, #tpu.memory_space<vmem>> -> memref<32x320xf32, #tpu.memory_space<vmem>>
      tpu.enqueue_dma source(%dma_start3A_168 : memref<32x320xf32, #tpu.memory_space<vmem>>) target(%dma_start3A_164 : memref<32x320xf32, #tpu.memory_space<hbm>>) target_semaphore(%dma_start3A_162 : memref<!tpu.dma_semaphore, #tpu.memory_space<semaphore_mem>>)
      %add3A_169 = arith.constant 2 : i32
      %add3A_170 = arith.addi %add3A_125, %add3A_169 : i32
      %lt3A_171 = arith.constant 20 : i32
      %lt3A_172 = arith.cmpi slt, %add3A_170, %lt3A_171 : i32
      %convert_element_type3A_173 = arith.extui %lt3A_172 : i1 to i32
      %cond3A_174 = arith.constant 0 : i32
      %cond3A_175 = arith.cmpi ne, %convert_element_type3A_173, %cond3A_174 : i32
      scf.if %cond3A_175 {
        %add3A_176 = arith.constant 2 : i32
        %add3A_177 = arith.addi %add3A_125, %add3A_176 : i32
        %dma_start3A_178 = arith.constant 1 : i32
        %dma_start3A_179 = arith.constant 1 : i32
        %dma_start3A_180 = arith.constant 0 : i32
        %dma_start3A_181 = arith.constant 0 : i32
        %dma_start3A_182 = tpu.memref_slice %arg8[%dma_start3A_178, %dma_start3A_180, %dma_start3A_181] : memref<2x320x128xf32, #tpu.memory_space<vmem>> -> memref<1x320x128xf32, #tpu.memory_space<vmem>>
        %dma_start3A_183 = tpu.memref_squeeze %dma_start3A_182 : memref<1x320x128xf32, #tpu.memory_space<vmem>> -> memref<320x128xf32, #tpu.memory_space<vmem>>
        %dma_start3A_184 = arith.constant 0 : i32
        %dma_start3A_185 = tpu.memref_slice %arg6[%add3A_177, %dma_start3A_184] : memref<20x320xi32, #tpu.memory_space<vmem>> -> memref<1x320xi32, #tpu.memory_space<vmem>>
        %dma_start3A_186 = tpu.memref_squeeze %dma_start3A_185 : memref<1x320xi32, #tpu.memory_space<vmem>> -> memref<320xi32, #tpu.memory_space<vmem>>
        %dma_start3A_187 = arith.constant 0 : i32
        %dma_start3A_188 = arith.constant 0 : i32
        %dma_start3A_189 = tpu.memref_slice %arg4[%dma_start3A_187, %dma_start3A_188] : memref<253952x128xf32, #tpu.memory_space<hbm>> -> memref<253952x128xf32, #tpu.memory_space<hbm>>
        %dma_start3A_190 = tpu.memref_slice %arg10[%dma_start3A_179] : memref<2x!tpu.dma_semaphore, #tpu.memory_space<semaphore_mem>> -> memref<1x!tpu.dma_semaphore, #tpu.memory_space<semaphore_mem>>
        %dma_start3A_191 = tpu.memref_squeeze %dma_start3A_190 : memref<1x!tpu.dma_semaphore, #tpu.memory_space<semaphore_mem>> -> memref<!tpu.dma_semaphore, #tpu.memory_space<semaphore_mem>>
        tpu.enqueue_indirect_dma source(%dma_start3A_189 : memref<253952x128xf32, #tpu.memory_space<hbm>>) target(%dma_start3A_183 : memref<320x128xf32, #tpu.memory_space<vmem>>) offsets(%dma_start3A_186 : memref<320xi32, #tpu.memory_space<vmem>>) semaphore(%dma_start3A_191 : memref<!tpu.dma_semaphore, #tpu.memory_space<semaphore_mem>>)
      } else {
      }
    }
    %scan3A_36 = arith.constant 10 : i32
    %add3A_37 = arith.constant 5760 : i32
    %add3A_38 = arith.addi %mul3A_2, %add3A_37 : i32
    %dma_wait3A = arith.constant 0 : i32
    %dma_wait3A_39 = arith.constant 0 : i32
    %dma_wait3A_40 = arith.constant 0 : i32
    %dma_wait3A_41 = arith.constant 0 : i32
    %dma_wait3A_42 = tpu.memref_slice %arg9[%dma_wait3A, %dma_wait3A_40, %dma_wait3A_41] : memref<2x32x320xf32, #tpu.memory_space<vmem>> -> memref<1x32x320xf32, #tpu.memory_space<vmem>>
    %dma_wait3A_43 = tpu.memref_squeeze %dma_wait3A_42 : memref<1x32x320xf32, #tpu.memory_space<vmem>> -> memref<32x320xf32, #tpu.memory_space<vmem>>
    %dma_wait3A_44 = arith.constant 0 : i32
    %dma_wait3A_45 = tpu.memref_slice %arg5[%dma_wait3A_44, %add3A_38] : memref<32x204800xf32, #tpu.memory_space<hbm>> -> memref<32x320xf32, #tpu.memory_space<hbm>>
    %dma_wait3A_46 = tpu.memref_slice %arg11[%dma_wait3A_39] : memref<2x!tpu.dma_semaphore, #tpu.memory_space<semaphore_mem>> -> memref<1x!tpu.dma_semaphore, #tpu.memory_space<semaphore_mem>>
    %dma_wait3A_47 = tpu.memref_squeeze %dma_wait3A_46 : memref<1x!tpu.dma_semaphore, #tpu.memory_space<semaphore_mem>> -> memref<!tpu.dma_semaphore, #tpu.memory_space<semaphore_mem>>
    %dma_wait3A_48 = arith.constant 0 : i32
    %dma_wait3A_49 = tpu.memref_slice %arg5[%dma_wait3A_48, %add3A_38] : memref<32x204800xf32, #tpu.memory_space<hbm>> -> memref<32x320xf32, #tpu.memory_space<hbm>>
    %dma_wait3A_50 = arith.constant 0 : i32
    %dma_wait3A_51 = arith.constant 0 : i32
    %dma_wait3A_52 = tpu.memref_slice %arg9[%dma_wait3A, %dma_wait3A_50, %dma_wait3A_51] : memref<2x32x320xf32, #tpu.memory_space<vmem>> -> memref<1x32x320xf32, #tpu.memory_space<vmem>>
    %dma_wait3A_53 = tpu.memref_squeeze %dma_wait3A_52 : memref<1x32x320xf32, #tpu.memory_space<vmem>> -> memref<32x320xf32, #tpu.memory_space<vmem>>
    tpu.wait_dma2 semaphore(%dma_wait3A_47 : memref<!tpu.dma_semaphore, #tpu.memory_space<semaphore_mem>>) src(%dma_wait3A_53 : memref<32x320xf32, #tpu.memory_space<vmem>>) dst(%dma_wait3A_49 : memref<32x320xf32, #tpu.memory_space<hbm>>)
    %add3A_54 = arith.constant 6080 : i32
    %add3A_55 = arith.addi %mul3A_2, %add3A_54 : i32
    %dma_wait3A_56 = arith.constant 1 : i32
    %dma_wait3A_57 = arith.constant 1 : i32
    %dma_wait3A_58 = arith.constant 0 : i32
    %dma_wait3A_59 = arith.constant 0 : i32
    %dma_wait3A_60 = tpu.memref_slice %arg9[%dma_wait3A_56, %dma_wait3A_58, %dma_wait3A_59] : memref<2x32x320xf32, #tpu.memory_space<vmem>> -> memref<1x32x320xf32, #tpu.memory_space<vmem>>
    %dma_wait3A_61 = tpu.memref_squeeze %dma_wait3A_60 : memref<1x32x320xf32, #tpu.memory_space<vmem>> -> memref<32x320xf32, #tpu.memory_space<vmem>>
    %dma_wait3A_62 = arith.constant 0 : i32
    %dma_wait3A_63 = tpu.memref_slice %arg5[%dma_wait3A_62, %add3A_55] : memref<32x204800xf32, #tpu.memory_space<hbm>> -> memref<32x320xf32, #tpu.memory_space<hbm>>
    %dma_wait3A_64 = tpu.memref_slice %arg11[%dma_wait3A_57] : memref<2x!tpu.dma_semaphore, #tpu.memory_space<semaphore_mem>> -> memref<1x!tpu.dma_semaphore, #tpu.memory_space<semaphore_mem>>
    %dma_wait3A_65 = tpu.memref_squeeze %dma_wait3A_64 : memref<1x!tpu.dma_semaphore, #tpu.memory_space<semaphore_mem>> -> memref<!tpu.dma_semaphore, #tpu.memory_space<semaphore_mem>>
    %dma_wait3A_66 = arith.constant 0 : i32
    %dma_wait3A_67 = tpu.memref_slice %arg5[%dma_wait3A_66, %add3A_55] : memref<32x204800xf32, #tpu.memory_space<hbm>> -> memref<32x320xf32, #tpu.memory_space<hbm>>
    %dma_wait3A_68 = arith.constant 0 : i32
    %dma_wait3A_69 = arith.constant 0 : i32
    %dma_wait3A_70 = tpu.memref_slice %arg9[%dma_wait3A_56, %dma_wait3A_68, %dma_wait3A_69] : memref<2x32x320xf32, #tpu.memory_space<vmem>> -> memref<1x32x320xf32, #tpu.memory_space<vmem>>
    %dma_wait3A_71 = tpu.memref_squeeze %dma_wait3A_70 : memref<1x32x320xf32, #tpu.memory_space<vmem>> -> memref<32x320xf32, #tpu.memory_space<vmem>>
    tpu.wait_dma2 semaphore(%dma_wait3A_65 : memref<!tpu.dma_semaphore, #tpu.memory_space<semaphore_mem>>) src(%dma_wait3A_71 : memref<32x320xf32, #tpu.memory_space<vmem>>) dst(%dma_wait3A_67 : memref<32x320xf32, #tpu.memory_space<hbm>>)
    return
  }
}

module attributes {stable_mosaic.version = 14 : i64} {
  func.func @body(%arg0: i32, %arg1: memref<32x16384xf32, #tpu.memory_space<vmem>>, %arg2: memref<4096x128xf32, #tpu.memory_space<vmem>>) attributes {dimension_semantics = [#tpu.dimension_semantics<arbitrary>], iteration_bounds = array<i64: 62>, scalar_prefetch = 0 : i64, scratch_operands = 0 : i64, tpu.core_type = #tpu.core_type<tc>, window_params = [{transform_indices = @transform_0, window_bounds = array<i64: 32, 16384>}, {transform_indices = @transform_1, window_bounds = array<i64: 4096, 128>}]} {
    %get3A = arith.constant 0 : index
    %get3A_0 = arith.constant 0 : index
    %get3A_1 = vector.load %arg1[%get3A, %get3A_0] : memref<32x16384xf32, #tpu.memory_space<vmem>>, vector<32x16384xf32>
    %slice3A = vector.extract_strided_slice %get3A_1 {offsets = [0, 0], sizes = [32, 4096], strides = [1, 1]} : vector<32x16384xf32> to vector<32x4096xf32>
    %transpose3A = tpu.transpose %slice3A, [1, 0] : vector<32x4096xf32> -> vector<4096x32xf32>
    %slice3A_2 = vector.extract_strided_slice %get3A_1 {offsets = [0, 4096], sizes = [32, 4096], strides = [1, 1]} : vector<32x16384xf32> to vector<32x4096xf32>
    %transpose3A_3 = tpu.transpose %slice3A_2, [1, 0] : vector<32x4096xf32> -> vector<4096x32xf32>
    %slice3A_4 = vector.extract_strided_slice %get3A_1 {offsets = [0, 8192], sizes = [32, 4096], strides = [1, 1]} : vector<32x16384xf32> to vector<32x4096xf32>
    %transpose3A_5 = tpu.transpose %slice3A_4, [1, 0] : vector<32x4096xf32> -> vector<4096x32xf32>
    %slice3A_6 = vector.extract_strided_slice %get3A_1 {offsets = [0, 12288], sizes = [32, 4096], strides = [1, 1]} : vector<32x16384xf32> to vector<32x4096xf32>
    %transpose3A_7 = tpu.transpose %slice3A_6, [1, 0] : vector<32x4096xf32> -> vector<4096x32xf32>
    %concatenate3A = tpu.concatenate %transpose3A, %transpose3A_3, %transpose3A_5, %transpose3A_7 in 1 : vector<4096x32xf32>, vector<4096x32xf32>, vector<4096x32xf32>, vector<4096x32xf32> -> vector<4096x128xf32>
    %swap3A = arith.constant 0 : index
    %swap3A_8 = arith.constant 0 : index
    %swap3A_9 = vector.load %arg2[%swap3A, %swap3A_8] : memref<4096x128xf32, #tpu.memory_space<vmem>>, vector<4096x128xf32>
    tpu.vector_store %arg2[%swap3A, %swap3A_8], %concatenate3A {strides = array<i32>} : memref<4096x128xf32, #tpu.memory_space<vmem>>, vector<4096x128xf32>,
    return
  }
  func.func @transform_0(%arg0: i32) -> (i32, i32) {
    %c0_i32 = arith.constant 0 : i32
    %c0_i32_0 = arith.constant 0 : i32
    return %c0_i32, %arg0 : i32, i32
  }
  func.func @transform_1(%arg0: i32) -> (i32, i32) {
    %c0_i32 = arith.constant 0 : i32
    %c0_i32_0 = arith.constant 0 : i32
    return %arg0, %c0_i32 : i32, i32
  }
}

</mosaic_0001>

<sc_bundles>
// kernel: kernel.4.cloned.1.call-start
scs
__scs_entry_jumppad:
0x0: {  	(pc) =	sbr.rel $0x88, $3  }
0x1: {  	(tag) =	ssettag $0x0;
	lr =	simm.s32 $0x1  }
0x2: {  	[smem:$0x3F9F] =	sst lr;
	_ =	strace $0xD0000000  }
0x3: {  	_ = 	snop  }
0x4: {  	_ = 	snop  }
0x5: {  	_ = 	snop  }
0x6: {  	_ = 	snop  }
0x7: {  	_ = 	snop  }
__scs_overlays_trampoline_lowered:
0x8: {  	[smem:$0x3FAE] =	sst s0  }
0x9: {  	[smem:$0x3FAF] =	sst s1  }
0xa: {  	[smem:$0x3FB0] =	sst s2  }
0xb: {  	[smem:$0x3FB1] =	sst s3  }
0xc: {  	[smem:$0x3FB2] =	sst s4  }
0xd: {  	[smem:$0x3FB3] =	sst s5  }
0xe: {  	[smem:$0x3FB4] =	sst s6  }
0xf: {  	[smem:$0x3FB5] =	sst s7  }
0x10: {  	[smem:$0x3FB6] =	sst s8  }
0x11: {  	[smem:$0x3FB7] =	sst s9;
	s0 =	simm.s32 @!p0 $0x0  }
0x12: {  	s1 =	sld [smem:$0x3F9D];
	s0 =	simm.s32 @p0 $0x1  }
0x13: {  	[smem:$0x3FB8] =	sst s0;
	s0 =	simm.s32 @!p1 $0x0  }
0x14: {  	s2 =	sld [smem:$0x3F9C];
	s0 =	simm.s32 @p1 $0x1  }
0x15: {  	[smem:$0x3FB9] =	sst s0;
	s0 =	simm.s32 @!p2 $0x0  }
0x16: {  	s3 =	sld [smem:$0x3FDB];
	s0 =	simm.s32 @p2 $0x1  }
0x17: {  	s4 =	simm.s32 $0x1BF5;
	[smem:$0x3FBB] =	sst s0  }
0x18: {  	s0 =	sld [smem:$0x3F9E];
	_ =	swait.ge [sflag:s4], $0x0  }
0x19: {  	s7 =	sld [smem:$0x3F9F]  }
0x1a: {  	s8 =	sadd.s32 $0xFFFFE003, lr  }
0x1b: {  	s9 =	sadd.s32 $0xFFFFFEF7, lr;
	s5 =	simm.s32 $0xFFFFFFFF;
	p2 =	slt.u32 s8, $0xFFFFF086  }
0x1c: {  	p1 =	slt.u32 s9, $0xF7A;
	s5 =	simm.s32 @!p2 $0x0  }
0x1d: {  	s5 =	simm.s32 @p1 $0x1;
	p0 =	seq.s32 s7, s2  }
0x1e: {  	s7 =	smul.u32 @!p0 $0xF7A, s2;
	p2 =	seq.s32 @!p0 s5, $0x0  }
0x1f: {  	s9 =	smul.u32 $0xF7A, s1;
	s8 =	simm.s32 @!p0 $0x1BF5;
	p2 =	por !p2, p0  }
0x20: {  	[sflag:s8] =	ssyncset.s32 @!p0 $0xFFFFF086;
	s6 =	sadd.s32 @!p0 s3, s7;
	s7 =	simm.s32 @!p0 $0x108  }
0x21: {  	s3 =	sadd.s32 s3, s9;
	s6 =	sadd.s32 @!p0 $0x88, s6;
	s7 =	simm.s32 @p2 $0x1082  }
0x22: {  	[simem:s7], [sflag:s8] =	dma.local @!p0 [hbm:s6], $0xF7A  }
0x23: {  	s9 =	sor.u32 $0xD0000000, s2;
	s6 =	simm.s32 $0x108;
	_ =	swait.ge @!p0 [sflag:s8], $0x0  }
0x24: {  	s3 =	sadd.s32 $0x88, s3;
	s6 =	simm.s32 @!p1 $0x1082;
	[sflag:s4] =	ssyncset.s32 $0xFFFFF086  }
0x25: {  	[simem:s6], [sflag:s4] =	dma.local [hbm:s3], $0xF7A  }
0x26: {  	[smem:$0x3F9F] =	sst s1;
	(tag) =	ssettag s2;
	_ =	strace s9  }
0x27: {  	s1 =	sld [smem:$0x3FAF]  }
0x28: {  	s2 =	sld [smem:$0x3FB0]  }
0x29: {  	s4 =	sld [smem:$0x3FB2]  }
0x2a: {  	p0 =	seq.s32 s5, $0x0;
	s5 =	sld [smem:$0x3FB3]  }
0x2b: {  	s6 =	sld [smem:$0x3FB4]  }
0x2c: {  	s7 =	sld [smem:$0x3FB5]  }
0x2d: {  	s3 =	simm.s32 $0x108;
	s8 =	sld [smem:$0x3FB6]  }
0x2e: {  	s3 =	simm.s32 @!p0 $0x1082;
	s9 =	sld [smem:$0x3FB7]  }
0x2f: {  	lr =	sadd.s32 s0, s3;
	s0 =	sld [smem:$0x3FAE]  }
0x30: {  	s3 =	sld [smem:$0x3FB1]  }
0x31: {  	[smem:$0x3FBA] =	sst s10  }
0x32: {  	s10 =	sld [smem:$0x3FB8];
	_ =	sdelay $0x3  }
0x33: {  	p0 =	seq.s32 s10, $0x1;
	s10 =	sld [smem:$0x3FBA];
	_ =	sdelay $0x3  }
0x34: {  	[smem:$0x3FBA] =	sst s10  }
0x35: {  	s10 =	sld [smem:$0x3FB9];
	_ =	sdelay $0x3  }
0x36: {  	p1 =	seq.s32 s10, $0x1;
	s10 =	sld [smem:$0x3FBA];
	_ =	sdelay $0x3  }
0x37: {  	[smem:$0x3FBA] =	sst s10  }
0x38: {  	s10 =	sld [smem:$0x3FBB]  }
0x39: {  	_ = 	snop;
	(pc) =	sbr.ind lr, $3  }
0x3a: {  	_ = 	snop  }
0x3b: {  	_ = 	snop  }
0x3c: {  	p2 =	seq.s32 s10, $0x1;
	s10 =	sld [smem:$0x3FBA]  }
0x3d: {  	_ =	shalt  }
0x3e: {  	_ =	shalt  }
0x3f: {  	_ =	shalt  }
0x40: {  	_ =	shalt  }
0x41: {  	_ =	shalt  }
0x42: {  	_ =	shalt  }
0x43: {  	_ =	shalt  }
0x44: {  	_ =	shalt  }
0x45: {  	_ =	shalt  }
0x46: {  	_ =	shalt  }
0x47: {  	_ =	shalt  }
0x48: {  	_ =	shalt  }
0x49: {  	_ =	shalt  }
0x4a: {  	_ =	shalt  }
0x4b: {  	_ =	shalt  }
0x4c: {  	_ =	shalt  }
0x4d: {  	_ =	shalt  }
0x4e: {  	_ =	shalt  }
0x4f: {  	_ =	shalt  }
0x50: {  	_ =	shalt  }
0x51: {  	_ =	shalt  }
0x52: {  	_ =	shalt  }
0x53: {  	_ =	shalt  }
0x54: {  	_ =	shalt  }
0x55: {  	_ =	shalt  }
0x56: {  	_ =	shalt  }
0x57: {  	_ =	shalt  }
0x58: {  	_ =	shalt  }
0x59: {  	_ =	shalt  }
0x5a: {  	_ =	shalt  }
0x5b: {  	_ =	shalt  }
0x5c: {  	_ =	shalt  }
0x5d: {  	_ =	shalt  }
0x5e: {  	_ =	shalt  }
0x5f: {  	_ =	shalt  }
0x60: {  	_ =	shalt  }
0x61: {  	_ =	shalt  }
0x62: {  	_ =	shalt  }
0x63: {  	_ =	shalt  }
0x64: {  	_ =	shalt  }
0x65: {  	_ =	shalt  }
0x66: {  	_ =	shalt  }
0x67: {  	_ =	shalt  }
0x68: {  	_ =	shalt  }
0x69: {  	_ =	shalt  }
0x6a: {  	_ =	shalt  }
0x6b: {  	_ =	shalt  }
0x6c: {  	_ =	shalt  }
0x6d: {  	_ =	shalt  }
0x6e: {  	_ =	shalt  }
0x6f: {  	_ =	shalt  }
0x70: {  	_ =	shalt  }
0x71: {  	_ =	shalt  }
0x72: {  	_ =	shalt  }
0x73: {  	_ =	shalt  }
0x74: {  	_ =	shalt  }
0x75: {  	_ =	shalt  }
0x76: {  	_ =	shalt  }
0x77: {  	_ =	shalt  }
0x78: {  	_ =	shalt  }
0x79: {  	_ =	shalt  }
0x7a: {  	_ =	shalt  }
0x7b: {  	_ =	shalt  }
0x7c: {  	_ =	shalt  }
0x7d: {  	_ =	shalt  }
0x7e: {  	_ =	shalt  }
0x7f: {  	_ =	shalt  }
0x80: {  	_ =	shalt  }
0x81: {  	_ =	shalt  }
0x82: {  	_ =	shalt  }
0x83: {  	_ =	shalt  }
0x84: {  	_ =	shalt  }
0x85: {  	_ =	shalt  }
0x86: {  	_ =	shalt  }
0x87: {  	_ =	shalt  }
.Lfunc_end0:
.L_simem_size_0:
called_computation_lowered:
.L_overlay_start_0:
0x88: {  	s2 =	sld [smem:$0x3FD9]  }
0x89: {  	s3 =	sld [smem:$0x3FFE];
	_ =	sdelay $0x1  }
0x8a: {  	s1 =	srdreg.scid  }
0x8b: {  	s0 =	sand.u32 $0x1, s1  }
0x8c: {  	s17 =	sshll.u32 s0, $0xA;
	s2 =	sadd.s32 s3, s2  }
0x8d: {  	s2 =	sadd.s32 s2, s17  }
0x8e: {  	[smem:$0x3FC6] =	sst s2  }
0x8f: {  	_ = 	snop  }
0x90: {  	s2 =	sld [smem:$0x3FD0];
	(tm) =	ssettm $0x1  }
0x91: {  	s18 =	sld [smem:$0x3FFB];
	_ =	sdelay $0x3  }
0x92: {  	_ =	strace s18  }
0x93: {  	s3 =	sld [smem:$0x3FFC];
	_ =	sdelay $0x3  }
0x94: {  	_ =	strace s3  }
0x95: {  	s3 =	sld [smem:$0x3FFD];
	_ =	sdelay $0x3  }
0x96: {  	_ =	strace s3  }
0x97: {  	_ =	strace $0x8FFFFFFF  }
0x98: {  	s19 =	sld [smem:$0x3FDB];
	_ =	sdelay $0x1  }
0x99: {  	s4 =	simm.s32 $_scs_section_size  }
0x9a: {  	s5 =	simm.s32 $_size__tile_overlayer_lowered;
	s6 =	simm.s32 $_tile_overlayer_lowered  }
0x9b: {  	s22 =	simm.s32 $0x1BFF;
	s21 =	sshll.u32 s6, $0x1;
	s3 =	sadd.s32 s4, s19  }
0x9c: {  	s7 =	simm.s32 $0x0;
	s20 =	sshll.u32 s5, $0x1;
	s5 =	sadd.s32 s21, s3  }
0x9d: {  	[timem:s7], [sflag:s22] =	dma.local [hbm:s5], s20  }
0x9e: {  	_ =	swait.ge [sflag:s22], s20  }
0x9f: {  	s4 =	ssub.s32 $0x0, s20;
	[sflag:s22] =	ssyncset.done $0x0  }
0xa0: {  	[sflag:s22] =	ssyncadd.s32 s4;
	_ =	sdelay $0x1  }
0xa1: {  	s23 =	simm.s32 $0x1B8B  }
0xa2: {  	_ =	swait.ge [sflag:s23], $0x1  }
0xa3: {  	[sflag:s23] =	ssyncset.done $0x0  }
0xa4: {  	s25 =	simm.s32 $0x1B8E;
	s24 =	sld [smem:$0x3FFE];
	[sflag:s23] =	ssyncadd.s32 $0xFFFFFFFF  }
0xa5: {  	s26 =	simm.s32 $execute0_lowered;
	[smem:$0x3FD2] =	sst s25  }
0xa6: {  	s5 =	sshll.u32 s26, $0x1;
	_ =	strace $0x80000046;
	[dreg:$0x1] =	wrdreg $0xFFFFFFFF  }
0xa7: {  	s28 =	simm.s32 $_size_execute0_lowered;
	s3 =	sadd.s32 s3, s5;
	[dreg:$0x0] =	wrdreg $0x0  }
0xa8: {  	s5 =	sshll.u32 s28, $0x1;
	[dreg:$0x2] =	wrdreg s3  }
0xa9: {  	[dreg:$0x3] =	wrdreg s5  }
0xaa: {  	[dreg:$0x4] =	wrdreg $0xC0  }
0xab: {  	_ =	task [dreg:s7], $0x5FFFF  }
0xac: {  	[dreg:$0x1] =	wrdreg $0xFFFFFFFF  }
0xad: {  	[dreg:$0x0] =	wrdreg $0x60  }
0xae: {  	[dreg:$0x2] =	wrdreg s24  }
0xaf: {  	[dreg:$0x3] =	wrdreg s2  }
0xb0: {  	[dreg:$0x4] =	wrdreg $0x9  }
0xb1: {  	_ =	task.clear_ibuf [dreg:s7], $0x5FFFF;
	_ =	strace $0x90000046  }
0xb2: {  	s29 =	simm.s32 $0x9;
	_ =	strace $0x80000048  }
0xb3: {  	_ =	swait.ge [sflag:s29], $0x1  }
0xb4: {  	[sflag:s29] =	ssyncadd.s32 $0xFFFFFFFF  }
0xb5: {  	_ =	strace $0x90000048  }
0xb6: {  	_ =	sfence  }
0xb7: {  	s30 =	sld [smem:$0x0];
	_ =	sdelay $0x2  }
0xb8: {  	s31 =	sshll.u32 s1, $0xD;
	s1 =	sshrl.u32 s1, $0x2  }
0xb9: {  	s3 =	sand.u32 $0x4000, s31;
	s1 =	sadd.s32 s1, s30  }
0xba: {  	s0 =	sor.u32 s3, s0;
	s1 =	sshll.u32 s1, $0x11  }
0xbb: {  	s0 =	sor.u32 s1, s0  }
0xbc: {  	s0 =	sadd.s32 $0x8F2B, s0  }
0xbd: {  	[sflag:s0] =	ssyncadd.remote.s32 $0x1  }
0xbe: {  	_ =	sfence.sel $0xFFFF  }
0xbf: {  	[dreg:$0x0] =	wrdreg $0xFFFFFFFF;
	(pc) =	sbr.abs _section_cstart, $3  }
0xc0: {  	[dreg:$0x1] =	wrdreg $0xFFFFFFFF  }
0xc1: {  	_ =	task.clear_ibuf [dreg:s7], $0x2FFFF;
	_ =	strace $0x9FFFFFFF  }
0xc2: {  	(tm) =	ssettm $0x7FFFFFFF  }
0xc3: {  	_ =	shalt  }
tec
execute0_lowered:
.L_overlay_start_1:
0x0: {  	(tag) =	ssettag $0x1  }
0x1: {  	s0 =	srdreg.scid  }
0x2: {  	s1 =	stileid.u32;
	s5 =	rddreg [dreg:$0x0]  }
0x3: {  	s2 =	rddreg [dreg:$0x1];
	s4 =	simm.s32 $0x0;
	s9 =	simm.s32 $0x5  }
0x4: {  	s11 =	simm.s32 $0x140;
	s12 =	simm.s32 $0x3200;
	s13 =	simm.s32 $0xD200  }
0x5: {  	s14 =	simm.s32 $0x1;
	s0 =	sand.u32 $0x1, s0;
	s1 =	sshll.u32 s1, $0x1  }
0x6: {  	s15 =	simm.s32 $0x32000;
	s16 =	simm.s32 $0x17200;
	s1 =	sor.u32 s0, s1  }
0x7: {  	s17 =	simm.s32 $0x2;
	s18 =	simm.s32 $0x19A00;
	s3 =	smul.u32 $0x1900, s1  }
.Ltmp0:
0x8: {  	s19 =	simm.s32 $0x3;
	s0 =	ssub.s32 $0x2, s0;
	(pc) =	sbr.rel .LBB2_1-.Ltmp0, $4  }
0x9: {  	s20 =	simm.s32 $0x4;
	s21 =	simm.s32 $0x0;
	s6 =	sshrl.u32 s0, $0x1  }
0xa: {  	[smem:$0x7FF] =	sst s4;
	s0 =	ssub.s32 s0, s6;
	s1 =	sshrl.u32 s3, $0x3  }
0xb: {  	v0 =	vlaneseq.u32;
	_ =	strace $0x80000047;
	s8 =	smax.u32 s0, $0x1;
	s1 =	sadd.s32 s1, s5  }
0xc: {  	v0 =	vmul.u32 $0x80, v0;
	s5 =	sadd.s32 $0xCE00, s5;
	s6 =	sadd.s32 $0x6A00, s1;
	s7 =	sadd.s32 $0x600, s1  }
.LBB2_8:
0xd: {  	s21 =	sadd.s32 $0x1, s21  }
0xe: {  	_ =	swait.ge [sflag:s19], $0x2800;
	p0 =	sne.s32 s21, s8  }
.Ltmp1:
0xf: {  	[sflag:s19] =	ssyncset.done $0x0;
	(pc) =	sbr.rel @!p0 .LBB2_9-.Ltmp1, $4  }
0x10: {  	[sflag:s19] =	ssyncadd.s32 $0xFFFFD800  }
0x11: {  	_ =	swait.ge [sflag:s20], $0x2800  }
0x12: {  	[sflag:s20] =	ssyncset.done $0x0  }
0x13: {  	[sflag:s20] =	ssyncadd.s32 $0xFFFFD800  }
.LBB2_1:
0x14: {  	[tilespmem:s4], [sflag:$0x5] =	stream.linear.gather [hbm4b:s6+s4], $0x1900, $0x38;
	[tilespmem:$0x1C200] =	vst v63  }
0x15: {  	_ =	swait.ge [sflag:s9], $0x1900  }
0x16: {  	[sflag:s9] =	ssyncset.done $0x0  }
0x17: {  	s0 =	simm.s32 $0x1900;
	[sflag:s9] =	ssyncadd.s32 $0xFFFFE700  }
0x18: {  	[tilespmem:s0], [sflag:$0x5] =	stream.linear.gather [hbm4b:s7+s4], $0x1900, $0x38;
	[tilespmem:$0x1C200] =	vst v63  }
0x19: {  	_ =	swait.ge [sflag:s9], $0x1900  }
0x1a: {  	[sflag:s9] =	ssyncset.done $0x0  }
0x1b: {  	[sflag:s9] =	ssyncadd.s32 $0xFFFFE700  }
0x1c: {  	[tilespmem:s12], [sflag:$0x1] =	stream.indirect.gather [hbm4b:s5+s11], $0x80, s4, s11, $0xb8;
	[tilespmem:$0x1C200] =	vst v63  }
0x1d: {  	s22 =	simm.s32 $0x1910;
	s23 =	simm.s32 $0x1A40;
	s24 =	simm.s32 $0x0  }
0x1e: {  	[tilespmem:s13], [sflag:$0x2] =	stream.indirect.gather [hbm4b:s5+s11], $0x80, s11, s11, $0xb8;
	[tilespmem:$0x1C200] =	vst v63  }
.LBB2_2:
0x1f: {  	_ =	swait.ge [sflag:s14], $0xA000  }
0x20: {  	p0 =	seq.s32 s24, $0x0;
	[sflag:s14] =	ssyncset.done $0x0  }
0x21: {  	s0 =	simm.s32 @!p0 $0x3;
	[sflag:s14] =	ssyncadd.s32 $0xFFFF6000  }
0x22: {  	_ =	swait.ge @!p0 [sflag:s0], $0x2800  }
0x23: {  	[sflag:s0] =	ssyncset.done @!p0 $0x0  }
0x24: {  	[sflag:s0] =	ssyncadd.s32 @!p0 $0xFFFFD800  }
0x25: {  	v1 =	vld [tilespmem:s22+$0x0];
	_ =	sdelay $0x1  }
0x26: {  	s26 =	simm.s32 $0x10  }
0x27: {  	v2 =	vmov s26  }
0x28: {  	v2 =	vshll.u32 v2, $0x7  }
0x29: {  	v2 =	vor.u32 v0, v2;
	v3 =	vand.u32 $0xFFFFFFF8, v1  }
0x2a: {  	v4 =	vld [tilespmem:s22+$0xFFFFFFF0];
	v5 =	vand.u32 $0x7, v1;
	v3 =	vadd.s32 v2, v3  }
0x2b: {  	v12 =	vor.u32 v5, v3  }
0x2c: {  	s1 =	simm.s32 $0x0  }
0x2d: {  	v3 =	vmov s1  }
0x2e: {  	v5 =	vadd.s32 $0x1, v1;
	v3 =	vshll.u32 v3, $0x7  }
0x2f: {  	v7 =	vand.u32 $0xFFFFFFF8, v4;
	v6 =	vor.u32 v0, v3;
	v3 =	vand.u32 $0xFFFFFFF8, v5  }
0x30: {  	v9 =	vadd.s32 $0x1, v4;
	v5 =	vand.u32 $0x7, v5;
	v3 =	vadd.s32 v2, v3;
	v8 =	vld.idx.msk [tilespmem:v12+s12+$0x0], $0xffff  }
0x31: {  	v10 =	vand.u32 $0x7, v4;
	v5 =	vor.u32 v5, v3;
	v3 =	vand.u32 $0xFFFFFFF8, v9  }
0x32: {  	v7 =	vadd.s32 v6, v7;
	v9 =	vand.u32 $0x7, v9;
	v11 =	vadd.s32 v6, v3  }
0x33: {  	v3 =	vor.u32 v10, v7;
	v7 =	vor.u32 v9, v11;
	v9 =	vadd.s32 $0x2, v4  }
0x34: {  	s28 =	simm.s32 $0x18600;
	v11 =	vadd.s32 $0x2, v1;
	v10 =	vand.u32 $0xFFFFFFF8, v9  }
0x35: {  	[tilespmem:s28+$0xFFFFEC10] =	vst v8;
	v8 =	vadd.s32 v6, v10;
	v10 =	vand.u32 $0xFFFFFFF8, v11  }
0x36: {  	v13 =	vadd.s32 $0x3, v4;
	v11 =	vand.u32 $0x7, v11;
	v5 =	vld.idx.msk [tilespmem:v5+s12+$0x0], $0xffff;
	v10 =	vadd.s32 v2, v10  }
0x37: {  	s29 =	simm.s32 $0x20;
	v14 =	vand.u32 $0xFFFFFFF8, v13;
	v10 =	vor.u32 v11, v10  }
0x38: {  	v36 =	vmov s29;
	v11 =	vand.u32 $0x7, v13;
	v13 =	vadd.s32 v6, v14  }
0x39: {  	v15 =	vadd.s32 $0x4, v4;
	v9 =	vand.u32 $0x7, v9;
	v11 =	vor.u32 v11, v13;
	v13 =	vld.idx.msk [tilespmem:v3+s12+$0x0], $0xffff  }
0x3a: {  	v17 =	vadd.s32 $0x4, v1;
	v8 =	vor.u32 v9, v8;
	v9 =	vadd.s32 $0x3, v1  }
0x3b: {  	v19 =	vadd.s32 $0x9, v4;
	v16 =	vand.u32 $0xFFFFFFF8, v15;
	v14 =	vand.u32 $0xFFFFFFF8, v9;
	[tilespmem:s28+$0xFFFFED50] =	vst v5  }
0x3c: {  	v15 =	vand.u32 $0x7, v15;
	v9 =	vand.u32 $0x7, v9;
	v14 =	vadd.s32 v2, v14;
	v10 =	vld.idx.msk [tilespmem:v10+s12+$0x0], $0xffff  }
0x3d: {  	v5 =	vor.u32 v9, v14;
	v9 =	vadd.s32 v6, v16;
	v14 =	vadd.s32 $0x5, v4  }
0x3e: {  	v20 =	vadd.s32 $0x6, v1;
	v9 =	vor.u32 v15, v9;
	v15 =	vand.u32 $0xFFFFFFF8, v14;
	[tilespmem:s28+$0xFFFFEC00] =	vst v13  }
0x3f: {  	v16 =	vadd.s32 $0x6, v4;
	v14 =	vand.u32 $0x7, v14;
	v15 =	vadd.s32 v6, v15;
	v18 =	vld.idx.msk [tilespmem:v7+s12+$0x0], $0xffff  }
0x40: {  	v13 =	vor.u32 v14, v15;
	v14 =	vand.u32 $0xFFFFFFF8, v17;
	v15 =	vand.u32 $0xFFFFFFF8, v16  }
0x41: {  	v7 =	vand.u32 $0x7, v17;
	v16 =	vand.u32 $0x7, v16;
	v15 =	vadd.s32 v6, v15;
	[tilespmem:s28+$0xFFFFEE90] =	vst v10  }
0x42: {  	v17 =	vadd.s32 $0x7, v4;
	v14 =	vadd.s32 v2, v14;
	v15 =	vor.u32 v16, v15;
	v16 =	vld.idx.msk [tilespmem:v5+s12+$0x0], $0xffff  }
0x43: {  	v24 =	vadd.s32 $0x13, v4;
	v14 =	vor.u32 v7, v14;
	v10 =	vand.u32 $0xFFFFFFF8, v17  }
0x44: {  	v5 =	vand.u32 $0x7, v17;
	v10 =	vadd.s32 v6, v10;
	v17 =	vadd.s32 $0x5, v1;
	[tilespmem:s28+$0xFFFFED40] =	vst v18  }
0x45: {  	v30 =	vadd.s32 $0xA, v1;
	v23 =	vor.u32 v5, v10;
	v5 =	vand.u32 $0xFFFFFFF8, v17;
	v8 =	vld.idx.msk [tilespmem:v8+s12+$0x0], $0xffff  }
0x46: {  	v10 =	vand.u32 $0xFFFFFFF8, v19;
	v17 =	vand.u32 $0x7, v17;
	v18 =	vand.u32 $0x7, v19  }
0x47: {  	v19 =	vadd.s32 $0xA, v4;
	v5 =	vadd.s32 v2, v5;
	v10 =	vadd.s32 v6, v10;
	[tilespmem:s28+$0xFFFFEFD0] =	vst v16  }
0x48: {  	v17 =	vor.u32 v17, v5;
	v5 =	vor.u32 v18, v10;
	v10 =	vand.u32 $0xFFFFFFF8, v19;
	v14 =	vld.idx.msk [tilespmem:v14+s12+$0x0], $0xffff  }
0x49: {  	v57 =	vadd.s32 $0x11, v1;
	v18 =	vand.u32 $0x7, v19;
	v10 =	vadd.s32 v6, v10  }
0x4a: {  	v41 =	vand.u32 $0xFFFFFFF8, v57;
	v16 =	vadd.s32 $0xB, v4;
	v10 =	vor.u32 v18, v10;
	[tilespmem:s28+$0xFFFFEE80] =	vst v8  }
0x4b: {  	v18 =	vand.u32 $0xFFFFFFF8, v20;
	v19 =	vand.u32 $0xFFFFFFF8, v16;
	v16 =	vand.u32 $0x7, v16;
	v11 =	vld.idx.msk [tilespmem:v11+s12+$0x0], $0xffff  }
0x4c: {  	v19 =	vadd.s32 v6, v19;
	v8 =	vadd.s32 v2, v18;
	v18 =	vadd.s32 $0xC, v4  }
0x4d: {  	v20 =	vand.u32 $0x7, v20;
	v27 =	vor.u32 v16, v19;
	v16 =	vand.u32 $0xFFFFFFF8, v18;
	[tilespmem:s28+$0xFFFFF110] =	vst v14  }
0x4e: {  	v8 =	vor.u32 v20, v8;
	v18 =	vand.u32 $0x7, v18;
	v16 =	vadd.s32 v6, v16;
	v17 =	vld.idx.msk [tilespmem:v17+s12+$0x0], $0xffff  }
0x4f: {  	v19 =	vadd.s32 $0xD, v4;
	v25 =	vor.u32 v18, v16;
	v16 =	vadd.s32 $0x7, v1  }
0x50: {  	v14 =	vand.u32 $0xFFFFFFF8, v19;
	v18 =	vand.u32 $0xFFFFFFF8, v16;
	v19 =	vand.u32 $0x7, v19;
	[tilespmem:s28+$0xFFFFEFC0] =	vst v11  }
0x51: {  	v16 =	vand.u32 $0x7, v16;
	v14 =	vadd.s32 v6, v14;
	v18 =	vadd.s32 v2, v18;
	v9 =	vld.idx.msk [tilespmem:v9+s12+$0x0], $0xffff  }
0x52: {  	v22 =	vor.u32 v19, v14;
	v11 =	vadd.s32 $0xE, v4;
	v14 =	vor.u32 v16, v18  }
0x53: {  	v16 =	vadd.s32 $0xF, v4;
	v18 =	vand.u32 $0xFFFFFFF8, v11;
	v11 =	vand.u32 $0x7, v11;
	[tilespmem:s28+$0xFFFFF250] =	vst v17  }
0x54: {  	v19 =	vand.u32 $0xFFFFFFF8, v16;
	v16 =	vand.u32 $0x7, v16;
	v18 =	vadd.s32 v6, v18;
	v8 =	vld.idx.msk [tilespmem:v8+s12+$0x0], $0xffff  }
0x55: {  	v19 =	vadd.s32 v6, v19;
	v21 =	vor.u32 v11, v18;
	v11 =	vadd.s32 $0x11, v4  }
0x56: {  	v20 =	vor.u32 v16, v19;
	v16 =	vadd.s32 $0x12, v4;
	v17 =	vand.u32 $0xFFFFFFF8, v11;
	[tilespmem:s28+$0xFFFFF100] =	vst v9  }
0x57: {  	v11 =	vand.u32 $0x7, v11;
	v9 =	vadd.s32 v6, v17;
	v17 =	vand.u32 $0xFFFFFFF8, v16;
	v13 =	vld.idx.msk [tilespmem:v13+s12+$0x0], $0xffff  }
0x58: {  	v16 =	vand.u32 $0x7, v16;
	v18 =	vor.u32 v11, v9;
	v9 =	vadd.s32 v6, v17  }
0x59: {  	v26 =	vadd.s32 $0x8, v12;
	v11 =	vand.u32 $0xFFFFFFF8, v24;
	v17 =	vor.u32 v16, v9;
	[tilespmem:s28+$0xFFFFF390] =	vst v8  }
0x5a: {  	v9 =	vadd.s32 $0x9, v1;
	v11 =	vadd.s32 v6, v11;
	v16 =	vand.u32 $0x7, v24;
	v14 =	vld.idx.msk [tilespmem:v14+s12+$0x0], $0xffff  }
0x5b: {  	v7 =	vadd.s32 $0x8, v3;
	v16 =	vor.u32 v16, v11;
	v8 =	vand.u32 $0xFFFFFFF8, v9  }
0x5c: {  	v11 =	vadd.s32 $0x14, v4;
	v9 =	vand.u32 $0x7, v9;
	v8 =	vadd.s32 v2, v8;
	[tilespmem:s28+$0xFFFFF240] =	vst v13  }
0x5d: {  	v19 =	vadd.s32 $0x10, v3;
	v8 =	vor.u32 v9, v8;
	v9 =	vand.u32 $0xFFFFFFF8, v11;
	v28 =	vld.idx.msk [tilespmem:v15+s12+$0x0], $0xffff  }
0x5e: {  	v24 =	vadd.s32 $0x15, v4;
	v11 =	vand.u32 $0x7, v11;
	v9 =	vadd.s32 v6, v9  }
0x5f: {  	v13 =	vand.u32 $0xFFFFFFF8, v24;
	v15 =	vor.u32 v11, v9;
	v9 =	vadd.s32 $0x16, v4;
	[tilespmem:s28+$0xFFFFF4D0] =	vst v14  }
0x60: {  	v24 =	vand.u32 $0x7, v24;
	v11 =	vadd.s32 v6, v13;
	v29 =	vand.u32 $0xFFFFFFF8, v9;
	v26 =	vld.idx.msk [tilespmem:v26+s12+$0x0], $0xffff  }
0x61: {  	v13 =	vor.u32 v24, v11;
	v9 =	vand.u32 $0x7, v9;
	v24 =	vand.u32 $0x7, v30  }
0x62: {  	v11 =	vadd.s32 v6, v29;
	v14 =	vand.u32 $0xFFFFFFF8, v30;
	v30 =	vadd.s32 $0x19, v4;
	[tilespmem:s28+$0xFFFFF380] =	vst v28  }
0x63: {  	v29 =	vadd.s32 v2, v14;
	v14 =	vor.u32 v9, v11;
	v9 =	vadd.s32 $0x17, v4;
	v31 =	vld.idx.msk [tilespmem:v23+s12+$0x0], $0xffff  }
0x64: {  	v11 =	vor.u32 v24, v29;
	v28 =	vand.u32 $0xFFFFFFF8, v9;
	v9 =	vand.u32 $0x7, v9  }
0x65: {  	v24 =	vadd.s32 $0x18, v3;
	v3 =	vadd.s32 v6, v28;
	v23 =	vand.u32 $0xFFFFFFF8, v30;
	[tilespmem:s28+$0xFFFFF610] =	vst v26  }
0x66: {  	v29 =	vor.u32 v9, v3;
	v3 =	vadd.s32 $0xB, v1;
	v9 =	vadd.s32 v6, v23;
	v8 =	vld.idx.msk [tilespmem:v8+s12+$0x0], $0xffff  }
0x67: {  	v23 =	vand.u32 $0xFFFFFFF8, v3;
	v3 =	vand.u32 $0x7, v3;
	v26 =	vand.u32 $0x7, v30  }
0x68: {  	v28 =	vadd.s32 v2, v23;
	v23 =	vor.u32 v26, v9;
	v9 =	vadd.s32 $0x1A, v4;
	[tilespmem:s28+$0xFFFFF4C0] =	vst v31  }
0x69: {  	v26 =	vor.u32 v3, v28;
	v28 =	vadd.s32 $0x1B, v4;
	v3 =	vand.u32 $0xFFFFFFF8, v9;
	v31 =	vld.idx.msk [tilespmem:v7+s12+$0x0], $0xffff  }
0x6a: {  	v9 =	vand.u32 $0x7, v9;
	v30 =	vand.u32 $0xFFFFFFF8, v28;
	v28 =	vand.u32 $0x7, v28  }
0x6b: {  	v3 =	vadd.s32 v6, v3;
	v7 =	vadd.s32 v6, v30;
	v30 =	vadd.s32 $0xC, v1;
	[tilespmem:s28+$0xFFFFF750] =	vst v8  }
0x6c: {  	v9 =	vor.u32 v9, v3;
	v3 =	vand.u32 $0xFFFFFFF8, v30;
	v7 =	vor.u32 v28, v7;
	v11 =	vld.idx.msk [tilespmem:v11+s12+$0x0], $0xffff  }
0x6d: {  	v28 =	vadd.s32 $0x1C, v4;
	v3 =	vadd.s32 v2, v3;
	v8 =	vand.u32 $0x7, v30  }
0x6e: {  	v30 =	vadd.s32 $0x1D, v4;
	v33 =	vor.u32 v8, v3;
	v3 =	vand.u32 $0xFFFFFFF8, v28;
	[tilespmem:s28+$0xFFFFF600] =	vst v31  }
0x6f: {  	v8 =	vand.u32 $0x7, v28;
	v28 =	vand.u32 $0xFFFFFFF8, v30;
	v3 =	vadd.s32 v6, v3;
	v31 =	vld.idx.msk [tilespmem:v5+s12+$0x0], $0xffff  }
0x70: {  	v28 =	vadd.s32 v6, v28;
	v8 =	vor.u32 v8, v3;
	v3 =	vand.u32 $0x7, v30  }
0x71: {  	v41 =	vadd.s32 v2, v41;
	v30 =	vadd.s32 $0xD, v1;
	v5 =	vor.u32 v3, v28;
	[tilespmem:s28+$0xFFFFF890] =	vst v11  }
0x72: {  	s10 =	sadd.s32 $0x20, s22;
	v3 =	vadd.s32 $0x1E, v4;
	v28 =	vand.u32 $0xFFFFFFF8, v30;
	v30 =	vand.u32 $0x7, v30;
	v34 =	vld.idx.msk [tilespmem:v26+s12+$0x0], $0xffff  }
0x73: {  	v32 =	vand.u32 $0xFFFFFFF8, v3;
	v11 =	vadd.s32 v2, v28;
	v28 =	vand.u32 $0x7, v3;
	v3 =	vld [tilespmem:s10+$0x0]  }
0x74: {  	v32 =	vadd.s32 v6, v32;
	v35 =	vor.u32 v30, v11;
	v11 =	vadd.s32 $0x1F, v4;
	[tilespmem:s28+$0xFFFFF740] =	vst v31  }
0x75: {  	v40 =	vadd.s32 $0x10, v12;
	v4 =	vor.u32 v28, v32;
	v28 =	vand.u32 $0xFFFFFFF8, v11;
	v31 =	vld.idx.msk [tilespmem:v10+s12+$0x0], $0xffff  }
0x76: {  	s1 =	simm.s32 $0x30;
	v30 =	vld [tilespmem:s10+$0xFFFFFFF0];
	v26 =	vand.u32 $0x7, v11;
	v11 =	vadd.s32 $0xE, v1;
	v32 =	vadd.s32 v6, v28  }
0x77: {  	v6 =	vmov s1;
	v28 =	vand.u32 $0xFFFFFFF8, v11;
	v10 =	vand.u32 $0x7, v11;
	[tilespmem:s28+$0xFFFFF9D0] =	vst v34  }
0x78: {  	v6 =	vshll.u32 v6, $0x7;
	v11 =	vadd.s32 v2, v28;
	v28 =	vand.u32 $0xFFFFFFF8, v3;
	v33 =	vld.idx.msk [tilespmem:v33+s12+$0x0], $0xffff  }
0x79: {  	v6 =	vor.u32 v0, v6;
	v63 =	vor.u32 v10, v11;
	v11 =	vand.u32 $0x7, v3  }
0x7a: {  	v10 =	vshll.u32 v36, $0x7;
	v37 =	vadd.s32 $0x1, v3;
	v50 =	vadd.s32 $0x2, v3;
	[tilespmem:s28+$0xFFFFF880] =	vst v31  }
0x7b: {  	v42 =	vadd.s32 $0x3, v3;
	v28 =	vadd.s32 v6, v28;
	v43 =	vand.u32 $0xFFFFFFF8, v30;
	v27 =	vld.idx.msk [tilespmem:v27+s12+$0x0], $0xffff  }
0x7c: {  	v10 =	vor.u32 v0, v10;
	v38 =	vand.u32 $0x7, v30;
	v39 =	vand.u32 $0xFFFFFFF8, v37  }
0x7d: {  	v44 =	vadd.s32 $0x1, v30;
	v45 =	vand.u32 $0x7, v37;
	v48 =	vadd.s32 $0x2, v30;
	[tilespmem:s28+$0xFFFFFB10] =	vst v33  }
0x7e: {  	v51 =	vand.u32 $0xFFFFFFF8, v50;
	v52 =	vand.u32 $0x7, v50;
	v54 =	vadd.s32 $0x3, v30;
	v35 =	vld.idx.msk [tilespmem:v35+s12+$0x0], $0xffff  }
0x7f: {  	v58 =	vand.u32 $0xFFFFFFF8, v42;
	v59 =	vadd.s32 $0x4, v30;
	v42 =	vand.u32 $0x7, v42  }
0x80: {  	v61 =	vadd.s32 $0x5, v30;
	v11 =	vor.u32 v11, v28;
	v28 =	vadd.s32 $0xF, v1;
	[tilespmem:s28+$0xFFFFF9C0] =	vst v27  }
0x81: {  	v62 =	vadd.s32 $0x6, v30;
	v50 =	vadd.s32 $0x4, v3;
	v31 =	vand.u32 $0xFFFFFFF8, v28;
	v25 =	vld.idx.msk [tilespmem:v25+s12+$0x0], $0xffff  }
0x82: {  	v36 =	vadd.s32 v10, v43;
	v28 =	vand.u32 $0x7, v28;
	v31 =	vadd.s32 v2, v31  }
0x83: {  	v46 =	vadd.s32 v6, v39;
	v28 =	vor.u32 v28, v31;
	v31 =	vor.u32 v38, v36;
	[tilespmem:s28+$0xFFFFFC50] =	vst v35  }
0x84: {  	v47 =	vand.u32 $0xFFFFFFF8, v44;
	v49 =	vand.u32 $0xFFFFFFF8, v48;
	v53 =	vadd.s32 v6, v51;
	v34 =	vld.idx.msk [tilespmem:v63+s12+$0x0], $0xffff  }
0x85: {  	v56 =	vand.u32 $0xFFFFFFF8, v54;
	v39 =	vand.u32 $0x7, v54;
	v43 =	vand.u32 $0xFFFFFFF8, v59  }
0x86: {  	v51 =	vand.u32 $0xFFFFFFF8, v62;
	v37 =	vadd.s32 v10, v49;
	v55 =	vor.u32 v52, v53;
	[tilespmem:s28+$0xFFFFFB00] =	vst v25;
	v25 =	vld.idx.msk [tilespmem:v11+s12+$0x0], $0xffff  }
0x87: {  	v36 =	vand.u32 $0x7, v44;
	v38 =	vadd.s32 v10, v47;
	v33 =	vor.u32 v45, v46;
	v22 =	vld.idx.msk [tilespmem:v22+s12+$0x0], $0xffff  }
0x88: {  	v60 =	vadd.s32 v10, v43;
	v36 =	vor.u32 v36, v38;
	v38 =	vand.u32 $0x7, v57;
	v45 =	vld.idx.msk [tilespmem:v31+s12+$0x0], $0xffff  }
0x89: {  	v53 =	vadd.s32 $0x13, v1;
	v41 =	vor.u32 v38, v41;
	v38 =	vand.u32 $0x7, v59;
	[tilespmem:s28+$0xFFFFFD90] =	vst v34  }
0x8a: {  	s30 =	simm.s32 $0x18620;
	v54 =	vand.u32 $0xFFFFFFF8, v53;
	v44 =	vor.u32 v38, v60;
	v27 =	vand.u32 $0x7, v48;
	v28 =	vld.idx.msk [tilespmem:v28+s12+$0x0], $0xffff  }
0x8b: {  	v60 =	vadd.s32 $0x14, v1;
	v48 =	vadd.s32 $0x12, v1;
	v27 =	vor.u32 v27, v37;
	[tilespmem:s30+$0xFFFFEC10] =	vst v25  }
0x8c: {  	v37 =	vadd.s32 v10, v56;
	v49 =	vand.u32 $0xFFFFFFF8, v48;
	v38 =	vand.u32 $0x7, v48;
	[tilespmem:s28+$0xFFFFFC40] =	vst v22;
	v22 =	vld.idx.msk [tilespmem:v33+s12+$0x0], $0xffff  }
0x8d: {  	v56 =	vand.u32 $0x7, v53;
	v39 =	vor.u32 v39, v37;
	v37 =	vadd.s32 v6, v58;
	[tilespmem:s30+$0xFFFFEC00] =	vst v45;
	v21 =	vld.idx.msk [tilespmem:v21+s12+$0x0], $0xffff  }
0x8e: {  	v48 =	vand.u32 $0x7, v60;
	v42 =	vor.u32 v42, v37;
	v37 =	vadd.s32 v2, v49;
	v36 =	vld.idx.msk [tilespmem:v36+s12+$0x0], $0xffff  }
0x8f: {  	v49 =	vadd.s32 $0xC, v30;
	v47 =	vor.u32 v38, v37;
	v63 =	vand.u32 $0xFFFFFFF8, v61;
	[tilespmem:s28+$0xFFFFFED0] =	vst v28  }
0x90: {  	v34 =	vadd.s32 v10, v63;
	v63 =	vadd.s32 $0x6, v3;
	v25 =	vand.u32 $0x7, v61;
	v52 =	vld.idx.msk [tilespmem:v40+s12+$0x0], $0xffff  }
0x91: {  	v46 =	vor.u32 v25, v34;
	v25 =	vand.u32 $0xFFFFFFF8, v50;
	v33 =	vand.u32 $0x7, v50;
	[tilespmem:s30+$0xFFFFED50] =	vst v22  }
0x92: {  	v34 =	vadd.s32 v10, v51;
	v50 =	vadd.s32 $0xD, v30;
	v25 =	vadd.s32 v6, v25;
	v35 =	vld.idx.msk [tilespmem:v55+s12+$0x0], $0xffff;
	[tilespmem:s28+$0xFFFFFD80] =	vst v21  }
0x93: {  	[tilespmem:s30+$0xFFFFED40] =	vst v36;
	v51 =	vadd.s32 $0x15, v1;
	v25 =	vor.u32 v33, v25;
	v28 =	vand.u32 $0x7, v62;
	v20 =	vld.idx.msk [tilespmem:v20+s12+$0x0], $0xffff  }
0x94: {  	v27 =	vld.idx.msk [tilespmem:v27+s12+$0x0], $0xffff;
	v62 =	vand.u32 $0xFFFFFFF8, v60;
	v38 =	vor.u32 v28, v34;
	v28 =	vadd.s32 $0x7, v30  }
0x95: {  	v34 =	vadd.s32 $0x8, v31;
	v40 =	vadd.s32 v2, v54;
	v43 =	vadd.s32 v2, v62;
	[tilespmem:s28+$0x10] =	vst v52  }
0x96: {  	v62 =	vadd.s32 $0x8, v11;
	v22 =	vand.u32 $0xFFFFFFF8, v28;
	v28 =	vand.u32 $0x7, v28;
	v58 =	vld.idx.msk [tilespmem:v41+s12+$0x0], $0xffff  }
0x97: {  	v55 =	vadd.s32 $0x5, v3;
	v40 =	vor.u32 v56, v40;
	v21 =	vadd.s32 v10, v22;
	[tilespmem:s30+$0xFFFFEE90] =	vst v35  }
0x98: {  	v22 =	vadd.s32 $0x9, v30;
	v37 =	vor.u32 v28, v21;
	v21 =	vand.u32 $0xFFFFFFF8, v55;
	v59 =	vld.idx.msk [tilespmem:v42+s12+$0x0], $0xffff;
	[tilespmem:s28+$0xFFFFFEC0] =	vst v20  }
0x99: {  	[tilespmem:s30+$0xFFFFEE80] =	vst v27;
	v57 =	vand.u32 $0x7, v55;
	v28 =	vand.u32 $0xFFFFFFF8, v22;
	v21 =	vadd.s32 v6, v21;
	v19 =	vld.idx.msk [tilespmem:v19+s12+$0x0], $0xffff  }
0x9a: {  	v39 =	vld.idx.msk [tilespmem:v39+s12+$0x0], $0xffff;
	v22 =	vand.u32 $0x7, v22;
	v28 =	vadd.s32 v10, v28;
	v21 =	vor.u32 v57, v21  }
0x9b: {  	v52 =	vand.u32 $0xFFFFFFF8, v51;
	v35 =	vor.u32 v22, v28;
	v22 =	vadd.s32 $0xA, v30;
	[tilespmem:s28+$0x150] =	vst v58  }
0x9c: {  	v57 =	vadd.s32 $0xF, v30;
	v28 =	vadd.s32 $0xB, v30;
	v20 =	vand.u32 $0xFFFFFFF8, v22;
	v27 =	vld.idx.msk [tilespmem:v47+s12+$0x0], $0xffff  }
0x9d: {  	v22 =	vand.u32 $0x7, v22;
	v61 =	vand.u32 $0xFFFFFFF8, v28;
	v20 =	vadd.s32 v10, v20;
	[tilespmem:s30+$0xFFFFEFD0] =	vst v59  }
0x9e: {  	v28 =	vand.u32 $0x7, v28;
	v42 =	vand.u32 $0x7, v51;
	v33 =	vor.u32 v22, v20;
	v25 =	vld.idx.msk [tilespmem:v25+s12+$0x0], $0xffff;
	[tilespmem:s28+$0x0] =	vst v19  }
0x9f: {  	[tilespmem:s30+$0xFFFFEFC0] =	vst v39;
	v20 =	vand.u32 $0xFFFFFFF8, v63;
	v22 =	vor.u32 v48, v43;
	v43 =	vadd.s32 v2, v52;
	v18 =	vld.idx.msk [tilespmem:v18+s12+$0x0], $0xffff  }
0xa0: {  	v55 =	vld.idx.msk [tilespmem:v44+s12+$0x0], $0xffff;
	v48 =	vand.u32 $0x7, v63;
	v20 =	vadd.s32 v6, v20;
	v42 =	vor.u32 v42, v43  }
0xa1: {  	v20 =	vor.u32 v48, v20;
	v58 =	vand.u32 $0xFFFFFFF8, v57;
	v48 =	vadd.s32 $0x17, v1;
	[tilespmem:s28+$0x290] =	vst v27  }
0xa2: {  	v47 =	vadd.s32 v10, v61;
	v59 =	vadd.s32 $0x16, v1;
	v19 =	vand.u32 $0xFFFFFFF8, v49;
	v53 =	vld.idx.msk [tilespmem:v40+s12+$0x0], $0xffff  }
0xa3: {  	v36 =	vor.u32 v28, v47;
	v28 =	vand.u32 $0x7, v49;
	v19 =	vadd.s32 v10, v19;
	[tilespmem:s30+$0xFFFFF110] =	vst v25  }
0xa4: {  	v61 =	vadd.s32 $0x13, v30;
	v28 =	vor.u32 v28, v19;
	v19 =	vand.u32 $0xFFFFFFF8, v50;
	v21 =	vld.idx.msk [tilespmem:v21+s12+$0x0], $0xffff;
	[tilespmem:s28+$0x140] =	vst v18  }
0xa5: {  	[tilespmem:s30+$0xFFFFF100] =	vst v55;
	v60 =	vand.u32 $0x7, v59;
	v19 =	vadd.s32 v10, v19;
	v27 =	vadd.s32 $0x7, v3;
	v17 =	vld.idx.msk [tilespmem:v17+s12+$0x0], $0xffff  }
0xa6: {  	v43 =	vld.idx.msk [tilespmem:v46+s12+$0x0], $0xffff;
	v54 =	vand.u32 $0xFFFFFFF8, v27;
	v25 =	vand.u32 $0x7, v50;
	v18 =	vadd.s32 $0xE, v30  }
0xa7: {  	v56 =	vand.u32 $0x7, v27;
	v27 =	vor.u32 v25, v19;
	v19 =	vand.u32 $0xFFFFFFF8, v18;
	[tilespmem:s28+$0x3D0] =	vst v53  }
0xa8: {  	v49 =	vand.u32 $0xFFFFFFF8, v48;
	v18 =	vand.u32 $0x7, v18;
	v19 =	vadd.s32 v10, v19;
	v39 =	vld.idx.msk [tilespmem:v22+s12+$0x0], $0xffff  }
0xa9: {  	v25 =	vor.u32 v18, v19;
	v18 =	vadd.s32 v10, v58;
	v22 =	vand.u32 $0x7, v57;
	[tilespmem:s30+$0xFFFFF250] =	vst v21  }
0xaa: {  	v51 =	vand.u32 $0x7, v61;
	v40 =	vadd.s32 v6, v54;
	v22 =	vor.u32 v22, v18;
	v18 =	vld.idx.msk [tilespmem:v20+s12+$0x0], $0xffff;
	[tilespmem:s28+$0x280] =	vst v17  }
0xab: {  	[tilespmem:s30+$0xFFFFF240] =	vst v43;
	v43 =	vadd.s32 v2, v49;
	v40 =	vor.u32 v56, v40;
	v19 =	vand.u32 $0xFFFFFFF8, v59;
	v16 =	vld.idx.msk [tilespmem:v16+s12+$0x0], $0xffff  }
0xac: {  	v54 =	vadd.s32 $0x15, v30;
	v49 =	vadd.s32 $0x19, v30;
	v19 =	vadd.s32 v2, v19  }
0xad: {  	v58 =	vadd.s32 $0x16, v30;
	v21 =	vadd.s32 $0x10, v31;
	v41 =	vor.u32 v60, v19;
	[tilespmem:s28+$0x510] =	vst v39  }
0xae: {  	v19 =	vadd.s32 $0x12, v30;
	v57 =	vand.u32 $0xFFFFFFF8, v54;
	v17 =	vadd.s32 $0x11, v30;
	v42 =	vld.idx.msk [tilespmem:v42+s12+$0x0], $0xffff  }
0xaf: {  	v38 =	vld.idx.msk [tilespmem:v38+s12+$0x0], $0xffff;
	v60 =	vadd.s32 $0xA, v3;
	v63 =	vand.u32 $0xFFFFFFF8, v19;
	v20 =	vand.u32 $0xFFFFFFF8, v17;
	[tilespmem:s30+$0xFFFFF390] =	vst v18  }
0xb0: {  	v19 =	vand.u32 $0x7, v19;
	v17 =	vand.u32 $0x7, v17;
	v20 =	vadd.s32 v10, v20;
	[tilespmem:s28+$0x3C0] =	vst v16;
	v16 =	vld.idx.msk [tilespmem:v40+s12+$0x0], $0xffff  }
0xb1: {  	v20 =	vor.u32 v17, v20;
	v17 =	vadd.s32 v10, v63;
	v63 =	vand.u32 $0x7, v60;
	v15 =	vld.idx.msk [tilespmem:v15+s12+$0x0], $0xffff  }
0xb2: {  	v19 =	vor.u32 v19, v17;
	v17 =	vand.u32 $0xFFFFFFF8, v61;
	v39 =	vand.u32 $0x7, v48  }
0xb3: {  	v18 =	vadd.s32 $0x9, v3;
	v17 =	vadd.s32 v10, v17;
	v39 =	vor.u32 v39, v43;
	[tilespmem:s28+$0x650] =	vst v42  }
0xb4: {  	[tilespmem:s30+$0xFFFFF380] =	vst v38;
	v43 =	vand.u32 $0x7, v54;
	v50 =	vand.u32 $0xFFFFFFF8, v18;
	v52 =	vand.u32 $0x7, v18;
	v55 =	vld.idx.msk [tilespmem:v41+s12+$0x0], $0xffff  }
0xb5: {  	v37 =	vld.idx.msk [tilespmem:v37+s12+$0x0], $0xffff;
	v18 =	vor.u32 v51, v17;
	v17 =	vadd.s32 $0x14, v30;
	v51 =	vand.u32 $0xFFFFFFF8, v49;
	[tilespmem:s30+$0xFFFFF4D0] =	vst v16  }
0xb6: {  	v40 =	vadd.s32 v6, v50;
	v53 =	vand.u32 $0xFFFFFFF8, v17;
	v17 =	vand.u32 $0x7, v17;
	v59 =	vld.idx.msk [tilespmem:v62+s12+$0x0], $0xffff;
	[tilespmem:s28+$0x500] =	vst v15  }
0xb7: {  	v50 =	vadd.s32 $0x19, v1;
	v40 =	vor.u32 v52, v40;
	v15 =	vand.u32 $0xFFFFFFF8, v58;
	v61 =	vld.idx.msk [tilespmem:v13+s12+$0x0], $0xffff  }
0xb8: {  	v56 =	vadd.s32 v10, v53;
	v13 =	vadd.s32 v10, v15;
	v15 =	vand.u32 $0xFFFFFFF8, v60  }
0xb9: {  	v62 =	vadd.s32 $0x18, v12;
	v12 =	vand.u32 $0x7, v58;
	v15 =	vadd.s32 v6, v15;
	[tilespmem:s28+$0x790] =	vst v55  }
0xba: {  	[tilespmem:s30+$0xFFFFF4C0] =	vst v37;
	v13 =	vor.u32 v12, v13;
	v12 =	vadd.s32 $0x17, v30;
	v46 =	vor.u32 v63, v15;
	v47 =	vld.idx.msk [tilespmem:v39+s12+$0x0], $0xffff  }
0xbb: {  	v15 =	vand.u32 $0xFFFFFFF8, v12;
	v48 =	vand.u32 $0x7, v12;
	v12 =	vadd.s32 $0x18, v31;
	v31 =	vld.idx.msk [tilespmem:v34+s12+$0x0], $0xffff;
	[tilespmem:s30+$0xFFFFF610] =	vst v59  }
0xbc: {  	v52 =	vand.u32 $0xFFFFFFF8, v50;
	v17 =	vor.u32 v17, v56;
	v56 =	vadd.s32 $0x1A, v30;
	v40 =	vld.idx.msk [tilespmem:v40+s12+$0x0], $0xffff;
	[tilespmem:s28+$0x640] =	vst v61  }
0xbd: {  	v42 =	vadd.s32 v2, v52;
	v16 =	vadd.s32 v10, v57;
	v41 =	vand.u32 $0x7, v50;
	v53 =	vld.idx.msk [tilespmem:v14+s12+$0x0], $0xffff  }
0xbe: {  	v16 =	vor.u32 v43, v16;
	v41 =	vor.u32 v41, v42;
	v15 =	vadd.s32 v10, v15  }
0xbf: {  	v58 =	vand.u32 $0xFFFFFFF8, v56;
	v34 =	vand.u32 $0x7, v49;
	v15 =	vor.u32 v48, v15;
	[tilespmem:s28+$0x8D0] =	vst v47  }
0xc0: {  	v39 =	vadd.s32 v10, v51;
	v59 =	vadd.s32 $0x1B, v30;
	v14 =	vadd.s32 $0xB, v3;
	[tilespmem:s30+$0xFFFFF600] =	vst v31;
	v31 =	vld.idx.msk [tilespmem:v62+s12+$0x0], $0xffff  }
0xc1: {  	v48 =	vadd.s32 $0xC, v3;
	v60 =	vand.u32 $0xFFFFFFF8, v59;
	v54 =	vand.u32 $0xFFFFFFF8, v14;
	v57 =	vld.idx.msk [tilespmem:v35+s12+$0x0], $0xffff;
	[tilespmem:s30+$0xFFFFF750] =	vst v40  }
0xc2: {  	v61 =	vadd.s32 $0x1A, v1;
	v55 =	vand.u32 $0x7, v14;
	v42 =	vadd.s32 v6, v54;
	v38 =	vld.idx.msk [tilespmem:v46+s12+$0x0], $0xffff;
	[tilespmem:s28+$0x780] =	vst v53  }
0xc3: {  	v50 =	vand.u32 $0xFFFFFFF8, v48;
	v63 =	vand.u32 $0xFFFFFFF8, v61;
	v37 =	vor.u32 v55, v42;
	v29 =	vld.idx.msk [tilespmem:v29+s12+$0x0], $0xffff  }
0xc4: {  	v43 =	vand.u32 $0x7, v61;
	v52 =	vadd.s32 v6, v50;
	v14 =	vor.u32 v34, v39  }
0xc5: {  	v34 =	vand.u32 $0x7, v56;
	v35 =	vadd.s32 v10, v58;
	v54 =	vadd.s32 $0x1C, v30;
	[tilespmem:s28+$0xA10] =	vst v31  }
0xc6: {  	v58 =	vadd.s32 $0x1B, v1;
	v35 =	vor.u32 v34, v35;
	v42 =	vadd.s32 v2, v63;
	[tilespmem:s30+$0xFFFFF740] =	vst v57;
	v51 =	vld.idx.msk [tilespmem:v41+s12+$0x0], $0xffff  }
0xc7: {  	v62 =	vadd.s32 v10, v60;
	v49 =	vor.u32 v43, v42;
	v53 =	vld.idx.msk [tilespmem:v33+s12+$0x0], $0xffff;
	v31 =	vand.u32 $0x7, v59;
	[tilespmem:s30+$0xFFFFF890] =	vst v38  }
0xc8: {  	v55 =	vadd.s32 $0x1D, v30;
	v34 =	vor.u32 v31, v62;
	v31 =	vand.u32 $0x7, v48;
	v37 =	vld.idx.msk [tilespmem:v37+s12+$0x0], $0xffff;
	[tilespmem:s28+$0x8C0] =	vst v29  }
0xc9: {  	v56 =	vand.u32 $0xFFFFFFF8, v55;
	v41 =	vor.u32 v31, v52;
	v29 =	vand.u32 $0xFFFFFFF8, v54;
	v24 =	vld.idx.msk [tilespmem:v24+s12+$0x0], $0xffff  }
0xca: {  	v60 =	vand.u32 $0x7, v58;
	v31 =	vand.u32 $0x7, v54;
	v29 =	vadd.s32 v10, v29  }
0xcb: {  	v57 =	vadd.s32 v10, v56;
	v33 =	vor.u32 v31, v29;
	v31 =	vand.u32 $0xFFFFFFF8, v58;
	[tilespmem:s28+$0xB50] =	vst v51  }
0xcc: {  	v59 =	vadd.s32 $0xD, v3;
	v29 =	vand.u32 $0x7, v55;
	[tilespmem:s30+$0xFFFFF880] =	vst v53;
	v61 =	vadd.s32 v2, v31;
	v38 =	vld.idx.msk [tilespmem:v49+s12+$0x0], $0xffff  }
0xcd: {  	v31 =	vor.u32 v29, v57;
	v29 =	vand.u32 $0xFFFFFFF8, v59;
	v42 =	vld.idx.msk [tilespmem:v36+s12+$0x0], $0xffff;
	v39 =	vor.u32 v60, v61;
	[tilespmem:s30+$0xFFFFF9D0] =	vst v37  }
0xce: {  	v62 =	vadd.s32 $0x1E, v30;
	v63 =	vand.u32 $0x7, v59;
	v29 =	vadd.s32 v6, v29;
	v43 =	vld.idx.msk [tilespmem:v41+s12+$0x0], $0xffff;
	[tilespmem:s28+$0xA00] =	vst v24  }
0xcf: {  	s25 =	smul.u32 $0xA00, s24;
	s31 =	simm.s32 $0x18620;
	v30 =	vadd.s32 $0x1F, v30;
	v44 =	vor.u32 v63, v29;
	v24 =	vand.u32 $0xFFFFFFF8, v62;
	v40 =	vld.idx.msk [tilespmem:v23+s12+$0x0], $0xffff  }
0xd0: {  	s26 =	sshll.u32 s24, $0x1;
	s0 =	sadd.s32 $0x20, s10;
	s1 =	simm.s32 $0x2;
	v36 =	vand.u32 $0x7, v62;
	v29 =	vor.u32 v26, v32;
	v37 =	vadd.s32 v10, v24  }
.LBB2_3:
0xd1: {  	v41 =	vld [tilespmem:s0+$0x0];
	s1 =	sadd.s32 $0x2, s1;
	v36 =	vor.u32 v36, v37;
	v24 =	vand.u32 $0xFFFFFFF8, v30;
	[tilespmem:s28+$0xC90] =	vst v38;
	v32 =	vadd.s32 $0x1C, v1  }
0xd2: {  	v23 =	vand.u32 $0x7, v30;
	s29 =	sadd.s32 $0x20, s29;
	p1 =	slt.u32 s1, $0x12;
	[tilespmem:s30+$0xFFFFF9C0] =	vst v42;
	v24 =	vadd.s32 v10, v24;
	v10 =	vld.idx.msk [tilespmem:v39+s12+$0x0], $0xffff;
	v30 =	vand.u32 $0xFFFFFFF8, v32  }
0xd3: {  	v37 =	vadd.s32 $0xE, v3;
	s10 =	sadd.s32 $0x10, s29;
	v32 =	vand.u32 $0x7, v32;
	v26 =	vld [tilespmem:s0+$0xFFFFFFF0];
	[tilespmem:s30+$0xFFFFFB10] =	vst v43;
	v30 =	vadd.s32 v2, v30  }
0xd4: {  	v42 =	vand.u32 $0xFFFFFFF8, v37;
	v38 =	vmov s10;
	v39 =	vld.idx.msk [tilespmem:v44+s12+$0x0], $0xffff;
	[tilespmem:s28+$0xB40] =	vst v40;
	v32 =	vor.u32 v32, v30  }
0xd5: {  	v37 =	vand.u32 $0x7, v37;
	v30 =	vshll.u32 v38, $0x7;
	v38 =	vadd.s32 v6, v42;
	v28 =	vld.idx.msk [tilespmem:v28+s12+$0x0], $0xffff  }
0xd6: {  	v42 =	vor.u32 v0, v30;
	v37 =	vor.u32 v37, v38;
	v40 =	vand.u32 $0xFFFFFFF8, v41;
	v38 =	vld.idx.msk [tilespmem:v9+s12+$0x0], $0xffff;
	v9 =	vmovc v35  }
0xd7: {  	v30 =	vmov s29;
	v35 =	vand.u32 $0x7, v41;
	v40 =	vadd.s32 v42, v40  }
0xd8: {  	v43 =	vshll.u32 v30, $0x7;
	v30 =	vor.u32 v35, v40;
	[tilespmem:s28+$0xDD0] =	vst v10;
	v35 =	vadd.s32 $0x1D, v1  }
0xd9: {  	v40 =	vand.u32 $0xFFFFFFF8, v26;
	v10 =	vor.u32 v0, v43;
	v43 =	vld.idx.msk [tilespmem:v32+s12+$0x0], $0xffff;
	v32 =	vand.u32 $0xFFFFFFF8, v35  }
0xda: {  	v35 =	vand.u32 $0x7, v35;
	[tilespmem:s30+$0xFFFFFC50] =	vst v39;
	v39 =	vadd.s32 $0xF, v3;
	v32 =	vadd.s32 v2, v32  }
0xdb: {  	v40 =	vadd.s32 v10, v40;
	[tilespmem:s30+$0xFFFFFB00] =	vst v28;
	v28 =	vld.idx.msk [tilespmem:v37+s12+$0x0], $0xffff;
	v37 =	vand.u32 $0xFFFFFFF8, v39;
	v35 =	vor.u32 v35, v32  }
0xdc: {  	v44 =	vadd.s32 $0x1, v41;
	v32 =	vand.u32 $0x7, v39;
	v27 =	vld.idx.msk [tilespmem:v27+s12+$0x0], $0xffff;
	v37 =	vadd.s32 v6, v37;
	[tilespmem:s28+$0xC80] =	vst v38  }
0xdd: {  	v45 =	vand.u32 $0xFFFFFFF8, v44;
	v38 =	vand.u32 $0x7, v26;
	v39 =	vld.idx.msk [tilespmem:v30+s12+$0x0], $0xffff;
	v37 =	vor.u32 v32, v37  }
0xde: {  	v32 =	vor.u32 v38, v40;
	v38 =	vand.u32 $0x7, v44;
	v40 =	vadd.s32 v42, v45;
	v44 =	vld.idx.msk [tilespmem:v7+s12+$0x0], $0xffff;
	v7 =	vmovc v34  }
0xdf: {  	v34 =	vadd.s32 $0x1, v26;
	v38 =	vor.u32 v38, v40;
	v40 =	vadd.s32 $0x1E, v1;
	[tilespmem:s28+$0xF10] =	vst v43  }
0xe0: {  	v43 =	vand.u32 $0xFFFFFFF8, v34;
	v34 =	vand.u32 $0x7, v34;
	v45 =	vand.u32 $0xFFFFFFF8, v40;
	v35 =	vld.idx.msk [tilespmem:v35+s12+$0x0], $0xffff  }
0xe1: {  	v43 =	vadd.s32 v10, v43;
	[tilespmem:s30+$0xFFFFFD90] =	vst v28;
	v28 =	vand.u32 $0x7, v40;
	v40 =	vadd.s32 v2, v45  }
0xe2: {  	v34 =	vor.u32 v34, v43;
	v43 =	vadd.s32 $0x2, v26;
	s30 =	sadd.s32 $0x20, s30;
	[tilespmem:s31+$0xFFFFFC40] =	vst v27;
	v27 =	vld.idx.msk [tilespmem:v37+s12+$0x0], $0xffff;
	v28 =	vor.u32 v28, v40  }
0xe3: {  	v40 =	vand.u32 $0xFFFFFFF8, v43;
	v43 =	vand.u32 $0x7, v43;
	v37 =	vld.idx.msk [tilespmem:v32+s12+$0x0], $0xffff;
	[tilespmem:s30+$0xFFFFEC10] =	vst v39;
	v39 =	vadd.s32 $0x2, v41  }
0xe4: {  	v46 =	vadd.s32 $0x10, v11;
	v40 =	vadd.s32 v10, v40;
	v38 =	vld.idx.msk [tilespmem:v38+s12+$0x0], $0xffff;
	v45 =	vand.u32 $0xFFFFFFF8, v39;
	[tilespmem:s28+$0xDC0] =	vst v44  }
0xe5: {  	v40 =	vor.u32 v43, v40;
	v39 =	vand.u32 $0x7, v39;
	v43 =	vadd.s32 v42, v45;
	v25 =	vld.idx.msk [tilespmem:v25+s12+$0x0], $0xffff  }
0xe6: {  	v44 =	vadd.s32 $0x3, v26;
	v39 =	vor.u32 v39, v43;
	v43 =	vld.idx.msk [tilespmem:v8+s12+$0x0], $0xffff;
	[tilespmem:s28+$0x1050] =	vst v35;
	v35 =	vadd.s32 $0x1F, v1;
	v1 =	vmovc v3  }
0xe7: {  	v45 =	vand.u32 $0xFFFFFFF8, v44;
	v44 =	vand.u32 $0x7, v44;
	v3 =	vmovc v41;
	v8 =	vmovc v33;
	v28 =	vld.idx.msk [tilespmem:v28+s12+$0x0], $0xffff;
	v47 =	vand.u32 $0xFFFFFFF8, v35  }
0xe8: {  	v33 =	vand.u32 $0x7, v35;
	[tilespmem:s31+$0xFFFFFED0] =	vst v27;
	v27 =	vadd.s32 $0x11, v1;
	v35 =	vadd.s32 v2, v47;
	v2 =	vmovc v6;
	v6 =	vmovc v42  }
0xe9: {  	[tilespmem:s30+$0xFFFFEC00] =	vst v37;
	v37 =	vadd.s32 v10, v45;
	v41 =	vld.idx.msk [tilespmem:v46+s12+$0x0], $0xffff;
	v42 =	vand.u32 $0xFFFFFFF8, v27;
	v33 =	vor.u32 v33, v35  }
0xea: {  	v35 =	vadd.s32 $0x3, v3;
	v27 =	vand.u32 $0x7, v27;
	v34 =	vld.idx.msk [tilespmem:v34+s12+$0x0], $0xffff;
	[tilespmem:s30+$0xFFFFED50] =	vst v38;
	v38 =	vadd.s32 v2, v42  }
0xeb: {  	v37 =	vor.u32 v44, v37;
	v42 =	vand.u32 $0xFFFFFFF8, v35;
	v39 =	vld.idx.msk [tilespmem:v39+s12+$0x0], $0xffff;
	[tilespmem:s31+$0xFFFFFD80] =	vst v25;
	v25 =	vor.u32 v27, v38  }
0xec: {  	v35 =	vand.u32 $0x7, v35;
	v27 =	vadd.s32 $0x4, v26;
	v38 =	vadd.s32 v6, v42;
	v22 =	vld.idx.msk [tilespmem:v22+s12+$0x0], $0xffff;
	[tilespmem:s28+$0xF00] =	vst v43  }
0xed: {  	v42 =	vand.u32 $0xFFFFFFF8, v27;
	v27 =	vand.u32 $0x7, v27;
	v35 =	vor.u32 v35, v38;
	v38 =	vld.idx.msk [tilespmem:v5+s12+$0x0], $0xffff;
	[tilespmem:s28+$0x1190] =	vst v28;
	v5 =	vmovc v31  }
0xee: {  	v28 =	vadd.s32 v10, v42;
	v31 =	vadd.s32 $0x5, v26;
	v42 =	vadd.s32 $0x6, v26;
	v33 =	vld.idx.msk [tilespmem:v33+s12+$0x0], $0xffff  }
0xef: {  	v27 =	vor.u32 v27, v28;
	v28 =	vand.u32 $0xFFFFFFF8, v31;
	[tilespmem:s31+$0x10] =	vst v41;
	v41 =	vadd.s32 $0x12, v1  }
0xf0: {  	v31 =	vand.u32 $0x7, v31;
	v28 =	vadd.s32 v10, v28;
	[tilespmem:s30+$0xFFFFED40] =	vst v34;
	v25 =	vld.idx.msk [tilespmem:v25+s12+$0x0], $0xffff;
	v34 =	vand.u32 $0xFFFFFFF8, v41  }
0xf1: {  	v41 =	vand.u32 $0x7, v41;
	v40 =	vld.idx.msk [tilespmem:v40+s12+$0x0], $0xffff;
	[tilespmem:s30+$0xFFFFEE90] =	vst v39;
	v39 =	vadd.s32 $0x4, v3;
	v34 =	vadd.s32 v2, v34  }
0xf2: {  	v43 =	vor.u32 v31, v28;
	v28 =	vld.idx.msk [tilespmem:v35+s12+$0x0], $0xffff;
	v31 =	vand.u32 $0xFFFFFFF8, v39;
	[tilespmem:s31+$0xFFFFFEC0] =	vst v22;
	v22 =	vor.u32 v41, v34  }
0xf3: {  	v34 =	vand.u32 $0xFFFFFFF8, v42;
	v35 =	vand.u32 $0x7, v39;
	v31 =	vadd.s32 v6, v31;
	v39 =	vld.idx.msk [tilespmem:v21+s12+$0x0], $0xffff;
	[tilespmem:s28+$0x1040] =	vst v38  }
0xf4: {  	v21 =	vand.u32 $0x7, v42;
	v34 =	vadd.s32 v10, v34;
	v31 =	vor.u32 v35, v31;
	v38 =	vld.idx.msk [tilespmem:v4+s12+$0x0], $0xffff;
	[tilespmem:s28+$0x12D0] =	vst v33  }
0xf5: {  	v21 =	vor.u32 v21, v34;
	v34 =	vadd.s32 $0x7, v26;
	v33 =	vadd.s32 $0x8, v32;
	v4 =	vmovc v36  }
0xf6: {  	v35 =	vand.u32 $0xFFFFFFF8, v34;
	v34 =	vand.u32 $0x7, v34;
	[tilespmem:s31+$0x150] =	vst v25;
	v25 =	vadd.s32 $0x13, v1  }
0xf7: {  	v36 =	vadd.s32 $0x9, v26;
	v35 =	vadd.s32 v10, v35;
	[tilespmem:s30+$0xFFFFEE80] =	vst v40;
	v22 =	vld.idx.msk [tilespmem:v22+s12+$0x0], $0xffff;
	v40 =	vand.u32 $0xFFFFFFF8, v25  }
0xf8: {  	v25 =	vand.u32 $0x7, v25;
	v37 =	vld.idx.msk [tilespmem:v37+s12+$0x0], $0xffff;
	[tilespmem:s30+$0xFFFFEFD0] =	vst v28;
	v28 =	vadd.s32 $0x5, v3;
	v40 =	vadd.s32 v2, v40  }
0xf9: {  	v35 =	vor.u32 v34, v35;
	v31 =	vld.idx.msk [tilespmem:v31+s12+$0x0], $0xffff;
	v34 =	vand.u32 $0xFFFFFFF8, v28;
	[tilespmem:s31+$0x0] =	vst v39;
	v25 =	vor.u32 v25, v40  }
0xfa: {  	v39 =	vand.u32 $0xFFFFFFF8, v36;
	v28 =	vand.u32 $0x7, v28;
	v34 =	vadd.s32 v6, v34;
	v20 =	vld.idx.msk [tilespmem:v20+s12+$0x0], $0xffff;
	[tilespmem:s28+$0x1180] =	vst v38  }
0xfb: {  	v36 =	vand.u32 $0x7, v36;
	v38 =	vadd.s32 v10, v39;
	v28 =	vor.u32 v28, v34;
	v29 =	vld.idx.msk [tilespmem:v29+s12+$0x0], $0xffff  }
0xfc: {  	v34 =	vor.u32 v36, v38;
	v36 =	vadd.s32 $0xA, v26;
	v38 =	vadd.s32 $0xB, v26  }
0xfd: {  	v39 =	vand.u32 $0xFFFFFFF8, v36;
	v36 =	vand.u32 $0x7, v36;
	[tilespmem:s31+$0x290] =	vst v22;
	v22 =	vadd.s32 $0x14, v1  }
0xfe: {  	[tilespmem:s30+$0xFFFFEFC0] =	vst v37;
	v37 =	vadd.s32 v10, v39;
	v39 =	vand.u32 $0xFFFFFFF8, v38;
	v25 =	vld.idx.msk [tilespmem:v25+s12+$0x0], $0xffff;
	v40 =	vand.u32 $0xFFFFFFF8, v22  }
0xff: {  	v41 =	vadd.s32 $0x6, v3;
	v22 =	vand.u32 $0x7, v22;
	v27 =	vld.idx.msk [tilespmem:v27+s12+$0x0], $0xffff;
	[tilespmem:s30+$0xFFFFF110] =	vst v31;
	v40 =	vadd.s32 v2, v40  }
0x100: {  	v31 =	vor.u32 v36, v37;
	v36 =	vld.idx.msk [tilespmem:v28+s12+$0x0], $0xffff;
	v28 =	vand.u32 $0xFFFFFFF8, v41;
	[tilespmem:s31+$0x140] =	vst v20;
	v20 =	vor.u32 v22, v40  }
0x101: {  	v37 =	vand.u32 $0x7, v41;
	v22 =	vadd.s32 v10, v39;
	v28 =	vadd.s32 v6, v28;
	v19 =	vld.idx.msk [tilespmem:v19+s12+$0x0], $0xffff;
	[tilespmem:s28+$0x12C0] =	vst v29;
	s28 =	smov.u32 s31;
	s31 =	smov.u32 s30  }
0x102: {  	v29 =	vand.u32 $0x7, v38;
	v38 =	vadd.s32 $0xC, v26;
	v37 =	vor.u32 v37, v28  }
0x103: {  	v29 =	vor.u32 v29, v22;
	v22 =	vand.u32 $0xFFFFFFF8, v38;
	v28 =	vand.u32 $0x7, v38  }
0x104: {  	v38 =	vadd.s32 $0xD, v26;
	v22 =	vadd.s32 v10, v22;
	[tilespmem:s28+$0x3D0] =	vst v25;
	v25 =	vadd.s32 $0x15, v1  }
0x105: {  	v28 =	vor.u32 v28, v22;
	v22 =	vand.u32 $0xFFFFFFF8, v38;
	[tilespmem:s30+$0xFFFFF100] =	vst v27;
	v20 =	vld.idx.msk [tilespmem:v20+s12+$0x0], $0xffff;
	v27 =	vand.u32 $0xFFFFFFF8, v25  }
0x106: {  	v25 =	vand.u32 $0x7, v25;
	v39 =	vld.idx.msk [tilespmem:v43+s12+$0x0], $0xffff;
	[tilespmem:s30+$0xFFFFF250] =	vst v36;
	v36 =	vadd.s32 $0x7, v3;
	v27 =	vadd.s32 v2, v27  }
0x107: {  	v22 =	vadd.s32 v10, v22;
	v37 =	vld.idx.msk [tilespmem:v37+s12+$0x0], $0xffff;
	v40 =	vand.u32 $0xFFFFFFF8, v36;
	[tilespmem:s28+$0x280] =	vst v19;
	v19 =	vor.u32 v25, v27  }
0x108: {  	v25 =	vand.u32 $0x7, v38;
	v36 =	vand.u32 $0x7, v36;
	v38 =	vadd.s32 v6, v40;
	v18 =	vld.idx.msk [tilespmem:v18+s12+$0x0], $0xffff  }
0x109: {  	v27 =	vor.u32 v25, v22;
	v22 =	vadd.s32 $0xE, v26;
	v36 =	vor.u32 v36, v38  }
0x10a: {  	v25 =	vand.u32 $0xFFFFFFF8, v22;
	v22 =	vand.u32 $0x7, v22;
	v38 =	vadd.s32 $0xF, v26  }
0x10b: {  	v25 =	vadd.s32 v10, v25;
	v40 =	vand.u32 $0xFFFFFFF8, v38;
	[tilespmem:s28+$0x510] =	vst v20;
	v20 =	vadd.s32 $0x16, v1  }
0x10c: {  	v25 =	vor.u32 v22, v25;
	v22 =	vadd.s32 v10, v40;
	[tilespmem:s30+$0xFFFFF240] =	vst v39;
	v19 =	vld.idx.msk [tilespmem:v19+s12+$0x0], $0xffff;
	v39 =	vand.u32 $0xFFFFFFF8, v20  }
0x10d: {  	v20 =	vand.u32 $0x7, v20;
	v40 =	vld.idx.msk [tilespmem:v21+s12+$0x0], $0xffff;
	v21 =	vand.u32 $0x7, v38;
	[tilespmem:s30+$0xFFFFF390] =	vst v37;
	v37 =	vadd.s32 v2, v39  }
0x10e: {  	v22 =	vor.u32 v21, v22;
	v21 =	vadd.s32 $0x10, v32;
	v36 =	vld.idx.msk [tilespmem:v36+s12+$0x0], $0xffff;
	[tilespmem:s28+$0x3C0] =	vst v18;
	v18 =	vor.u32 v20, v37  }
0x10f: {  	v38 =	vadd.s32 $0x13, v26;
	v20 =	vadd.s32 $0x11, v26;
	v37 =	vadd.s32 $0x12, v26;
	v17 =	vld.idx.msk [tilespmem:v17+s12+$0x0], $0xffff  }
0x110: {  	v41 =	vadd.s32 $0x8, v30;
	v39 =	vand.u32 $0xFFFFFFF8, v20;
	v20 =	vand.u32 $0x7, v20  }
0x111: {  	v42 =	vand.u32 $0xFFFFFFF8, v37;
	v37 =	vand.u32 $0x7, v37;
	v39 =	vadd.s32 v10, v39  }
0x112: {  	v20 =	vor.u32 v20, v39;
	v39 =	vadd.s32 v10, v42;
	v42 =	vadd.s32 $0x17, v1;
	[tilespmem:s28+$0x650] =	vst v19  }
0x113: {  	v19 =	vor.u32 v37, v39;
	v37 =	vand.u32 $0xFFFFFFF8, v38;
	[tilespmem:s30+$0xFFFFF380] =	vst v40;
	v39 =	vld.idx.msk [tilespmem:v18+s12+$0x0], $0xffff;
	v18 =	vand.u32 $0xFFFFFFF8, v42  }
0x114: {  	v40 =	vand.u32 $0x7, v42;
	v35 =	vld.idx.msk [tilespmem:v35+s12+$0x0], $0xffff;
	[tilespmem:s30+$0xFFFFF4D0] =	vst v36;
	v36 =	vadd.s32 $0x9, v3;
	v18 =	vadd.s32 v2, v18  }
0x115: {  	v37 =	vadd.s32 v10, v37;
	v41 =	vld.idx.msk [tilespmem:v41+s12+$0x0], $0xffff;
	v42 =	vand.u32 $0xFFFFFFF8, v36;
	[tilespmem:s28+$0x500] =	vst v17;
	v40 =	vor.u32 v40, v18  }
0x116: {  	v17 =	vand.u32 $0x7, v38;
	v36 =	vand.u32 $0x7, v36;
	v38 =	vadd.s32 v6, v42;
	v42 =	vld.idx.msk [tilespmem:v16+s12+$0x0], $0xffff  }
0x117: {  	v18 =	vor.u32 v17, v37;
	v16 =	vadd.s32 $0x14, v26;
	v36 =	vor.u32 v36, v38  }
0x118: {  	v37 =	vadd.s32 $0x15, v26;
	v17 =	vand.u32 $0xFFFFFFF8, v16;
	v16 =	vand.u32 $0x7, v16  }
0x119: {  	v38 =	vand.u32 $0xFFFFFFF8, v37;
	v37 =	vand.u32 $0x7, v37;
	v17 =	vadd.s32 v10, v17;
	[tilespmem:s28+$0x790] =	vst v39  }
0x11a: {  	v17 =	vor.u32 v16, v17;
	v16 =	vadd.s32 v10, v38;
	[tilespmem:s30+$0xFFFFF4C0] =	vst v35;
	v35 =	vadd.s32 $0x16, v26;
	v38 =	vld.idx.msk [tilespmem:v40+s12+$0x0], $0xffff  }
0x11b: {  	v39 =	vadd.s32 $0xA, v3;
	v16 =	vor.u32 v37, v16;
	v33 =	vld.idx.msk [tilespmem:v33+s12+$0x0], $0xffff;
	v37 =	vand.u32 $0xFFFFFFF8, v35;
	[tilespmem:s30+$0xFFFFF610] =	vst v41  }
0x11c: {  	v40 =	vand.u32 $0xFFFFFFF8, v39;
	v41 =	vadd.s32 $0x18, v11;
	v11 =	vmovc v30;
	v37 =	vadd.s32 v10, v37;
	v36 =	vld.idx.msk [tilespmem:v36+s12+$0x0], $0xffff;
	[tilespmem:s28+$0x640] =	vst v42  }
0x11d: {  	v30 =	vand.u32 $0x7, v35;
	v35 =	vand.u32 $0x7, v39;
	v39 =	vadd.s32 v6, v40;
	v40 =	vld.idx.msk [tilespmem:v13+s12+$0x0], $0xffff  }
0x11e: {  	v35 =	vor.u32 v35, v39;
	v13 =	vor.u32 v30, v37;
	v30 =	vadd.s32 $0x17, v26  }
0x11f: {  	v32 =	vadd.s32 $0x18, v32;
	v37 =	vand.u32 $0xFFFFFFF8, v30;
	v30 =	vand.u32 $0x7, v30  }
0x120: {  	v39 =	vadd.s32 $0x19, v26;
	v37 =	vadd.s32 v10, v37;
	[tilespmem:s28+$0x8D0] =	vst v38;
	v38 =	vadd.s32 $0x19, v1  }
0x121: {  	v30 =	vor.u32 v30, v37;
	[tilespmem:s30+$0xFFFFF600] =	vst v33;
	v33 =	vand.u32 $0xFFFFFFF8, v39;
	v37 =	vld.idx.msk [tilespmem:v41+s12+$0x0], $0xffff;
	v41 =	vand.u32 $0xFFFFFFF8, v38  }
0x122: {  	v38 =	vand.u32 $0x7, v38;
	v34 =	vld.idx.msk [tilespmem:v34+s12+$0x0], $0xffff;
	[tilespmem:s30+$0xFFFFF750] =	vst v36;
	v36 =	vadd.s32 $0xB, v3;
	v41 =	vadd.s32 v2, v41  }
0x123: {  	v33 =	vadd.s32 v10, v33;
	v42 =	vld.idx.msk [tilespmem:v35+s12+$0x0], $0xffff;
	v35 =	vand.u32 $0xFFFFFFF8, v36;
	[tilespmem:s28+$0x780] =	vst v40;
	v38 =	vor.u32 v38, v41  }
0x124: {  	v39 =	vand.u32 $0x7, v39;
	v36 =	vand.u32 $0x7, v36;
	v35 =	vadd.s32 v6, v35;
	v40 =	vld.idx.msk [tilespmem:v15+s12+$0x0], $0xffff;
	v15 =	vmovc v30  }
0x125: {  	v30 =	vor.u32 v39, v33;
	v33 =	vadd.s32 $0x1A, v26;
	v36 =	vor.u32 v36, v35  }
0x126: {  	v39 =	vadd.s32 $0x1B, v26;
	v35 =	vand.u32 $0xFFFFFFF8, v33;
	v33 =	vand.u32 $0x7, v33  }
0x127: {  	v41 =	vand.u32 $0xFFFFFFF8, v39;
	v35 =	vadd.s32 v10, v35;
	[tilespmem:s28+$0xA10] =	vst v37;
	v37 =	vadd.s32 $0x1A, v1  }
0x128: {  	v35 =	vor.u32 v33, v35;
	v33 =	vadd.s32 v10, v41;
	[tilespmem:s30+$0xFFFFF740] =	vst v34;
	v38 =	vld.idx.msk [tilespmem:v38+s12+$0x0], $0xffff;
	v34 =	vand.u32 $0xFFFFFFF8, v37  }
0x129: {  	v41 =	vadd.s32 $0xC, v3;
	v37 =	vand.u32 $0x7, v37;
	v31 =	vld.idx.msk [tilespmem:v31+s12+$0x0], $0xffff;
	[tilespmem:s30+$0xFFFFF890] =	vst v42;
	v34 =	vadd.s32 v2, v34  }
0x12a: {  	v39 =	vand.u32 $0x7, v39;
	v42 =	vand.u32 $0xFFFFFFF8, v41;
	v36 =	vld.idx.msk [tilespmem:v36+s12+$0x0], $0xffff;
	[tilespmem:s28+$0x8C0] =	vst v40;
	v37 =	vor.u32 v37, v34  }
0x12b: {  	v34 =	vor.u32 v39, v33;
	v33 =	vand.u32 $0x7, v41;
	v39 =	vadd.s32 v6, v42;
	v40 =	vld.idx.msk [tilespmem:v12+s12+$0x0], $0xffff;
	v12 =	vmovc v32  }
0x12c: {  	v41 =	vadd.s32 $0x1D, v26;
	v32 =	vadd.s32 $0x1C, v26;
	v39 =	vor.u32 v33, v39  }
0x12d: {  	v42 =	vand.u32 $0xFFFFFFF8, v41;
	v33 =	vand.u32 $0xFFFFFFF8, v32;
	v32 =	vand.u32 $0x7, v32  }
0x12e: {  	v44 =	vadd.s32 $0x1B, v1;
	v43 =	vadd.s32 v10, v42;
	v33 =	vadd.s32 v10, v33;
	[tilespmem:s28+$0xB50] =	vst v38  }
0x12f: {  	v33 =	vor.u32 v32, v33;
	v32 =	vand.u32 $0xFFFFFFF8, v44;
	[tilespmem:s30+$0xFFFFF880] =	vst v31;
	v31 =	vand.u32 $0x7, v41;
	v38 =	vld.idx.msk [tilespmem:v37+s12+$0x0], $0xffff  }
.Ltmp2:
0x130: {  	v32 =	vadd.s32 v2, v32;
	v42 =	vld.idx.msk [tilespmem:v29+s12+$0x0], $0xffff;
	[tilespmem:s30+$0xFFFFF9D0] =	vst v36;
	v29 =	vadd.s32 $0xD, v3;
	v36 =	vand.u32 $0x7, v44;
	(pc) =	sbr.rel @p1 .LBB2_3-.Ltmp2, $4  }
0x131: {  	v31 =	vor.u32 v31, v43;
	v43 =	vld.idx.msk [tilespmem:v39+s12+$0x0], $0xffff;
	v37 =	vand.u32 $0xFFFFFFF8, v29;
	[tilespmem:s28+$0xA00] =	vst v40;
	v39 =	vor.u32 v36, v32  }
0x132: {  	v32 =	vadd.s32 $0x1E, v26;
	v29 =	vand.u32 $0x7, v29;
	v37 =	vadd.s32 v6, v37;
	v40 =	vld.idx.msk [tilespmem:v14+s12+$0x0], $0xffff;
	v14 =	vmovc v30  }
0x133: {  	v30 =	vand.u32 $0xFFFFFFF8, v32;
	v36 =	vand.u32 $0x7, v32;
	v44 =	vor.u32 v29, v37  }
0x134: {  	s0 =	sadd.s32 $0x20, s0;
	v37 =	vadd.s32 v10, v30;
	v30 =	vadd.s32 $0x1F, v26;
	v29 =	vor.u32 v23, v24  }
0x135: {  	_ =	sdelay $0x2  }
0x136: {  	[tilespmem:s30+$0xFFFFF9C0] =	vst v42  }
0x137: {  	v23 =	vld.idx.msk [tilespmem:v28+s12+$0x0], $0xffff;
	_ =	sdelay $0x2  }
0x138: {  	v24 =	vadd.s32 $0xE, v3  }
0x139: {  	[tilespmem:s30+$0xFFFFFB10] =	vst v43;
	v26 =	vand.u32 $0xFFFFFFF8, v24  }
0x13a: {  	v24 =	vand.u32 $0x7, v24;
	v28 =	vld.idx.msk [tilespmem:v44+s12+$0x0], $0xffff;
	v26 =	vadd.s32 v6, v26;
	[tilespmem:s30+$0xFFFFFB00] =	vst v23  }
0x13b: {  	v23 =	vor.u32 v24, v26;
	v24 =	vld.idx.msk [tilespmem:v27+s12+$0x0], $0xffff;
	_ =	sdelay $0x2  }
0x13c: {  	v26 =	vadd.s32 $0xF, v3  }
0x13d: {  	[tilespmem:s30+$0xFFFFFC50] =	vst v28;
	v27 =	vand.u32 $0xFFFFFFF8, v26  }
0x13e: {  	v26 =	vand.u32 $0x7, v26;
	v27 =	vadd.s32 v6, v27;
	v23 =	vld.idx.msk [tilespmem:v23+s12+$0x0], $0xffff;
	[tilespmem:s31+$0xFFFFFC40] =	vst v24  }
0x13f: {  	v24 =	vor.u32 v26, v27;
	v25 =	vld.idx.msk [tilespmem:v25+s12+$0x0], $0xffff;
	_ =	sdelay $0x3  }
0x140: {  	[tilespmem:s30+$0xFFFFFD90] =	vst v23  }
0x141: {  	v23 =	vld.idx.msk [tilespmem:v24+s12+$0x0], $0xffff;
	[tilespmem:s31+$0xFFFFFD80] =	vst v25  }
0x142: {  	v24 =	vadd.s32 $0x10, v11;
	v22 =	vld.idx.msk [tilespmem:v22+s12+$0x0], $0xffff;
	_ =	sdelay $0x2  }
0x143: {  	v25 =	vadd.s32 $0x11, v3  }
0x144: {  	[tilespmem:s31+$0xFFFFFED0] =	vst v23;
	v23 =	vand.u32 $0xFFFFFFF8, v25  }
0x145: {  	v25 =	vand.u32 $0x7, v25;
	v24 =	vld.idx.msk [tilespmem:v24+s12+$0x0], $0xffff;
	v23 =	vadd.s32 v6, v23;
	[tilespmem:s31+$0xFFFFFEC0] =	vst v22  }
0x146: {  	v22 =	vor.u32 v25, v23;
	v21 =	vld.idx.msk [tilespmem:v21+s12+$0x0], $0xffff;
	_ =	sdelay $0x2  }
0x147: {  	v23 =	vadd.s32 $0x12, v3  }
0x148: {  	[tilespmem:s31+$0x10] =	vst v24;
	v24 =	vand.u32 $0xFFFFFFF8, v23  }
0x149: {  	v23 =	vand.u32 $0x7, v23;
	v22 =	vld.idx.msk [tilespmem:v22+s12+$0x0], $0xffff;
	v24 =	vadd.s32 v6, v24;
	[tilespmem:s31+$0x0] =	vst v21  }
0x14a: {  	v21 =	vor.u32 v23, v24;
	v20 =	vld.idx.msk [tilespmem:v20+s12+$0x0], $0xffff;
	_ =	sdelay $0x2  }
0x14b: {  	v23 =	vadd.s32 $0x13, v3  }
0x14c: {  	[tilespmem:s31+$0x150] =	vst v22;
	v22 =	vand.u32 $0xFFFFFFF8, v23  }
0x14d: {  	v23 =	vand.u32 $0x7, v23;
	v21 =	vld.idx.msk [tilespmem:v21+s12+$0x0], $0xffff;
	v22 =	vadd.s32 v6, v22;
	[tilespmem:s31+$0x140] =	vst v20  }
0x14e: {  	v20 =	vor.u32 v23, v22;
	v19 =	vld.idx.msk [tilespmem:v19+s12+$0x0], $0xffff;
	_ =	sdelay $0x2  }
0x14f: {  	v22 =	vadd.s32 $0x14, v3  }
0x150: {  	[tilespmem:s31+$0x290] =	vst v21;
	v21 =	vand.u32 $0xFFFFFFF8, v22  }
0x151: {  	v22 =	vand.u32 $0x7, v22;
	v20 =	vld.idx.msk [tilespmem:v20+s12+$0x0], $0xffff;
	v21 =	vadd.s32 v6, v21;
	[tilespmem:s31+$0x280] =	vst v19  }
0x152: {  	v19 =	vor.u32 v22, v21;
	v18 =	vld.idx.msk [tilespmem:v18+s12+$0x0], $0xffff;
	_ =	sdelay $0x2  }
0x153: {  	v21 =	vadd.s32 $0x15, v3  }
0x154: {  	[tilespmem:s31+$0x3D0] =	vst v20;
	v20 =	vand.u32 $0xFFFFFFF8, v21  }
0x155: {  	v21 =	vand.u32 $0x7, v21;
	v19 =	vld.idx.msk [tilespmem:v19+s12+$0x0], $0xffff;
	v20 =	vadd.s32 v6, v20;
	[tilespmem:s31+$0x3C0] =	vst v18  }
0x156: {  	v18 =	vor.u32 v21, v20;
	v17 =	vld.idx.msk [tilespmem:v17+s12+$0x0], $0xffff;
	_ =	sdelay $0x2  }
0x157: {  	v20 =	vadd.s32 $0x16, v3  }
0x158: {  	[tilespmem:s31+$0x510] =	vst v19;
	v19 =	vand.u32 $0xFFFFFFF8, v20  }
0x159: {  	v20 =	vand.u32 $0x7, v20;
	v18 =	vld.idx.msk [tilespmem:v18+s12+$0x0], $0xffff;
	v19 =	vadd.s32 v6, v19;
	[tilespmem:s31+$0x500] =	vst v17  }
0x15a: {  	v17 =	vor.u32 v20, v19;
	v16 =	vld.idx.msk [tilespmem:v16+s12+$0x0], $0xffff;
	_ =	sdelay $0x2  }
0x15b: {  	v19 =	vadd.s32 $0x17, v3  }
0x15c: {  	[tilespmem:s31+$0x650] =	vst v18;
	v18 =	vand.u32 $0xFFFFFFF8, v19  }
0x15d: {  	v19 =	vand.u32 $0x7, v19;
	v17 =	vld.idx.msk [tilespmem:v17+s12+$0x0], $0xffff;
	v18 =	vadd.s32 v6, v18;
	[tilespmem:s31+$0x640] =	vst v16  }
0x15e: {  	v16 =	vor.u32 v19, v18;
	v13 =	vld.idx.msk [tilespmem:v13+s12+$0x0], $0xffff;
	_ =	sdelay $0x3  }
0x15f: {  	[tilespmem:s31+$0x790] =	vst v17  }
0x160: {  	v16 =	vld.idx.msk [tilespmem:v16+s12+$0x0], $0xffff;
	[tilespmem:s31+$0x780] =	vst v13  }
0x161: {  	v11 =	vadd.s32 $0x18, v11;
	v13 =	vld.idx.msk [tilespmem:v15+s12+$0x0], $0xffff;
	_ =	sdelay $0x2  }
0x162: {  	v15 =	vadd.s32 $0x19, v3  }
0x163: {  	[tilespmem:s31+$0x8D0] =	vst v16;
	v16 =	vand.u32 $0xFFFFFFF8, v15  }
0x164: {  	v15 =	vand.u32 $0x7, v15;
	v11 =	vld.idx.msk [tilespmem:v11+s12+$0x0], $0xffff;
	v16 =	vadd.s32 v6, v16;
	[tilespmem:s31+$0x8C0] =	vst v13  }
0x165: {  	v13 =	vor.u32 v15, v16;
	v12 =	vld.idx.msk [tilespmem:v12+s12+$0x0], $0xffff;
	_ =	sdelay $0x2  }
0x166: {  	v15 =	vadd.s32 $0x1A, v3  }
0x167: {  	[tilespmem:s31+$0xA10] =	vst v11;
	v11 =	vand.u32 $0xFFFFFFF8, v15  }
0x168: {  	v15 =	vand.u32 $0x7, v15;
	v13 =	vld.idx.msk [tilespmem:v13+s12+$0x0], $0xffff;
	v11 =	vadd.s32 v6, v11;
	[tilespmem:s31+$0xA00] =	vst v12  }
0x169: {  	v11 =	vor.u32 v15, v11;
	v12 =	vld.idx.msk [tilespmem:v14+s12+$0x0], $0xffff;
	_ =	sdelay $0x2  }
0x16a: {  	[tilespmem:s28+$0xB40] =	vst v40;
	v14 =	vadd.s32 $0x1B, v3  }
0x16b: {  	v9 =	vld.idx.msk [tilespmem:v9+s12+$0x0], $0xffff;
	[tilespmem:s31+$0xB50] =	vst v13;
	v13 =	vand.u32 $0xFFFFFFF8, v14  }
0x16c: {  	v14 =	vand.u32 $0x7, v14;
	v11 =	vld.idx.msk [tilespmem:v11+s12+$0x0], $0xffff;
	v13 =	vadd.s32 v6, v13;
	[tilespmem:s31+$0xB40] =	vst v12  }
0x16d: {  	v12 =	vor.u32 v14, v13;
	v13 =	vld.idx.msk [tilespmem:v35+s12+$0x0], $0xffff  }
0x16e: {  	v14 =	vadd.s32 $0x1C, v1  }
0x16f: {  	[tilespmem:s28+$0xC90] =	vst v38;
	v15 =	vand.u32 $0xFFFFFFF8, v14  }
0x170: {  	[tilespmem:s28+$0xC80] =	vst v9;
	v9 =	vadd.s32 $0x1C, v3;
	v16 =	vld.idx.msk [tilespmem:v39+s12+$0x0], $0xffff;
	v14 =	vand.u32 $0x7, v14;
	v15 =	vadd.s32 v2, v15  }
0x171: {  	v7 =	vld.idx.msk [tilespmem:v7+s12+$0x0], $0xffff;
	v14 =	vor.u32 v14, v15;
	[tilespmem:s31+$0xC90] =	vst v11;
	v11 =	vand.u32 $0xFFFFFFF8, v9  }
0x172: {  	v9 =	vand.u32 $0x7, v9;
	v12 =	vld.idx.msk [tilespmem:v12+s12+$0x0], $0xffff;
	v11 =	vadd.s32 v6, v11;
	[tilespmem:s31+$0xC80] =	vst v13  }
0x173: {  	v9 =	vor.u32 v9, v11;
	v11 =	vld.idx.msk [tilespmem:v34+s12+$0x0], $0xffff  }
0x174: {  	v13 =	vadd.s32 $0x1D, v1  }
0x175: {  	[tilespmem:s28+$0xDD0] =	vst v16;
	v15 =	vand.u32 $0xFFFFFFF8, v13  }
0x176: {  	[tilespmem:s28+$0xDC0] =	vst v7;
	v7 =	vadd.s32 $0x1D, v3;
	v13 =	vand.u32 $0x7, v13;
	v14 =	vld.idx.msk [tilespmem:v14+s12+$0x0], $0xffff;
	v15 =	vadd.s32 v2, v15  }
0x177: {  	v8 =	vld.idx.msk [tilespmem:v8+s12+$0x0], $0xffff;
	v13 =	vor.u32 v13, v15;
	[tilespmem:s31+$0xDD0] =	vst v12;
	v12 =	vand.u32 $0xFFFFFFF8, v7  }
0x178: {  	v7 =	vand.u32 $0x7, v7;
	v9 =	vld.idx.msk [tilespmem:v9+s12+$0x0], $0xffff;
	v12 =	vadd.s32 v6, v12;
	[tilespmem:s31+$0xDC0] =	vst v11  }
0x179: {  	v7 =	vor.u32 v7, v12;
	v11 =	vld.idx.msk [tilespmem:v33+s12+$0x0], $0xffff  }
0x17a: {  	v12 =	vadd.s32 $0x1E, v1  }
0x17b: {  	[tilespmem:s28+$0xF10] =	vst v14;
	v14 =	vand.u32 $0xFFFFFFF8, v12  }
0x17c: {  	[tilespmem:s28+$0xF00] =	vst v8;
	v8 =	vadd.s32 $0x1E, v3;
	v12 =	vand.u32 $0x7, v12;
	v13 =	vld.idx.msk [tilespmem:v13+s12+$0x0], $0xffff;
	v14 =	vadd.s32 v2, v14  }
0x17d: {  	v5 =	vld.idx.msk [tilespmem:v5+s12+$0x0], $0xffff;
	v12 =	vor.u32 v12, v14;
	[tilespmem:s31+$0xF10] =	vst v9;
	v9 =	vand.u32 $0xFFFFFFF8, v8  }
0x17e: {  	v8 =	vand.u32 $0x7, v8;
	v7 =	vld.idx.msk [tilespmem:v7+s12+$0x0], $0xffff;
	v9 =	vadd.s32 v6, v9;
	[tilespmem:s31+$0xF00] =	vst v11  }
0x17f: {  	v8 =	vor.u32 v8, v9;
	v9 =	vld.idx.msk [tilespmem:v31+s12+$0x0], $0xffff  }
0x180: {  	v1 =	vadd.s32 $0x1F, v1;
	v11 =	vor.u32 v36, v37  }
0x181: {  	[tilespmem:s28+$0x1050] =	vst v13;
	v13 =	vand.u32 $0xFFFFFFF8, v1  }
0x182: {  	[tilespmem:s28+$0x1040] =	vst v5;
	v3 =	vadd.s32 $0x1F, v3;
	v1 =	vand.u32 $0x7, v1;
	v12 =	vld.idx.msk [tilespmem:v12+s12+$0x0], $0xffff;
	v2 =	vadd.s32 v2, v13  }
0x183: {  	v1 =	vor.u32 v1, v2;
	v2 =	vld.idx.msk [tilespmem:v4+s12+$0x0], $0xffff;
	v4 =	vand.u32 $0xFFFFFFF8, v3;
	[tilespmem:s31+$0x1050] =	vst v7  }
0x184: {  	v5 =	vand.u32 $0xFFFFFFF8, v30;
	v3 =	vand.u32 $0x7, v3;
	v4 =	vadd.s32 v6, v4;
	v7 =	vld.idx.msk [tilespmem:v8+s12+$0x0], $0xffff;
	[tilespmem:s31+$0x1040] =	vst v9  }
0x185: {  	v5 =	vadd.s32 v10, v5;
	v6 =	vand.u32 $0x7, v30;
	v3 =	vor.u32 v3, v4;
	v4 =	vld.idx.msk [tilespmem:v11+s12+$0x0], $0xffff  }
0x186: {  	v5 =	vor.u32 v6, v5  }
0x187: {  	[tilespmem:s28+$0x1190] =	vst v12  }
0x188: {  	v1 =	vld.idx.msk [tilespmem:v1+s12+$0x0], $0xffff;
	[tilespmem:s28+$0x1180] =	vst v2  }
0x189: {  	v2 =	vld.idx.msk [tilespmem:v29+s12+$0x0], $0xffff;
	[tilespmem:s31+$0x1190] =	vst v7  }
0x18a: {  	v3 =	vld.idx.msk [tilespmem:v3+s12+$0x0], $0xffff;
	[tilespmem:s31+$0x1180] =	vst v4  }
0x18b: {  	v4 =	vld.idx.msk [tilespmem:v5+s12+$0x0], $0xffff  }
0x18c: {  	s0 =	smul.u32 $0x280, s24  }
0x18d: {  	[tilespmem:s28+$0x12D0] =	vst v1  }
0x18e: {  	s0 =	sadd.s32 s3, s0;
	[tilespmem:s28+$0x12C0] =	vst v2  }
0x18f: {  	s0 =	sshrl.u32 s0, $0x3;
	[tilespmem:s31+$0x12D0] =	vst v3  }
0x190: {  	p1 =	seq.s32 s24, $0x9;
	s0 =	sadd.s32 s2, s0;
	[tilespmem:s31+$0x12C0] =	vst v4  }
0x191: {  	[hbm4b:s0+s11] =	stream.strided.scatter [tilespmem:s16], [sflag:$0x3], $0x2800, s15, s11, $0x38;
	[tilespmem:$0x1C200] =	vst v63  }
0x192: {  	s0 =	sshra.s32 @!p1 s25, $0x2  }
0x193: {  	s1 =	simm.s32 @!p1 $0x140;
	s10 =	simm.s32 @!p1 $0x3200;
	s0 =	sadd.s32 @!p1 $0x280, s0  }
0x194: {  	[tilespmem:s10], [sflag:$0x1] =	stream.indirect.gather @!p1 [hbm4b:s5+s1], $0x80, s0, s1, $0xb8;
	[tilespmem:$0x1C200] =	vst v63  }
0x195: {  	_ =	swait.ge [sflag:s17], $0xA000  }
0x196: {  	v3 =	vmov s23;
	[sflag:s17] =	ssyncset.done $0x0  }
0x197: {  	s0 =	simm.s32 @!p0 $0x4;
	[sflag:s17] =	ssyncadd.s32 $0xFFFF6000  }
0x198: {  	_ =	swait.ge @!p0 [sflag:s0], $0x2800  }
0x199: {  	[sflag:s0] =	ssyncset.done @!p0 $0x0  }
0x19a: {  	s28 =	simm.s32 $0x0;
	[sflag:s0] =	ssyncadd.s32 @!p0 $0xFFFFD800  }
0x19b: {  	v1 =	vld.idx.msk [tilespmem:v3+s28+$0x10 ss:$0x1], $0xffff;
	_ =	sdelay $0x1  }
0x19c: {  	s1 =	simm.s32 $0x10  }
0x19d: {  	v2 =	vmov s1  }
0x19e: {  	v2 =	vshll.u32 v2, $0x7  }
0x19f: {  	v2 =	vor.u32 v0, v2;
	v5 =	vld.idx.msk [tilespmem:v3+s28+$0x0 ss:$0x1], $0xffff;
	v4 =	vand.u32 $0xFFFFFFF8, v1  }
0x1a0: {  	v6 =	vand.u32 $0x7, v1;
	v4 =	vadd.s32 v2, v4  }
0x1a1: {  	s10 =	simm.s32 $0x0;
	v16 =	vor.u32 v6, v4  }
0x1a2: {  	v4 =	vmov s10  }
0x1a3: {  	v4 =	vshll.u32 v4, $0x7  }
0x1a4: {  	v7 =	vadd.s32 $0x1, v1;
	v6 =	vand.u32 $0xFFFFFFF8, v5;
	v9 =	vor.u32 v0, v4  }
0x1a5: {  	v8 =	vand.u32 $0xFFFFFFF8, v7;
	v4 =	vadd.s32 v9, v6;
	v6 =	vand.u32 $0x7, v5  }
0x1a6: {  	v4 =	vor.u32 v6, v4;
	v6 =	vand.u32 $0x7, v7;
	v7 =	vadd.s32 v2, v8;
	v10 =	vld.idx.msk [tilespmem:v16+s13+$0x0], $0xffff  }
0x1a7: {  	v6 =	vor.u32 v6, v7  }
0x1a8: {  	s31 =	simm.s32 $0x30  }
0x1a9: {  	v42 =	vmov s31;
	v11 =	vadd.s32 $0x2, v1;
	v7 =	vadd.s32 $0x1, v5  }
0x1aa: {  	v13 =	vadd.s32 $0x3, v5;
	v15 =	vadd.s32 $0x6, v5;
	v8 =	vand.u32 $0xFFFFFFF8, v7  }
0x1ab: {  	v7 =	vand.u32 $0x7, v7;
	v8 =	vadd.s32 v9, v8;
	v12 =	vld.idx.msk [tilespmem:v4+s13+$0x0], $0xffff;
	[tilespmem:s28+$0x19A10] =	vst v10;
	v10 =	vand.u32 $0xFFFFFFF8, v11  }
0x1ac: {  	v7 =	vor.u32 v7, v8;
	v8 =	vand.u32 $0x7, v11;
	v6 =	vld.idx.msk [tilespmem:v6+s13+$0x0], $0xffff;
	v10 =	vadd.s32 v2, v10  }
0x1ad: {  	v17 =	vadd.s32 $0x4, v1;
	v11 =	vadd.s32 $0x2, v5;
	v8 =	vor.u32 v8, v10  }
0x1ae: {  	v18 =	vadd.s32 $0x5, v1;
	v14 =	vand.u32 $0xFFFFFFF8, v13;
	v10 =	vand.u32 $0xFFFFFFF8, v11  }
0x1af: {  	v13 =	vand.u32 $0x7, v13;
	v11 =	vand.u32 $0x7, v11;
	v10 =	vadd.s32 v9, v10  }
0x1b0: {  	v14 =	vadd.s32 v9, v14;
	v10 =	vor.u32 v11, v10;
	[tilespmem:s28+$0x19A00] =	vst v12;
	v11 =	vadd.s32 $0x3, v1  }
0x1b1: {  	v19 =	vadd.s32 $0x9, v5;
	v12 =	vor.u32 v13, v14;
	v7 =	vld.idx.msk [tilespmem:v7+s13+$0x0], $0xffff;
	[tilespmem:s28+$0x19B50] =	vst v6;
	v6 =	vand.u32 $0xFFFFFFF8, v11  }
0x1b2: {  	v13 =	vadd.s32 $0x4, v5;
	v11 =	vand.u32 $0x7, v11;
	v8 =	vld.idx.msk [tilespmem:v8+s13+$0x0], $0xffff;
	v6 =	vadd.s32 v2, v6  }
0x1b3: {  	v20 =	vadd.s32 $0x6, v1;
	v14 =	vand.u32 $0xFFFFFFF8, v13;
	v6 =	vor.u32 v11, v6  }
0x1b4: {  	v13 =	vand.u32 $0x7, v13;
	v11 =	vadd.s32 v9, v14;
	v14 =	vadd.s32 $0x5, v5  }
0x1b5: {  	v39 =	vadd.s32 $0x1F, v5;
	v11 =	vor.u32 v13, v11;
	v13 =	vand.u32 $0xFFFFFFF8, v14  }
0x1b6: {  	v41 =	vadd.s32 $0xE, v1;
	v14 =	vand.u32 $0x7, v14;
	v13 =	vadd.s32 v9, v13;
	[tilespmem:s28+$0x19B40] =	vst v7  }
0x1b7: {  	v49 =	vadd.s32 $0xF, v1;
	v7 =	vor.u32 v14, v13;
	v13 =	vand.u32 $0xFFFFFFF8, v17;
	v10 =	vld.idx.msk [tilespmem:v10+s13+$0x0], $0xffff;
	[tilespmem:s28+$0x19C90] =	vst v8  }
0x1b8: {  	v40 =	vand.u32 $0xFFFFFFF8, v39;
	v8 =	vand.u32 $0x7, v17;
	v13 =	vadd.s32 v2, v13;
	v6 =	vld.idx.msk [tilespmem:v6+s13+$0x0], $0xffff  }
0x1b9: {  	v43 =	vand.u32 $0xFFFFFFF8, v41;
	v30 =	vadd.s32 $0x8, v16;
	v8 =	vor.u32 v8, v13  }
0x1ba: {  	v24 =	vadd.s32 $0x10, v4;
	v31 =	vadd.s32 $0x18, v4;
	v13 =	vadd.s32 $0x7, v5  }
0x1bb: {  	v14 =	vand.u32 $0xFFFFFFF8, v15;
	v15 =	vand.u32 $0x7, v15;
	v17 =	vand.u32 $0xFFFFFFF8, v13  }
0x1bc: {  	v14 =	vadd.s32 v9, v14;
	v13 =	vand.u32 $0x7, v13;
	v17 =	vadd.s32 v9, v17;
	[tilespmem:s28+$0x19C80] =	vst v10  }
0x1bd: {  	v13 =	vor.u32 v13, v17;
	v17 =	vand.u32 $0xFFFFFFF8, v18;
	v10 =	vand.u32 $0xFFFFFFF8, v19;
	v12 =	vld.idx.msk [tilespmem:v12+s13+$0x0], $0xffff;
	[tilespmem:s28+$0x19DD0] =	vst v6  }
0x1be: {  	v18 =	vand.u32 $0x7, v18;
	v17 =	vadd.s32 v2, v17;
	v10 =	vadd.s32 v9, v10;
	v8 =	vld.idx.msk [tilespmem:v8+s13+$0x0], $0xffff  }
0x1bf: {  	v6 =	vand.u32 $0x7, v19;
	v19 =	vadd.s32 $0xA, v5;
	v17 =	vor.u32 v18, v17  }
0x1c0: {  	v14 =	vor.u32 v15, v14;
	v29 =	vor.u32 v6, v10;
	v6 =	vand.u32 $0xFFFFFFF8, v19  }
0x1c1: {  	v10 =	vadd.s32 $0xB, v5;
	v18 =	vand.u32 $0x7, v19;
	v6 =	vadd.s32 v9, v6  }
0x1c2: {  	v19 =	vand.u32 $0xFFFFFFF8, v10;
	v6 =	vor.u32 v18, v6;
	v18 =	vand.u32 $0xFFFFFFF8, v20;
	[tilespmem:s28+$0x19DC0] =	vst v12  }
0x1c3: {  	v20 =	vand.u32 $0x7, v20;
	v12 =	vadd.s32 v2, v18;
	v18 =	vadd.s32 $0xC, v5;
	v11 =	vld.idx.msk [tilespmem:v11+s13+$0x0], $0xffff;
	[tilespmem:s28+$0x19F10] =	vst v8  }
0x1c4: {  	v10 =	vand.u32 $0x7, v10;
	v8 =	vor.u32 v20, v12;
	v12 =	vand.u32 $0xFFFFFFF8, v18;
	v17 =	vld.idx.msk [tilespmem:v17+s13+$0x0], $0xffff  }
0x1c5: {  	v19 =	vadd.s32 v9, v19;
	v18 =	vand.u32 $0x7, v18;
	v12 =	vadd.s32 v9, v12  }
0x1c6: {  	v10 =	vor.u32 v10, v19;
	v19 =	vadd.s32 $0xD, v5;
	v28 =	vor.u32 v18, v12  }
0x1c7: {  	v12 =	vand.u32 $0xFFFFFFF8, v19;
	v18 =	vadd.s32 $0x7, v1;
	v19 =	vand.u32 $0x7, v19  }
0x1c8: {  	v12 =	vadd.s32 v9, v12;
	v20 =	vand.u32 $0xFFFFFFF8, v18;
	v18 =	vand.u32 $0x7, v18;
	[tilespmem:s28+$0x19F00] =	vst v11  }
0x1c9: {  	v20 =	vadd.s32 v2, v20;
	v27 =	vor.u32 v19, v12;
	v11 =	vadd.s32 $0xE, v5;
	v7 =	vld.idx.msk [tilespmem:v7+s13+$0x0], $0xffff;
	[tilespmem:s28+$0x1A050] =	vst v17  }
0x1ca: {  	v12 =	vor.u32 v18, v20;
	v18 =	vadd.s32 $0xF, v5;
	v17 =	vand.u32 $0xFFFFFFF8, v11;
	v8 =	vld.idx.msk [tilespmem:v8+s13+$0x0], $0xffff  }
0x1cb: {  	v11 =	vand.u32 $0x7, v11;
	v19 =	vand.u32 $0xFFFFFFF8, v18;
	v17 =	vadd.s32 v9, v17  }
0x1cc: {  	v18 =	vand.u32 $0x7, v18;
	v19 =	vadd.s32 v9, v19;
	v26 =	vor.u32 v11, v17  }
0x1cd: {  	v25 =	vor.u32 v18, v19;
	v11 =	vadd.s32 $0x11, v5;
	v17 =	vadd.s32 $0x12, v5  }
0x1ce: {  	v18 =	vadd.s32 $0x13, v5;
	v19 =	vand.u32 $0xFFFFFFF8, v11;
	v11 =	vand.u32 $0x7, v11;
	[tilespmem:s28+$0x1A040] =	vst v7  }
0x1cf: {  	v7 =	vadd.s32 v9, v19;
	v19 =	vand.u32 $0xFFFFFFF8, v17;
	v17 =	vand.u32 $0x7, v17;
	v14 =	vld.idx.msk [tilespmem:v14+s13+$0x0], $0xffff;
	[tilespmem:s28+$0x1A190] =	vst v8  }
0x1d0: {  	v23 =	vor.u32 v11, v7;
	v7 =	vadd.s32 v9, v19;
	v8 =	vand.u32 $0xFFFFFFF8, v18;
	v11 =	vld.idx.msk [tilespmem:v12+s13+$0x0], $0xffff  }
0x1d1: {  	v22 =	vor.u32 v17, v7;
	v7 =	vadd.s32 $0x9, v1;
	v17 =	vand.u32 $0x7, v18  }
0x1d2: {  	v8 =	vadd.s32 v9, v8;
	v12 =	vand.u32 $0xFFFFFFF8, v7;
	v7 =	vand.u32 $0x7, v7  }
0x1d3: {  	v12 =	vadd.s32 v2, v12;
	v21 =	vor.u32 v17, v8;
	v8 =	vadd.s32 $0x14, v5  }
0x1d4: {  	v15 =	vadd.s32 $0x8, v4;
	v7 =	vor.u32 v7, v12;
	v12 =	vand.u32 $0xFFFFFFF8, v8;
	[tilespmem:s28+$0x1A180] =	vst v14  }
0x1d5: {  	v17 =	vadd.s32 $0x15, v5;
	v8 =	vand.u32 $0x7, v8;
	v12 =	vadd.s32 v9, v12;
	v13 =	vld.idx.msk [tilespmem:v13+s13+$0x0], $0xffff;
	[tilespmem:s28+$0x1A2D0] =	vst v11  }
0x1d6: {  	v18 =	vadd.s32 $0xA, v1;
	v14 =	vand.u32 $0xFFFFFFF8, v17;
	v20 =	vor.u32 v8, v12;
	v12 =	vld.idx.msk [tilespmem:v30+s13+$0x0], $0xffff  }
0x1d7: {  	v8 =	vadd.s32 $0x16, v5;
	v14 =	vadd.s32 v9, v14;
	v11 =	vand.u32 $0x7, v17  }
0x1d8: {  	v17 =	vand.u32 $0xFFFFFFF8, v8;
	v8 =	vand.u32 $0x7, v8;
	v19 =	vor.u32 v11, v14  }
0x1d9: {  	v11 =	vadd.s32 v9, v17;
	v14 =	vand.u32 $0xFFFFFFF8, v18;
	v18 =	vand.u32 $0x7, v18  }
0x1da: {  	v14 =	vadd.s32 v2, v14;
	v17 =	vor.u32 v8, v11;
	v8 =	vadd.s32 $0x17, v5;
	[tilespmem:s28+$0x1A2C0] =	vst v13  }
0x1db: {  	v11 =	vor.u32 v18, v14;
	v14 =	vadd.s32 $0x19, v5;
	v13 =	vand.u32 $0xFFFFFFF8, v8;
	v15 =	vld.idx.msk [tilespmem:v15+s13+$0x0], $0xffff;
	[tilespmem:s28+$0x1A410] =	vst v12  }
0x1dc: {  	v8 =	vand.u32 $0x7, v8;
	v4 =	vadd.s32 v9, v13;
	v13 =	vand.u32 $0x7, v14;
	v7 =	vld.idx.msk [tilespmem:v7+s13+$0x0], $0xffff  }
0x1dd: {  	v12 =	vand.u32 $0xFFFFFFF8, v14;
	v18 =	vor.u32 v8, v4;
	v4 =	vadd.s32 $0xB, v1  }
0x1de: {  	v8 =	vadd.s32 v9, v12;
	v12 =	vand.u32 $0xFFFFFFF8, v4;
	v4 =	vand.u32 $0x7, v4  }
0x1df: {  	v12 =	vadd.s32 v2, v12;
	v30 =	vor.u32 v13, v8;
	v8 =	vadd.s32 $0x1A, v5  }
0x1e0: {  	v13 =	vadd.s32 $0x1B, v5;
	v4 =	vor.u32 v4, v12;
	v12 =	vand.u32 $0xFFFFFFF8, v8;
	[tilespmem:s28+$0x1A400] =	vst v15  }
0x1e1: {  	v8 =	vand.u32 $0x7, v8;
	v14 =	vand.u32 $0xFFFFFFF8, v13;
	v12 =	vadd.s32 v9, v12;
	v15 =	vld.idx.msk [tilespmem:v29+s13+$0x0], $0xffff;
	[tilespmem:s28+$0x1A550] =	vst v7  }
0x1e2: {  	v29 =	vand.u32 $0x7, v13;
	v7 =	vadd.s32 v9, v14;
	v14 =	vadd.s32 $0xC, v1;
	v32 =	vld.idx.msk [tilespmem:v11+s13+$0x0], $0xffff  }
0x1e3: {  	v13 =	vor.u32 v8, v12;
	v8 =	vand.u32 $0xFFFFFFF8, v14;
	v12 =	vor.u32 v29, v7  }
0x1e4: {  	v7 =	vand.u32 $0x7, v14;
	v11 =	vadd.s32 $0x1C, v5;
	v8 =	vadd.s32 v2, v8  }
0x1e5: {  	v14 =	vadd.s32 $0x1D, v5;
	v29 =	vor.u32 v7, v8;
	v7 =	vand.u32 $0xFFFFFFF8, v11  }
0x1e6: {  	v8 =	vand.u32 $0x7, v11;
	v11 =	vand.u32 $0xFFFFFFF8, v14;
	v7 =	vadd.s32 v9, v7;
	[tilespmem:s28+$0x1A540] =	vst v15  }
0x1e7: {  	v15 =	vadd.s32 v9, v11;
	v11 =	vor.u32 v8, v7;
	v7 =	vand.u32 $0x7, v14;
	v14 =	vld.idx.msk [tilespmem:v6+s13+$0x0], $0xffff;
	[tilespmem:s28+$0x1A690] =	vst v32  }
0x1e8: {  	v44 =	vand.u32 $0x7, v41;
	v50 =	vand.u32 $0xFFFFFFF8, v49;
	v6 =	vor.u32 v7, v15;
	v15 =	vld.idx.msk [tilespmem:v4+s13+$0x0], $0xffff  }
0x1e9: {  	v45 =	vadd.s32 v2, v43;
	v52 =	vadd.s32 v2, v50;
	v8 =	vadd.s32 $0xD, v1  }
0x1ea: {  	s29 =	simm.s32 $0x20;
	v34 =	vor.u32 v44, v45;
	v63 =	vadd.s32 $0x10, v16;
	v4 =	vand.u32 $0xFFFFFFF8, v8  }
0x1eb: {  	v7 =	vadd.s32 $0x1E, v5;
	v8 =	vand.u32 $0x7, v8;
	v38 =	vadd.s32 v2, v4;
	v4 =	vld.idx.msk [tilespmem:v3+s29+$0x10 ss:$0x1], $0xffff  }
0x1ec: {  	v37 =	vand.u32 $0xFFFFFFF8, v7;
	v7 =	vand.u32 $0x7, v7;
	v33 =	vor.u32 v8, v38;
	v8 =	vld.idx.msk [tilespmem:v3+s29+$0x0 ss:$0x1], $0xffff;
	[tilespmem:s28+$0x1A680] =	vst v14  }
0x1ed: {  	s30 =	simm.s32 $0x20;
	v32 =	vadd.s32 v9, v37;
	v9 =	vadd.s32 v9, v40;
	v14 =	vshll.u32 v42, $0x7;
	v46 =	vld.idx.msk [tilespmem:v10+s13+$0x0], $0xffff;
	[tilespmem:s28+$0x1A7D0] =	vst v15  }
0x1ee: {  	v5 =	vor.u32 v7, v32;
	v10 =	vor.u32 v0, v14;
	v14 =	vmov s30;
	v29 =	vld.idx.msk [tilespmem:v29+s13+$0x0], $0xffff  }
0x1ef: {  	v7 =	vand.u32 $0x7, v39;
	v32 =	vand.u32 $0x7, v49;
	v14 =	vshll.u32 v14, $0x7  }
0x1f0: {  	v15 =	vand.u32 $0xFFFFFFF8, v4;
	v47 =	vand.u32 $0x7, v4;
	v14 =	vor.u32 v0, v14  }
0x1f1: {  	v51 =	vadd.s32 $0x1, v4;
	v62 =	vadd.s32 $0x2, v4;
	v49 =	vadd.s32 $0x3, v4  }
0x1f2: {  	v15 =	vadd.s32 v10, v15;
	v48 =	vand.u32 $0xFFFFFFF8, v8;
	v53 =	vand.u32 $0x7, v8;
	[tilespmem:s28+$0x1A7C0] =	vst v46  }
0x1f3: {  	v54 =	vand.u32 $0xFFFFFFF8, v51;
	v55 =	vadd.s32 $0x1, v8;
	v56 =	vand.u32 $0x7, v51;
	v28 =	vld.idx.msk [tilespmem:v28+s13+$0x0], $0xffff;
	[tilespmem:s28+$0x1A910] =	vst v29  }
0x1f4: {  	v59 =	vadd.s32 $0x2, v8;
	v44 =	vand.u32 $0x7, v62;
	v45 =	vadd.s32 $0x3, v8;
	v33 =	vld.idx.msk [tilespmem:v33+s13+$0x0], $0xffff  }
0x1f5: {  	v50 =	vand.u32 $0xFFFFFFF8, v49;
	v51 =	vand.u32 $0x7, v49;
	v15 =	vor.u32 v47, v15  }
0x1f6: {  	v36 =	vadd.s32 v14, v48;
	v57 =	vadd.s32 v10, v54;
	v58 =	vand.u32 $0xFFFFFFF8, v55  }
0x1f7: {  	v35 =	vand.u32 $0x7, v55;
	v60 =	vand.u32 $0xFFFFFFF8, v59;
	v61 =	vand.u32 $0x7, v59  }
0x1f8: {  	v47 =	vadd.s32 $0x11, v1;
	v54 =	vadd.s32 $0x6, v8;
	v38 =	vadd.s32 v14, v58;
	[tilespmem:s28+$0x1A900] =	vst v28  }
0x1f9: {  	v37 =	vadd.s32 v14, v60;
	v46 =	vand.u32 $0xFFFFFFF8, v45;
	v41 =	vand.u32 $0xFFFFFFF8, v47;
	v27 =	vld.idx.msk [tilespmem:v27+s13+$0x0], $0xffff;
	[tilespmem:s28+$0x1AA50] =	vst v33  }
0x1fa: {  	v39 =	vand.u32 $0x7, v47;
	v35 =	vor.u32 v35, v38;
	v38 =	vor.u32 v61, v37;
	v34 =	vld.idx.msk [tilespmem:v34+s13+$0x0], $0xffff  }
0x1fb: {  	v37 =	vand.u32 $0x7, v45;
	v41 =	vadd.s32 v2, v41;
	v29 =	vor.u32 v32, v52  }
0x1fc: {  	v61 =	vadd.s32 $0x13, v1;
	v32 =	vor.u32 v53, v36;
	v36 =	vor.u32 v56, v57;
	v48 =	vld.idx.msk [tilespmem:v15+s13+$0x0], $0xffff  }
0x1fd: {  	v39 =	vor.u32 v39, v41;
	v53 =	vadd.s32 $0x5, v8;
	v57 =	vadd.s32 $0x12, v1  }
0x1fe: {  	v41 =	vand.u32 $0x7, v54;
	v47 =	vand.u32 $0x7, v61;
	v45 =	vand.u32 $0xFFFFFFF8, v57;
	[tilespmem:s28+$0x1AA40] =	vst v27  }
0x1ff: {  	v42 =	vand.u32 $0x7, v57;
	v45 =	vadd.s32 v2, v45;
	v28 =	vand.u32 $0xFFFFFFF8, v62;
	v26 =	vld.idx.msk [tilespmem:v26+s13+$0x0], $0xffff;
	[tilespmem:s28+$0x1AB90] =	vst v34  }
0x200: {  	v56 =	vand.u32 $0xFFFFFFF8, v53;
	v42 =	vor.u32 v42, v45;
	v28 =	vadd.s32 v10, v28;
	v29 =	vld.idx.msk [tilespmem:v29+s13+$0x0], $0xffff  }
0x201: {  	v62 =	vadd.s32 $0x9, v8;
	v55 =	vld.idx.msk [tilespmem:v32+s13+$0x0], $0xffff;
	v28 =	vor.u32 v44, v28;
	v33 =	vadd.s32 v14, v46;
	[tilespmem:s29+$0x19A10] =	vst v48  }
0x202: {  	v46 =	vadd.s32 $0x4, v4;
	v44 =	vor.u32 v37, v33;
	v33 =	vadd.s32 v10, v50;
	v36 =	vld.idx.msk [tilespmem:v36+s13+$0x0], $0xffff  }
0x203: {  	v37 =	vand.u32 $0x7, v53;
	v58 =	vand.u32 $0xFFFFFFF8, v46;
	v59 =	vand.u32 $0x7, v46  }
0x204: {  	v50 =	vand.u32 $0xFFFFFFF8, v62;
	v53 =	vadd.s32 $0x14, v1;
	v33 =	vor.u32 v51, v33;
	[tilespmem:s28+$0x1AB80] =	vst v26  }
0x205: {  	v51 =	vadd.s32 $0xB, v8;
	v45 =	vand.u32 $0x7, v53;
	v27 =	vadd.s32 $0x4, v8;
	v25 =	vld.idx.msk [tilespmem:v25+s13+$0x0], $0xffff;
	[tilespmem:s28+$0x1ACD0] =	vst v29  }
0x206: {  	[tilespmem:s29+$0x19A00] =	vst v55;
	v55 =	vand.u32 $0xFFFFFFF8, v53;
	v52 =	vand.u32 $0xFFFFFFF8, v27;
	v27 =	vand.u32 $0x7, v27;
	v40 =	vld.idx.msk [tilespmem:v63+s13+$0x0], $0xffff  }
0x207: {  	v35 =	vld.idx.msk [tilespmem:v35+s13+$0x0], $0xffff;
	v57 =	vadd.s32 v2, v55;
	v34 =	vadd.s32 v14, v52;
	[tilespmem:s29+$0x19B50] =	vst v36;
	v29 =	vand.u32 $0xFFFFFFF8, v54  }
0x208: {  	v27 =	vor.u32 v27, v34;
	v34 =	vadd.s32 v14, v56;
	v28 =	vld.idx.msk [tilespmem:v28+s13+$0x0], $0xffff;
	v29 =	vadd.s32 v14, v29  }
0x209: {  	v56 =	vadd.s32 $0x6, v4;
	v41 =	vor.u32 v41, v29;
	v29 =	vadd.s32 $0x7, v8  }
0x20a: {  	v26 =	vor.u32 v37, v34;
	v34 =	vadd.s32 v10, v58;
	v60 =	vand.u32 $0xFFFFFFF8, v29;
	[tilespmem:s28+$0x1ACC0] =	vst v25  }
0x20b: {  	v29 =	vand.u32 $0x7, v29;
	v36 =	vadd.s32 v14, v60;
	v25 =	vadd.s32 $0x5, v4;
	v24 =	vld.idx.msk [tilespmem:v24+s13+$0x0], $0xffff;
	[tilespmem:s28+$0x1AE10] =	vst v40  }
0x20c: {  	[tilespmem:s29+$0x19B40] =	vst v35;
	v35 =	vand.u32 $0x7, v56;
	v37 =	vor.u32 v29, v36;
	v29 =	vand.u32 $0xFFFFFFF8, v25;
	v49 =	vld.idx.msk [tilespmem:v39+s13+$0x0], $0xffff  }
0x20d: {  	v43 =	vor.u32 v59, v34;
	v38 =	vld.idx.msk [tilespmem:v38+s13+$0x0], $0xffff;
	[tilespmem:s29+$0x19C90] =	vst v28;
	v25 =	vand.u32 $0x7, v25;
	v29 =	vadd.s32 v10, v29  }
0x20e: {  	v34 =	vadd.s32 $0x8, v32;
	v59 =	vor.u32 v45, v57;
	v25 =	vor.u32 v25, v29;
	v29 =	vld.idx.msk [tilespmem:v33+s13+$0x0], $0xffff  }
0x20f: {  	v45 =	vadd.s32 $0x1A, v1;
	v28 =	vand.u32 $0x7, v62;
	v36 =	vadd.s32 v14, v50  }
0x210: {  	v63 =	vand.u32 $0xFFFFFFF8, v61;
	v36 =	vor.u32 v28, v36;
	v28 =	vadd.s32 $0xA, v8;
	[tilespmem:s28+$0x1AE00] =	vst v24  }
0x211: {  	v54 =	vand.u32 $0xFFFFFFF8, v51;
	v46 =	vadd.s32 v2, v63;
	v52 =	vand.u32 $0xFFFFFFF8, v28;
	v23 =	vld.idx.msk [tilespmem:v23+s13+$0x0], $0xffff;
	[tilespmem:s28+$0x1AF50] =	vst v49  }
0x212: {  	v63 =	vadd.s32 $0x15, v1;
	[tilespmem:s29+$0x19C80] =	vst v38;
	v28 =	vand.u32 $0x7, v28;
	v24 =	vadd.s32 v14, v52;
	v58 =	vld.idx.msk [tilespmem:v42+s13+$0x0], $0xffff  }
0x213: {  	v48 =	vor.u32 v47, v46;
	v47 =	vand.u32 $0xFFFFFFF8, v63;
	v33 =	vor.u32 v28, v24;
	v28 =	vld.idx.msk [tilespmem:v44+s13+$0x0], $0xffff;
	[tilespmem:s29+$0x19DD0] =	vst v29  }
0x214: {  	v62 =	vadd.s32 $0xD, v8;
	v60 =	vadd.s32 $0xC, v8;
	v38 =	vadd.s32 v2, v47;
	v43 =	vld.idx.msk [tilespmem:v43+s13+$0x0], $0xffff  }
0x215: {  	v47 =	vadd.s32 $0x9, v4;
	v61 =	vand.u32 $0x7, v60;
	v39 =	vand.u32 $0x7, v51  }
0x216: {  	v51 =	vand.u32 $0x7, v62;
	v24 =	vand.u32 $0xFFFFFFF8, v56;
	v56 =	vadd.s32 $0x16, v1;
	[tilespmem:s28+$0x1AF40] =	vst v23  }
0x217: {  	v29 =	vadd.s32 v14, v54;
	v24 =	vadd.s32 v10, v24;
	v49 =	vand.u32 $0x7, v63;
	v22 =	vld.idx.msk [tilespmem:v22+s13+$0x0], $0xffff;
	[tilespmem:s28+$0x1B090] =	vst v58  }
0x218: {  	v54 =	vadd.s32 $0xF, v8;
	v24 =	vor.u32 v35, v24;
	v35 =	vor.u32 v39, v29;
	[tilespmem:s29+$0x19DC0] =	vst v28;
	v48 =	vld.idx.msk [tilespmem:v48+s13+$0x0], $0xffff  }
0x219: {  	v29 =	vand.u32 $0xFFFFFFF8, v60;
	v38 =	vor.u32 v49, v38;
	v55 =	vand.u32 $0xFFFFFFF8, v54;
	v27 =	vld.idx.msk [tilespmem:v27+s13+$0x0], $0xffff;
	[tilespmem:s29+$0x19F10] =	vst v43  }
0x21a: {  	v60 =	vadd.s32 $0x13, v8;
	v23 =	vadd.s32 v14, v29;
	v28 =	vadd.s32 $0x7, v4;
	v25 =	vld.idx.msk [tilespmem:v25+s13+$0x0], $0xffff  }
0x21b: {  	v29 =	vor.u32 v61, v23;
	v23 =	vand.u32 $0xFFFFFFF8, v62;
	v50 =	vand.u32 $0xFFFFFFF8, v28  }
0x21c: {  	v52 =	vand.u32 $0x7, v28;
	v61 =	vadd.s32 $0x8, v15;
	v23 =	vadd.s32 v14, v23;
	[tilespmem:s28+$0x1B080] =	vst v22  }
0x21d: {  	v43 =	vadd.s32 v10, v50;
	v28 =	vor.u32 v51, v23;
	v23 =	vadd.s32 $0xE, v8;
	v21 =	vld.idx.msk [tilespmem:v21+s13+$0x0], $0xffff;
	[tilespmem:s28+$0x1B1D0] =	vst v48  }
0x21e: {  	v58 =	vand.u32 $0x7, v56;
	v53 =	vor.u32 v52, v43;
	v22 =	vand.u32 $0xFFFFFFF8, v23;
	[tilespmem:s29+$0x19F00] =	vst v27;
	v42 =	vld.idx.msk [tilespmem:v59+s13+$0x0], $0xffff  }
0x21f: {  	v51 =	vadd.s32 $0x15, v8;
	v23 =	vand.u32 $0x7, v23;
	v22 =	vadd.s32 v14, v22;
	v57 =	vld.idx.msk [tilespmem:v26+s13+$0x0], $0xffff;
	[tilespmem:s29+$0x1A050] =	vst v25  }
0x220: {  	v52 =	vand.u32 $0xFFFFFFF8, v51;
	v27 =	vor.u32 v23, v22;
	v22 =	vadd.s32 v14, v55;
	v59 =	vld.idx.msk [tilespmem:v24+s13+$0x0], $0xffff  }
0x221: {  	v23 =	vand.u32 $0xFFFFFFF8, v56;
	v25 =	vand.u32 $0x7, v54;
	v54 =	vadd.s32 $0x16, v8  }
0x222: {  	v56 =	vadd.s32 $0xA, v4;
	v23 =	vadd.s32 v2, v23;
	v26 =	vor.u32 v25, v22;
	[tilespmem:s28+$0x1B1C0] =	vst v21  }
0x223: {  	v25 =	vadd.s32 $0x10, v32;
	v22 =	vadd.s32 $0x11, v8;
	v55 =	vand.u32 $0xFFFFFFF8, v54;
	v20 =	vld.idx.msk [tilespmem:v20+s13+$0x0], $0xffff;
	[tilespmem:s28+$0x1B310] =	vst v42  }
0x224: {  	v43 =	vor.u32 v58, v23;
	v23 =	vadd.s32 $0x12, v8;
	v58 =	vadd.s32 $0x18, v16;
	[tilespmem:s29+$0x1A040] =	vst v57;
	v38 =	vld.idx.msk [tilespmem:v38+s13+$0x0], $0xffff  }
0x225: {  	v16 =	vand.u32 $0x7, v54;
	v62 =	vand.u32 $0xFFFFFFF8, v23;
	v21 =	vand.u32 $0xFFFFFFF8, v22;
	v39 =	vld.idx.msk [tilespmem:v41+s13+$0x0], $0xffff;
	[tilespmem:s29+$0x1A190] =	vst v59  }
0x226: {  	v23 =	vand.u32 $0x7, v23;
	v22 =	vand.u32 $0x7, v22;
	v21 =	vadd.s32 v14, v21;
	v40 =	vld.idx.msk [tilespmem:v53+s13+$0x0], $0xffff  }
0x227: {  	v24 =	vor.u32 v22, v21;
	v21 =	vadd.s32 v14, v62;
	v22 =	vadd.s32 $0x17, v1  }
0x228: {  	v57 =	vand.u32 $0xFFFFFFF8, v56;
	v23 =	vor.u32 v23, v21;
	v63 =	vand.u32 $0xFFFFFFF8, v22;
	[tilespmem:s28+$0x1B300] =	vst v20  }
0x229: {  	v21 =	vand.u32 $0xFFFFFFF8, v60;
	v22 =	vand.u32 $0x7, v22;
	v41 =	vadd.s32 v2, v63;
	v19 =	vld.idx.msk [tilespmem:v19+s13+$0x0], $0xffff;
	[tilespmem:s28+$0x1B450] =	vst v38  }
0x22a: {  	v42 =	vand.u32 $0x7, v47;
	v21 =	vadd.s32 v14, v21;
	v41 =	vor.u32 v22, v41;
	[tilespmem:s29+$0x1A180] =	vst v39;
	v50 =	vld.idx.msk [tilespmem:v43+s13+$0x0], $0xffff  }
0x22b: {  	v22 =	vand.u32 $0xFFFFFFF8, v47;
	v47 =	vand.u32 $0xFFFFFFF8, v45;
	v20 =	vand.u32 $0x7, v60;
	v37 =	vld.idx.msk [tilespmem:v37+s13+$0x0], $0xffff;
	[tilespmem:s29+$0x1A2D0] =	vst v40  }
0x22c: {  	v48 =	vadd.s32 v10, v22;
	v60 =	vadd.s32 v10, v57;
	v22 =	vor.u32 v20, v21;
	v53 =	vld.idx.msk [tilespmem:v61+s13+$0x0], $0xffff  }
0x22d: {  	v20 =	vadd.s32 $0x14, v8;
	v49 =	vor.u32 v42, v48;
	v42 =	vand.u32 $0x7, v51  }
0x22e: {  	v48 =	vadd.s32 $0x19, v8;
	v21 =	vand.u32 $0xFFFFFFF8, v20;
	v20 =	vand.u32 $0x7, v20;
	[tilespmem:s28+$0x1B440] =	vst v19  }
0x22f: {  	v57 =	vand.u32 $0x7, v48;
	v21 =	vadd.s32 v14, v21;
	v43 =	vand.u32 $0x7, v45;
	v59 =	vld.idx.msk [tilespmem:v17+s13+$0x0], $0xffff;
	[tilespmem:s28+$0x1B590] =	vst v50  }
0x230: {  	v21 =	vor.u32 v20, v21;
	v20 =	vadd.s32 v14, v52;
	v52 =	vadd.s32 $0xB, v4;
	[tilespmem:s29+$0x1A2C0] =	vst v37;
	v61 =	vld.idx.msk [tilespmem:v41+s13+$0x0], $0xffff  }
0x231: {  	v20 =	vor.u32 v42, v20;
	v54 =	vand.u32 $0xFFFFFFF8, v52;
	v19 =	vadd.s32 v14, v55;
	v34 =	vld.idx.msk [tilespmem:v34+s13+$0x0], $0xffff;
	[tilespmem:s29+$0x1A410] =	vst v53  }
0x232: {  	v37 =	vadd.s32 v10, v54;
	v54 =	vadd.s32 $0x1C, v8;
	v17 =	vand.u32 $0x7, v56;
	v63 =	vld.idx.msk [tilespmem:v49+s13+$0x0], $0xffff  }
0x233: {  	v19 =	vor.u32 v16, v19;
	v16 =	vadd.s32 $0x17, v8;
	v39 =	vor.u32 v17, v60  }
0x234: {  	v17 =	vand.u32 $0xFFFFFFF8, v16;
	v62 =	vand.u32 $0x7, v16;
	v49 =	vadd.s32 $0x19, v1;
	[tilespmem:s28+$0x1B580] =	vst v59  }
0x235: {  	v16 =	vadd.s32 $0x18, v32;
	v50 =	vand.u32 $0xFFFFFFF8, v48;
	v51 =	vand.u32 $0xFFFFFFF8, v49;
	v53 =	vld.idx.msk [tilespmem:v18+s13+$0x0], $0xffff;
	[tilespmem:s28+$0x1B6D0] =	vst v61  }
0x236: {  	v17 =	vadd.s32 v14, v17;
	v41 =	vand.u32 $0x7, v49;
	v42 =	vadd.s32 v2, v51;
	[tilespmem:s29+$0x1A400] =	vst v34;
	v56 =	vld.idx.msk [tilespmem:v58+s13+$0x0], $0xffff  }
0x237: {  	v17 =	vor.u32 v62, v17;
	v62 =	vadd.s32 $0x1B, v8;
	v55 =	vor.u32 v41, v42;
	v36 =	vld.idx.msk [tilespmem:v36+s13+$0x0], $0xffff;
	[tilespmem:s29+$0x1A550] =	vst v63  }
0x238: {  	v48 =	vadd.s32 $0xC, v4;
	v49 =	vand.u32 $0x7, v62;
	v58 =	vand.u32 $0x7, v52;
	v60 =	vld.idx.msk [tilespmem:v39+s13+$0x0], $0xffff  }
0x239: {  	v59 =	vadd.s32 $0x1A, v8;
	v42 =	vadd.s32 v2, v47;
	v37 =	vor.u32 v58, v37  }
0x23a: {  	v18 =	vadd.s32 v14, v50;
	v32 =	vand.u32 $0x7, v59;
	v50 =	vand.u32 $0xFFFFFFF8, v48;
	[tilespmem:s28+$0x1B6C0] =	vst v53  }
0x23b: {  	v42 =	vor.u32 v43, v42;
	v18 =	vor.u32 v57, v18;
	v61 =	vand.u32 $0xFFFFFFF8, v59;
	v31 =	vld.idx.msk [tilespmem:v31+s13+$0x0], $0xffff;
	[tilespmem:s28+$0x1B810] =	vst v56  }
0x23c: {  	v63 =	vand.u32 $0xFFFFFFF8, v62;
	v59 =	vadd.s32 $0x1B, v1;
	v34 =	vadd.s32 v14, v61;
	[tilespmem:s29+$0x1A540] =	vst v36;
	v40 =	vld.idx.msk [tilespmem:v55+s13+$0x0], $0xffff  }
0x23d: {  	v46 =	vadd.s32 v14, v63;
	v52 =	vand.u32 $0x7, v48;
	v61 =	vand.u32 $0x7, v59;
	v51 =	vld.idx.msk [tilespmem:v33+s13+$0x0], $0xffff;
	[tilespmem:s29+$0x1A690] =	vst v60  }
0x23e: {  	v34 =	vor.u32 v32, v34;
	v32 =	vor.u32 v49, v46;
	v53 =	vadd.s32 v10, v50;
	v38 =	vld.idx.msk [tilespmem:v37+s13+$0x0], $0xffff  }
0x23f: {  	v41 =	vor.u32 v52, v53;
	v56 =	vand.u32 $0xFFFFFFF8, v54;
	v60 =	vadd.s32 $0xD, v4  }
0x240: {  	v55 =	vadd.s32 $0x1D, v8;
	v37 =	vand.u32 $0x7, v54;
	[tilespmem:s28+$0x1B800] =	vst v31;
	v31 =	vadd.s32 v14, v56  }
0x241: {  	v63 =	vand.u32 $0xFFFFFFF8, v60;
	v36 =	vld.idx.msk [tilespmem:v30+s13+$0x0], $0xffff;
	v33 =	vor.u32 v37, v31;
	v31 =	vand.u32 $0xFFFFFFF8, v59;
	[tilespmem:s28+$0x1B950] =	vst v40  }
0x242: {  	v57 =	vand.u32 $0xFFFFFFF8, v55;
	v39 =	vadd.s32 v10, v63;
	[tilespmem:s29+$0x1A680] =	vst v51;
	v62 =	vadd.s32 v2, v31;
	v37 =	vld.idx.msk [tilespmem:v42+s13+$0x0], $0xffff  }
0x243: {  	v58 =	vadd.s32 v14, v57;
	v30 =	vand.u32 $0x7, v55;
	v40 =	vld.idx.msk [tilespmem:v35+s13+$0x0], $0xffff;
	[tilespmem:s29+$0x1A7D0] =	vst v38;
	v38 =	vor.u32 v61, v62  }
0x244: {  	s26 =	sor.u32 $0x1, s26;
	s1 =	simm.s32 $0x2;
	s0 =	simm.s32 $0x100;
	v31 =	vor.u32 v30, v58;
	v30 =	vadd.s32 $0x1E, v8;
	v35 =	vand.u32 $0x7, v60;
	v41 =	vld.idx.msk [tilespmem:v41+s13+$0x0], $0xffff  }
.LBB2_5:
0x245: {  	s31 =	sshra.s32 s0, $0x2;
	s1 =	sadd.s32 $0x2, s1;
	v42 =	vand.u32 $0xFFFFFFF8, v30;
	v30 =	vand.u32 $0x7, v30;
	v43 =	vor.u32 v35, v39  }
0x246: {  	v44 =	vadd.s32 $0x1F, v8;
	v35 =	vor.u32 v7, v9;
	v39 =	vld.idx.msk [tilespmem:v3+s31+$0x10 ss:$0x1], $0xffff;
	p0 =	slt.u32 s1, $0x12;
	v42 =	vadd.s32 v14, v42;
	[tilespmem:s28+$0x1B940] =	vst v36  }
0x247: {  	v9 =	vand.u32 $0xFFFFFFF8, v44;
	v8 =	vld.idx.msk [tilespmem:v3+s31+$0x0 ss:$0x1], $0xffff;
	v36 =	vor.u32 v30, v42;
	[tilespmem:s28+$0x1BA90] =	vst v37;
	v30 =	vadd.s32 $0x1C, v1  }
0x248: {  	s30 =	sadd.s32 $0x20, s30;
	v7 =	vand.u32 $0x7, v44;
	v9 =	vadd.s32 v14, v9;
	[tilespmem:s29+$0x1A7C0] =	vst v40;
	v14 =	vld.idx.msk [tilespmem:v38+s13+$0x0], $0xffff;
	v37 =	vand.u32 $0xFFFFFFF8, v30  }
0x249: {  	s10 =	sadd.s32 $0x10, s30;
	v38 =	vadd.s32 $0xE, v4;
	v30 =	vand.u32 $0x7, v30;
	v29 =	vld.idx.msk [tilespmem:v29+s13+$0x0], $0xffff;
	[tilespmem:s29+$0x1A910] =	vst v41;
	v37 =	vadd.s32 v2, v37  }
0x24a: {  	v40 =	vmov s10;
	v42 =	vand.u32 $0xFFFFFFF8, v38;
	v41 =	vld.idx.msk [tilespmem:v43+s13+$0x0], $0xffff;
	v37 =	vor.u32 v30, v37  }
0x24b: {  	v38 =	vand.u32 $0x7, v38;
	v30 =	vshll.u32 v40, $0x7;
	v40 =	vadd.s32 v10, v42;
	v42 =	vld.idx.msk [tilespmem:v13+s13+$0x0], $0xffff;
	v13 =	vmovc v34  }
0x24c: {  	v34 =	vand.u32 $0xFFFFFFF8, v39;
	v43 =	vor.u32 v0, v30;
	v38 =	vor.u32 v38, v40  }
0x24d: {  	v30 =	vmov s30;
	v40 =	vand.u32 $0x7, v39;
	v34 =	vadd.s32 v43, v34  }
0x24e: {  	v44 =	vshll.u32 v30, $0x7;
	v30 =	vor.u32 v40, v34;
	v34 =	vadd.s32 $0x1D, v1;
	[tilespmem:s28+$0x1BBD0] =	vst v14  }
0x24f: {  	v40 =	vand.u32 $0xFFFFFFF8, v8;
	v14 =	vor.u32 v0, v44;
	[tilespmem:s29+$0x1A900] =	vst v29;
	v29 =	vld.idx.msk [tilespmem:v37+s13+$0x0], $0xffff;
	v37 =	vand.u32 $0xFFFFFFF8, v34  }
0x250: {  	v34 =	vand.u32 $0x7, v34;
	v28 =	vld.idx.msk [tilespmem:v28+s13+$0x0], $0xffff;
	[tilespmem:s29+$0x1AA50] =	vst v41;
	v41 =	vadd.s32 $0xF, v4;
	v37 =	vadd.s32 v2, v37  }
0x251: {  	v40 =	vadd.s32 v14, v40;
	v38 =	vld.idx.msk [tilespmem:v38+s13+$0x0], $0xffff;
	v44 =	vand.u32 $0xFFFFFFF8, v41;
	[tilespmem:s28+$0x1BA80] =	vst v42;
	v34 =	vor.u32 v34, v37  }
0x252: {  	v37 =	vadd.s32 $0x1, v39;
	v41 =	vand.u32 $0x7, v41;
	v42 =	vadd.s32 v10, v44;
	v44 =	vld.idx.msk [tilespmem:v12+s13+$0x0], $0xffff;
	v12 =	vmovc v32  }
0x253: {  	v32 =	vand.u32 $0x7, v8;
	v46 =	vand.u32 $0xFFFFFFF8, v37;
	v45 =	vld.idx.msk [tilespmem:v30+s13+$0x0], $0xffff;
	v41 =	vor.u32 v41, v42  }
0x254: {  	v37 =	vand.u32 $0x7, v37;
	v32 =	vor.u32 v32, v40;
	v40 =	vadd.s32 v43, v46  }
0x255: {  	v42 =	vadd.s32 $0x1, v8;
	v37 =	vor.u32 v37, v40;
	[tilespmem:s28+$0x1BD10] =	vst v29;
	v29 =	vadd.s32 $0x1E, v1  }
0x256: {  	v40 =	vand.u32 $0xFFFFFFF8, v42;
	v42 =	vand.u32 $0x7, v42;
	[tilespmem:s29+$0x1AA40] =	vst v28;
	v28 =	vld.idx.msk [tilespmem:v34+s13+$0x0], $0xffff;
	v34 =	vand.u32 $0xFFFFFFF8, v29  }
0x257: {  	v40 =	vadd.s32 v14, v40;
	v29 =	vand.u32 $0x7, v29;
	v27 =	vld.idx.msk [tilespmem:v27+s13+$0x0], $0xffff;
	[tilespmem:s29+$0x1AB90] =	vst v38;
	v34 =	vadd.s32 v2, v34  }
0x258: {  	v38 =	vor.u32 v42, v40;
	v40 =	vadd.s32 $0x2, v8;
	v41 =	vld.idx.msk [tilespmem:v41+s13+$0x0], $0xffff;
	[tilespmem:s28+$0x1BBC0] =	vst v44;
	v29 =	vor.u32 v29, v34  }
0x259: {  	v42 =	vand.u32 $0xFFFFFFF8, v40;
	v40 =	vand.u32 $0x7, v40;
	v44 =	vadd.s32 $0x2, v39;
	v34 =	vld.idx.msk [tilespmem:v32+s13+$0x0], $0xffff;
	[tilespmem:s31+$0x19A10] =	vst v45  }
0x25a: {  	v46 =	vadd.s32 $0x10, v15;
	v42 =	vadd.s32 v14, v42;
	v45 =	vand.u32 $0xFFFFFFF8, v44;
	v37 =	vld.idx.msk [tilespmem:v37+s13+$0x0], $0xffff  }
0x25b: {  	v40 =	vor.u32 v40, v42;
	v42 =	vand.u32 $0x7, v44;
	v44 =	vadd.s32 v43, v45;
	v45 =	vld.idx.msk [tilespmem:v11+s13+$0x0], $0xffff;
	v11 =	vmovc v33  }
0x25c: {  	v33 =	vadd.s32 $0x3, v8;
	v42 =	vor.u32 v42, v44;
	[tilespmem:s28+$0x1BE50] =	vst v28;
	v28 =	vadd.s32 $0x1F, v1;
	v1 =	vmovc v4;
	v4 =	vmovc v39  }
0x25d: {  	v39 =	vand.u32 $0xFFFFFFF8, v33;
	v33 =	vand.u32 $0x7, v33;
	[tilespmem:s29+$0x1AB80] =	vst v27;
	v27 =	vld.idx.msk [tilespmem:v29+s13+$0x0], $0xffff;
	v29 =	vand.u32 $0xFFFFFFF8, v28  }
0x25e: {  	v28 =	vand.u32 $0x7, v28;
	v26 =	vld.idx.msk [tilespmem:v26+s13+$0x0], $0xffff;
	[tilespmem:s29+$0x1ACD0] =	vst v41;
	v41 =	vadd.s32 $0x11, v1;
	v29 =	vadd.s32 v2, v29;
	v2 =	vmovc v10  }
0x25f: {  	[tilespmem:s31+$0x19A00] =	vst v34;
	v34 =	vadd.s32 v14, v39;
	v39 =	vld.idx.msk [tilespmem:v46+s13+$0x0], $0xffff;
	v44 =	vand.u32 $0xFFFFFFF8, v41;
	v28 =	vor.u32 v28, v29  }
0x260: {  	v10 =	vmovc v43;
	v29 =	vld.idx.msk [tilespmem:v38+s13+$0x0], $0xffff;
	[tilespmem:s31+$0x19B50] =	vst v37;
	v37 =	vadd.s32 $0x3, v4;
	v38 =	vand.u32 $0x7, v41;
	v41 =	vadd.s32 v2, v44  }
0x261: {  	v33 =	vor.u32 v33, v34;
	v34 =	vld.idx.msk [tilespmem:v42+s13+$0x0], $0xffff;
	v42 =	vand.u32 $0xFFFFFFF8, v37;
	v38 =	vor.u32 v38, v41;
	[tilespmem:s28+$0x1BD00] =	vst v45  }
0x262: {  	v41 =	vadd.s32 $0x4, v8;
	v37 =	vand.u32 $0x7, v37;
	v42 =	vadd.s32 v10, v42;
	v43 =	vld.idx.msk [tilespmem:v6+s13+$0x0], $0xffff;
	v6 =	vmovc v31  }
0x263: {  	v31 =	vand.u32 $0xFFFFFFF8, v41;
	v41 =	vand.u32 $0x7, v41;
	v37 =	vor.u32 v37, v42;
	[tilespmem:s28+$0x1BF90] =	vst v27  }
0x264: {  	v27 =	vadd.s32 v14, v31;
	v31 =	vadd.s32 $0x5, v8;
	v42 =	vadd.s32 $0x6, v8;
	[tilespmem:s29+$0x1ACC0] =	vst v26;
	v26 =	vld.idx.msk [tilespmem:v28+s13+$0x0], $0xffff  }
0x265: {  	v27 =	vor.u32 v41, v27;
	v28 =	vand.u32 $0xFFFFFFF8, v31;
	v41 =	vld.idx.msk [tilespmem:v25+s13+$0x0], $0xffff;
	[tilespmem:s29+$0x1AE10] =	vst v39;
	v25 =	vadd.s32 $0x12, v1  }
0x266: {  	v28 =	vadd.s32 v14, v28;
	[tilespmem:s31+$0x19B40] =	vst v29;
	v29 =	vand.u32 $0x7, v31;
	v31 =	vld.idx.msk [tilespmem:v38+s13+$0x0], $0xffff;
	v38 =	vand.u32 $0xFFFFFFF8, v25  }
0x267: {  	v25 =	vand.u32 $0x7, v25;
	v39 =	vld.idx.msk [tilespmem:v40+s13+$0x0], $0xffff;
	[tilespmem:s31+$0x19C90] =	vst v34;
	v34 =	vadd.s32 $0x4, v4;
	v38 =	vadd.s32 v2, v38  }
0x268: {  	v28 =	vor.u32 v29, v28;
	v29 =	vld.idx.msk [tilespmem:v37+s13+$0x0], $0xffff;
	v37 =	vand.u32 $0xFFFFFFF8, v34;
	v38 =	vor.u32 v25, v38;
	[tilespmem:s28+$0x1BE40] =	vst v43  }
0x269: {  	v25 =	vand.u32 $0xFFFFFFF8, v42;
	v34 =	vand.u32 $0x7, v34;
	v37 =	vadd.s32 v10, v37;
	v40 =	vld.idx.msk [tilespmem:v5+s13+$0x0], $0xffff;
	v5 =	vmovc v36  }
0x26a: {  	v36 =	vand.u32 $0x7, v42;
	v25 =	vadd.s32 v14, v25;
	v34 =	vor.u32 v34, v37;
	[tilespmem:s28+$0x1C0D0] =	vst v26  }
0x26b: {  	v25 =	vor.u32 v36, v25;
	v26 =	vadd.s32 $0x7, v8;
	v36 =	vadd.s32 $0x8, v32;
	[tilespmem:s29+$0x1AE00] =	vst v41  }
0x26c: {  	v37 =	vand.u32 $0xFFFFFFF8, v26;
	v26 =	vand.u32 $0x7, v26;
	v24 =	vld.idx.msk [tilespmem:v24+s13+$0x0], $0xffff;
	[tilespmem:s29+$0x1AF50] =	vst v31;
	v31 =	vadd.s32 $0x13, v1  }
0x26d: {  	v37 =	vadd.s32 v14, v37;
	[tilespmem:s31+$0x19C80] =	vst v39;
	v39 =	vadd.s32 $0x9, v8;
	v38 =	vld.idx.msk [tilespmem:v38+s13+$0x0], $0xffff;
	v41 =	vand.u32 $0xFFFFFFF8, v31  }
0x26e: {  	v31 =	vand.u32 $0x7, v31;
	v33 =	vld.idx.msk [tilespmem:v33+s13+$0x0], $0xffff;
	[tilespmem:s31+$0x19DD0] =	vst v29;
	v29 =	vadd.s32 $0x5, v4;
	v41 =	vadd.s32 v2, v41  }
0x26f: {  	v37 =	vor.u32 v26, v37;
	v26 =	vld.idx.msk [tilespmem:v34+s13+$0x0], $0xffff;
	v34 =	vand.u32 $0xFFFFFFF8, v29;
	v31 =	vor.u32 v31, v41;
	[tilespmem:s28+$0x1BF80] =	vst v40  }
0x270: {  	v40 =	vand.u32 $0xFFFFFFF8, v39;
	v29 =	vand.u32 $0x7, v29;
	v34 =	vadd.s32 v10, v34;
	v35 =	vld.idx.msk [tilespmem:v35+s13+$0x0], $0xffff  }
0x271: {  	v39 =	vand.u32 $0x7, v39;
	v40 =	vadd.s32 v14, v40;
	v29 =	vor.u32 v29, v34  }
0x272: {  	v34 =	vor.u32 v39, v40;
	v39 =	vadd.s32 $0xA, v8;
	v40 =	vadd.s32 $0xB, v8;
	[tilespmem:s29+$0x1AF40] =	vst v24  }
0x273: {  	v24 =	vand.u32 $0xFFFFFFF8, v39;
	v39 =	vand.u32 $0x7, v39;
	v23 =	vld.idx.msk [tilespmem:v23+s13+$0x0], $0xffff;
	[tilespmem:s29+$0x1B090] =	vst v38;
	v38 =	vadd.s32 $0x14, v1  }
0x274: {  	v41 =	vand.u32 $0xFFFFFFF8, v40;
	v24 =	vadd.s32 v14, v24;
	[tilespmem:s31+$0x19DC0] =	vst v33;
	v42 =	vld.idx.msk [tilespmem:v31+s13+$0x0], $0xffff;
	v31 =	vand.u32 $0xFFFFFFF8, v38  }
0x275: {  	v38 =	vand.u32 $0x7, v38;
	v27 =	vld.idx.msk [tilespmem:v27+s13+$0x0], $0xffff;
	[tilespmem:s31+$0x19F10] =	vst v26;
	v26 =	vadd.s32 $0x6, v4;
	v31 =	vadd.s32 v2, v31  }
0x276: {  	v33 =	vor.u32 v39, v24;
	v24 =	vld.idx.msk [tilespmem:v29+s13+$0x0], $0xffff;
	v29 =	vand.u32 $0xFFFFFFF8, v26;
	v38 =	vor.u32 v38, v31;
	[tilespmem:s28+$0x1C0C0] =	vst v35;
	s28 =	smov.u32 s29;
	s29 =	smov.u32 s31  }
0x277: {  	v31 =	vadd.s32 v14, v41;
	v26 =	vand.u32 $0x7, v26;
	v29 =	vadd.s32 v10, v29  }
0x278: {  	v39 =	vadd.s32 $0xC, v8;
	v35 =	vand.u32 $0x7, v40;
	v26 =	vor.u32 v26, v29  }
0x279: {  	v31 =	vor.u32 v35, v31;
	v35 =	vand.u32 $0x7, v39;
	v29 =	vand.u32 $0xFFFFFFF8, v39;
	[tilespmem:s28+$0x1B080] =	vst v23  }
0x27a: {  	v40 =	vadd.s32 $0x15, v1;
	v39 =	vadd.s32 $0xD, v8;
	v23 =	vadd.s32 v14, v29;
	v22 =	vld.idx.msk [tilespmem:v22+s13+$0x0], $0xffff;
	[tilespmem:s28+$0x1B1D0] =	vst v42  }
0x27b: {  	v29 =	vor.u32 v35, v23;
	v23 =	vand.u32 $0xFFFFFFF8, v39;
	v35 =	vand.u32 $0xFFFFFFF8, v40;
	[tilespmem:s29+$0x19F00] =	vst v27;
	v27 =	vld.idx.msk [tilespmem:v38+s13+$0x0], $0xffff  }
0x27c: {  	v35 =	vadd.s32 v2, v35;
	v38 =	vld.idx.msk [tilespmem:v28+s13+$0x0], $0xffff;
	[tilespmem:s29+$0x1A050] =	vst v24;
	v24 =	vadd.s32 $0x7, v4;
	v28 =	vand.u32 $0x7, v40  }
0x27d: {  	v23 =	vadd.s32 v14, v23;
	v26 =	vld.idx.msk [tilespmem:v26+s13+$0x0], $0xffff;
	v40 =	vand.u32 $0xFFFFFFF8, v24;
	v35 =	vor.u32 v28, v35  }
0x27e: {  	v28 =	vand.u32 $0x7, v39;
	v24 =	vand.u32 $0x7, v24;
	v39 =	vadd.s32 v10, v40  }
0x27f: {  	v28 =	vor.u32 v28, v23;
	v23 =	vadd.s32 $0xE, v8;
	v24 =	vor.u32 v24, v39  }
0x280: {  	v40 =	vadd.s32 $0xF, v8;
	v39 =	vand.u32 $0xFFFFFFF8, v23;
	v23 =	vand.u32 $0x7, v23;
	[tilespmem:s28+$0x1B1C0] =	vst v22  }
0x281: {  	v41 =	vadd.s32 $0x16, v1;
	v22 =	vadd.s32 v14, v39;
	v39 =	vand.u32 $0xFFFFFFF8, v40;
	v21 =	vld.idx.msk [tilespmem:v21+s13+$0x0], $0xffff;
	[tilespmem:s28+$0x1B310] =	vst v27  }
0x282: {  	v27 =	vor.u32 v23, v22;
	v22 =	vadd.s32 v14, v39;
	[tilespmem:s29+$0x1A040] =	vst v38;
	v23 =	vld.idx.msk [tilespmem:v35+s13+$0x0], $0xffff;
	v35 =	vand.u32 $0xFFFFFFF8, v41  }
0x283: {  	v39 =	vand.u32 $0x7, v41;
	v38 =	vld.idx.msk [tilespmem:v25+s13+$0x0], $0xffff;
	v25 =	vand.u32 $0x7, v40;
	[tilespmem:s29+$0x1A190] =	vst v26;
	v35 =	vadd.s32 v2, v35  }
0x284: {  	v26 =	vor.u32 v25, v22;
	v25 =	vadd.s32 $0x10, v32;
	v22 =	vld.idx.msk [tilespmem:v24+s13+$0x0], $0xffff;
	v35 =	vor.u32 v39, v35  }
0x285: {  	v40 =	vadd.s32 $0x13, v8;
	v24 =	vadd.s32 $0x11, v8;
	v39 =	vadd.s32 $0x12, v8  }
0x286: {  	v42 =	vadd.s32 $0x8, v30;
	v41 =	vand.u32 $0xFFFFFFF8, v24;
	v24 =	vand.u32 $0x7, v24  }
0x287: {  	v43 =	vand.u32 $0xFFFFFFF8, v39;
	v39 =	vand.u32 $0x7, v39;
	v41 =	vadd.s32 v14, v41;
	[tilespmem:s28+$0x1B300] =	vst v21  }
0x288: {  	v24 =	vor.u32 v24, v41;
	v21 =	vadd.s32 v14, v43;
	v41 =	vadd.s32 $0x17, v1;
	v20 =	vld.idx.msk [tilespmem:v20+s13+$0x0], $0xffff;
	[tilespmem:s28+$0x1B450] =	vst v23  }
0x289: {  	v23 =	vor.u32 v39, v21;
	v21 =	vand.u32 $0xFFFFFFF8, v40;
	[tilespmem:s29+$0x1A180] =	vst v38;
	v35 =	vld.idx.msk [tilespmem:v35+s13+$0x0], $0xffff;
	v38 =	vand.u32 $0xFFFFFFF8, v41  }
0x28a: {  	v39 =	vand.u32 $0x7, v41;
	v37 =	vld.idx.msk [tilespmem:v37+s13+$0x0], $0xffff;
	[tilespmem:s29+$0x1A2D0] =	vst v22;
	v22 =	vadd.s32 $0x9, v4;
	v38 =	vadd.s32 v2, v38  }
0x28b: {  	v21 =	vadd.s32 v14, v21;
	v41 =	vld.idx.msk [tilespmem:v42+s13+$0x0], $0xffff;
	v42 =	vand.u32 $0xFFFFFFF8, v22;
	v38 =	vor.u32 v39, v38  }
0x28c: {  	v39 =	vand.u32 $0x7, v40;
	v40 =	vand.u32 $0x7, v22;
	v42 =	vadd.s32 v10, v42  }
0x28d: {  	v22 =	vor.u32 v39, v21;
	v21 =	vadd.s32 $0x14, v8;
	v39 =	vor.u32 v40, v42  }
0x28e: {  	v40 =	vand.u32 $0xFFFFFFF8, v21;
	v21 =	vand.u32 $0x7, v21;
	v42 =	vadd.s32 $0x15, v8;
	[tilespmem:s28+$0x1B440] =	vst v20  }
0x28f: {  	v20 =	vadd.s32 v14, v40;
	v40 =	vand.u32 $0xFFFFFFF8, v42;
	v42 =	vand.u32 $0x7, v42;
	v43 =	vld.idx.msk [tilespmem:v19+s13+$0x0], $0xffff;
	[tilespmem:s28+$0x1B590] =	vst v35  }
0x290: {  	v21 =	vor.u32 v21, v20;
	v19 =	vadd.s32 v14, v40;
	v35 =	vadd.s32 $0x16, v8;
	[tilespmem:s29+$0x1A2C0] =	vst v37;
	v37 =	vld.idx.msk [tilespmem:v38+s13+$0x0], $0xffff  }
0x291: {  	v20 =	vor.u32 v42, v19;
	v19 =	vand.u32 $0xFFFFFFF8, v35;
	v38 =	vadd.s32 $0xA, v4;
	v36 =	vld.idx.msk [tilespmem:v36+s13+$0x0], $0xffff;
	[tilespmem:s29+$0x1A410] =	vst v41  }
0x292: {  	v19 =	vadd.s32 v14, v19;
	v40 =	vand.u32 $0xFFFFFFF8, v38;
	v41 =	vadd.s32 $0x18, v15;
	v15 =	vmovc v30;
	v39 =	vld.idx.msk [tilespmem:v39+s13+$0x0], $0xffff  }
0x293: {  	v30 =	vand.u32 $0x7, v35;
	v35 =	vand.u32 $0x7, v38;
	v38 =	vadd.s32 v10, v40  }
0x294: {  	v19 =	vor.u32 v30, v19;
	v30 =	vadd.s32 $0x17, v8;
	v35 =	vor.u32 v35, v38  }
0x295: {  	v32 =	vadd.s32 $0x18, v32;
	v38 =	vand.u32 $0xFFFFFFF8, v30;
	v30 =	vand.u32 $0x7, v30;
	[tilespmem:s28+$0x1B580] =	vst v43  }
0x296: {  	v40 =	vadd.s32 $0x19, v8;
	v38 =	vadd.s32 v14, v38;
	v42 =	vld.idx.msk [tilespmem:v17+s13+$0x0], $0xffff;
	[tilespmem:s28+$0x1B6D0] =	vst v37;
	v37 =	vadd.s32 $0x19, v1  }
0x297: {  	v17 =	vor.u32 v30, v38;
	v30 =	vand.u32 $0xFFFFFFF8, v40;
	[tilespmem:s29+$0x1A400] =	vst v36;
	v36 =	vld.idx.msk [tilespmem:v41+s13+$0x0], $0xffff;
	v38 =	vand.u32 $0xFFFFFFF8, v37  }
0x298: {  	v37 =	vand.u32 $0x7, v37;
	v34 =	vld.idx.msk [tilespmem:v34+s13+$0x0], $0xffff;
	[tilespmem:s29+$0x1A550] =	vst v39;
	v39 =	vadd.s32 $0xB, v4;
	v38 =	vadd.s32 v2, v38  }
0x299: {  	v30 =	vadd.s32 v14, v30;
	v35 =	vld.idx.msk [tilespmem:v35+s13+$0x0], $0xffff;
	v41 =	vand.u32 $0xFFFFFFF8, v39;
	v37 =	vor.u32 v37, v38  }
0x29a: {  	v38 =	vand.u32 $0x7, v40;
	v39 =	vand.u32 $0x7, v39;
	v40 =	vadd.s32 v10, v41  }
0x29b: {  	v30 =	vor.u32 v38, v30;
	v38 =	vadd.s32 $0x1A, v8;
	v39 =	vor.u32 v39, v40  }
0x29c: {  	v41 =	vadd.s32 $0x1B, v8;
	v40 =	vand.u32 $0xFFFFFFF8, v38;
	v38 =	vand.u32 $0x7, v38;
	[tilespmem:s28+$0x1B6C0] =	vst v42  }
0x29d: {  	v40 =	vadd.s32 v14, v40;
	v42 =	vand.u32 $0xFFFFFFF8, v41;
	v43 =	vld.idx.msk [tilespmem:v16+s13+$0x0], $0xffff;
	[tilespmem:s28+$0x1B810] =	vst v36;
	v36 =	vadd.s32 $0x1A, v1;
	v16 =	vmovc v32  }
0x29e: {  	v32 =	vadd.s32 v14, v42;
	[tilespmem:s29+$0x1A540] =	vst v34;
	v34 =	vor.u32 v38, v40;
	v37 =	vld.idx.msk [tilespmem:v37+s13+$0x0], $0xffff;
	v38 =	vand.u32 $0xFFFFFFF8, v36  }
0x29f: {  	v36 =	vand.u32 $0x7, v36;
	v33 =	vld.idx.msk [tilespmem:v33+s13+$0x0], $0xffff;
	[tilespmem:s29+$0x1A690] =	vst v35;
	v35 =	vadd.s32 $0xC, v4;
	v38 =	vadd.s32 v2, v38  }
0x2a0: {  	v40 =	vand.u32 $0x7, v41;
	v39 =	vld.idx.msk [tilespmem:v39+s13+$0x0], $0xffff;
	v41 =	vand.u32 $0xFFFFFFF8, v35;
	v38 =	vor.u32 v36, v38  }
0x2a1: {  	v32 =	vor.u32 v40, v32;
	v35 =	vand.u32 $0x7, v35;
	v36 =	vadd.s32 v10, v41  }
0x2a2: {  	v40 =	vadd.s32 $0x1C, v8;
	v41 =	vadd.s32 $0x1D, v8;
	v35 =	vor.u32 v35, v36  }
0x2a3: {  	v36 =	vand.u32 $0xFFFFFFF8, v40;
	v40 =	vand.u32 $0x7, v40;
	v42 =	vand.u32 $0xFFFFFFF8, v41;
	[tilespmem:s28+$0x1B800] =	vst v43  }
.Ltmp3:
0x2a4: {  	v44 =	vadd.s32 $0x1B, v1;
	v43 =	vadd.s32 v14, v36;
	v42 =	vadd.s32 v14, v42;
	v36 =	vld.idx.msk [tilespmem:v18+s13+$0x0], $0xffff;
	[tilespmem:s28+$0x1B950] =	vst v37;
	(pc) =	sbr.rel @p0 .LBB2_5-.Ltmp3, $4  }
0x2a5: {  	v41 =	vand.u32 $0x7, v41;
	v18 =	vmovc v30;
	[tilespmem:s29+$0x1A680] =	vst v33;
	v33 =	vor.u32 v40, v43;
	v37 =	vld.idx.msk [tilespmem:v38+s13+$0x0], $0xffff;
	v38 =	vand.u32 $0xFFFFFFF8, v44  }
0x2a6: {  	v30 =	vand.u32 $0x7, v44;
	v40 =	vld.idx.msk [tilespmem:v31+s13+$0x0], $0xffff;
	[tilespmem:s29+$0x1A7D0] =	vst v39;
	v39 =	vadd.s32 $0xD, v4;
	v38 =	vadd.s32 v2, v38  }
0x2a7: {  	v31 =	vor.u32 v41, v42;
	v41 =	vld.idx.msk [tilespmem:v35+s13+$0x0], $0xffff;
	v42 =	vand.u32 $0xFFFFFFF8, v39;
	v38 =	vor.u32 v30, v38  }
0x2a8: {  	s0 =	sadd.s32 $0x80, s0;
	v30 =	vadd.s32 $0x1E, v8;
	v35 =	vand.u32 $0x7, v39;
	v39 =	vadd.s32 v10, v42  }
0x2a9: {  	_ =	sdelay $0x2  }
0x2aa: {  	[tilespmem:s29+$0x1A7C0] =	vst v40  }
0x2ab: {  	v3 =	vor.u32 v35, v39;
	v29 =	vld.idx.msk [tilespmem:v29+s13+$0x0], $0xffff;
	_ =	sdelay $0x2  }
0x2ac: {  	v50 =	vadd.s32 $0xE, v4  }
0x2ad: {  	v51 =	vand.u32 $0xFFFFFFF8, v50;
	[tilespmem:s29+$0x1A910] =	vst v41  }
0x2ae: {  	v35 =	vand.u32 $0x7, v50;
	v39 =	vadd.s32 v10, v51;
	v3 =	vld.idx.msk [tilespmem:v3+s13+$0x0], $0xffff;
	[tilespmem:s29+$0x1A900] =	vst v29  }
0x2af: {  	v52 =	vor.u32 v35, v39;
	v28 =	vld.idx.msk [tilespmem:v28+s13+$0x0], $0xffff;
	_ =	sdelay $0x2  }
0x2b0: {  	v53 =	vadd.s32 $0xF, v4  }
0x2b1: {  	[tilespmem:s29+$0x1AA50] =	vst v3;
	v3 =	vand.u32 $0xFFFFFFF8, v53  }
0x2b2: {  	v35 =	vand.u32 $0x7, v53;
	v29 =	vld.idx.msk [tilespmem:v52+s13+$0x0], $0xffff;
	v3 =	vadd.s32 v10, v3;
	[tilespmem:s29+$0x1AA40] =	vst v28  }
0x2b3: {  	v3 =	vor.u32 v35, v3;
	v27 =	vld.idx.msk [tilespmem:v27+s13+$0x0], $0xffff;
	_ =	sdelay $0x3  }
0x2b4: {  	[tilespmem:s29+$0x1AB90] =	vst v29  }
0x2b5: {  	v3 =	vld.idx.msk [tilespmem:v3+s13+$0x0], $0xffff;
	[tilespmem:s29+$0x1AB80] =	vst v27  }
0x2b6: {  	v54 =	vadd.s32 $0x10, v15;
	v26 =	vld.idx.msk [tilespmem:v26+s13+$0x0], $0xffff;
	_ =	sdelay $0x2  }
0x2b7: {  	v55 =	vadd.s32 $0x11, v4  }
0x2b8: {  	[tilespmem:s29+$0x1ACD0] =	vst v3;
	v3 =	vand.u32 $0xFFFFFFF8, v55  }
0x2b9: {  	v28 =	vand.u32 $0x7, v55;
	v27 =	vld.idx.msk [tilespmem:v54+s13+$0x0], $0xffff;
	v3 =	vadd.s32 v10, v3;
	[tilespmem:s29+$0x1ACC0] =	vst v26  }
0x2ba: {  	v3 =	vor.u32 v28, v3;
	v25 =	vld.idx.msk [tilespmem:v25+s13+$0x0], $0xffff;
	_ =	sdelay $0x2  }
0x2bb: {  	v56 =	vadd.s32 $0x12, v4  }
0x2bc: {  	v57 =	vand.u32 $0xFFFFFFF8, v56;
	[tilespmem:s29+$0x1AE10] =	vst v27  }
0x2bd: {  	v26 =	vand.u32 $0x7, v56;
	v27 =	vadd.s32 v10, v57;
	v3 =	vld.idx.msk [tilespmem:v3+s13+$0x0], $0xffff;
	[tilespmem:s29+$0x1AE00] =	vst v25  }
0x2be: {  	v58 =	vor.u32 v26, v27;
	v24 =	vld.idx.msk [tilespmem:v24+s13+$0x0], $0xffff;
	_ =	sdelay $0x2  }
0x2bf: {  	v59 =	vadd.s32 $0x13, v4  }
0x2c0: {  	[tilespmem:s29+$0x1AF50] =	vst v3;
	v3 =	vand.u32 $0xFFFFFFF8, v59  }
0x2c1: {  	v26 =	vand.u32 $0x7, v59;
	v25 =	vld.idx.msk [tilespmem:v58+s13+$0x0], $0xffff;
	v3 =	vadd.s32 v10, v3;
	[tilespmem:s29+$0x1AF40] =	vst v24  }
0x2c2: {  	v3 =	vor.u32 v26, v3;
	v23 =	vld.idx.msk [tilespmem:v23+s13+$0x0], $0xffff;
	_ =	sdelay $0x2  }
0x2c3: {  	v60 =	vadd.s32 $0x14, v4  }
0x2c4: {  	v61 =	vand.u32 $0xFFFFFFF8, v60;
	[tilespmem:s29+$0x1B090] =	vst v25  }
0x2c5: {  	v24 =	vand.u32 $0x7, v60;
	v25 =	vadd.s32 v10, v61;
	v3 =	vld.idx.msk [tilespmem:v3+s13+$0x0], $0xffff;
	[tilespmem:s29+$0x1B080] =	vst v23  }
0x2c6: {  	v62 =	vor.u32 v24, v25;
	v22 =	vld.idx.msk [tilespmem:v22+s13+$0x0], $0xffff;
	_ =	sdelay $0x2  }
0x2c7: {  	v63 =	vadd.s32 $0x15, v4  }
0x2c8: {  	[tilespmem:s29+$0x1B1D0] =	vst v3;
	v3 =	vand.u32 $0xFFFFFFF8, v63  }
0x2c9: {  	v24 =	vand.u32 $0x7, v63;
	v23 =	vld.idx.msk [tilespmem:v62+s13+$0x0], $0xffff;
	v3 =	vadd.s32 v10, v3;
	[tilespmem:s29+$0x1B1C0] =	vst v22  }
0x2ca: {  	v3 =	vor.u32 v24, v3;
	v21 =	vld.idx.msk [tilespmem:v21+s13+$0x0], $0xffff;
	_ =	sdelay $0x2  }
0x2cb: {  	v24 =	vadd.s32 $0x16, v4  }
0x2cc: {  	v25 =	vand.u32 $0xFFFFFFF8, v24;
	[tilespmem:s29+$0x1B310] =	vst v23  }
0x2cd: {  	v22 =	vand.u32 $0x7, v24;
	v23 =	vadd.s32 v10, v25;
	v3 =	vld.idx.msk [tilespmem:v3+s13+$0x0], $0xffff;
	[tilespmem:s29+$0x1B300] =	vst v21  }
0x2ce: {  	v26 =	vor.u32 v22, v23;
	v20 =	vld.idx.msk [tilespmem:v20+s13+$0x0], $0xffff;
	_ =	sdelay $0x2  }
0x2cf: {  	v27 =	vadd.s32 $0x17, v4  }
0x2d0: {  	[tilespmem:s29+$0x1B450] =	vst v3;
	v3 =	vand.u32 $0xFFFFFFF8, v27  }
0x2d1: {  	v22 =	vand.u32 $0x7, v27;
	v21 =	vld.idx.msk [tilespmem:v26+s13+$0x0], $0xffff;
	v3 =	vadd.s32 v10, v3;
	[tilespmem:s29+$0x1B440] =	vst v20  }
0x2d2: {  	v3 =	vor.u32 v22, v3;
	v19 =	vld.idx.msk [tilespmem:v19+s13+$0x0], $0xffff;
	_ =	sdelay $0x3  }
0x2d3: {  	[tilespmem:s29+$0x1B590] =	vst v21  }
0x2d4: {  	v3 =	vld.idx.msk [tilespmem:v3+s13+$0x0], $0xffff;
	[tilespmem:s29+$0x1B580] =	vst v19  }
0x2d5: {  	v28 =	vadd.s32 $0x18, v15;
	v17 =	vld.idx.msk [tilespmem:v17+s13+$0x0], $0xffff;
	_ =	sdelay $0x2  }
0x2d6: {  	v29 =	vadd.s32 $0x19, v4  }
0x2d7: {  	[tilespmem:s29+$0x1B6D0] =	vst v3;
	v3 =	vand.u32 $0xFFFFFFF8, v29  }
0x2d8: {  	v19 =	vand.u32 $0x7, v29;
	v15 =	vld.idx.msk [tilespmem:v28+s13+$0x0], $0xffff;
	v3 =	vadd.s32 v10, v3;
	[tilespmem:s29+$0x1B6C0] =	vst v17  }
0x2d9: {  	v3 =	vor.u32 v19, v3;
	v16 =	vld.idx.msk [tilespmem:v16+s13+$0x0], $0xffff;
	_ =	sdelay $0x2  }
0x2da: {  	v35 =	vadd.s32 $0x1A, v4  }
0x2db: {  	v39 =	vand.u32 $0xFFFFFFF8, v35;
	[tilespmem:s29+$0x1B810] =	vst v15  }
0x2dc: {  	v17 =	vand.u32 $0x7, v35;
	v15 =	vadd.s32 v10, v39;
	v3 =	vld.idx.msk [tilespmem:v3+s13+$0x0], $0xffff;
	[tilespmem:s29+$0x1B800] =	vst v16  }
0x2dd: {  	v15 =	vor.u32 v17, v15;
	v16 =	vld.idx.msk [tilespmem:v18+s13+$0x0], $0xffff;
	_ =	sdelay $0x1  }
0x2de: {  	[tilespmem:s28+$0x1B940] =	vst v36  }
0x2df: {  	v13 =	vld.idx.msk [tilespmem:v13+s13+$0x0], $0xffff;
	v40 =	vadd.s32 $0x1B, v4  }
0x2e0: {  	[tilespmem:s29+$0x1B950] =	vst v3;
	v3 =	vand.u32 $0xFFFFFFF8, v40  }
0x2e1: {  	v17 =	vand.u32 $0x7, v40;
	v15 =	vld.idx.msk [tilespmem:v15+s13+$0x0], $0xffff;
	v3 =	vadd.s32 v10, v3;
	[tilespmem:s29+$0x1B940] =	vst v16  }
0x2e2: {  	v3 =	vor.u32 v17, v3;
	v16 =	vld.idx.msk [tilespmem:v34+s13+$0x0], $0xffff;
	_ =	sdelay $0x1  }
0x2e3: {  	v41 =	vadd.s32 $0x1C, v1;
	[tilespmem:s28+$0x1BA80] =	vst v13  }
0x2e4: {  	v44 =	vadd.s32 $0x1C, v4;
	[tilespmem:s28+$0x1BA90] =	vst v37;
	v42 =	vand.u32 $0xFFFFFFF8, v41;
	v12 =	vld.idx.msk [tilespmem:v12+s13+$0x0], $0xffff  }
0x2e5: {  	v45 =	vand.u32 $0xFFFFFFF8, v44;
	v43 =	vld.idx.msk [tilespmem:v38+s13+$0x0], $0xffff;
	v18 =	vadd.s32 v2, v42;
	v17 =	vand.u32 $0x7, v41;
	[tilespmem:s29+$0x1BA90] =	vst v15  }
0x2e6: {  	v13 =	vand.u32 $0x7, v44;
	v17 =	vor.u32 v17, v18;
	v15 =	vadd.s32 v10, v45;
	v3 =	vld.idx.msk [tilespmem:v3+s13+$0x0], $0xffff;
	[tilespmem:s29+$0x1BA80] =	vst v16  }
0x2e7: {  	v13 =	vor.u32 v13, v15;
	v46 =	vld.idx.msk [tilespmem:v32+s13+$0x0], $0xffff;
	_ =	sdelay $0x1  }
0x2e8: {  	v47 =	vadd.s32 $0x1D, v1;
	[tilespmem:s28+$0x1BBC0] =	vst v12  }
0x2e9: {  	v49 =	vadd.s32 $0x1D, v4;
	v48 =	vand.u32 $0xFFFFFFF8, v47;
	[tilespmem:s28+$0x1BBD0] =	vst v43;
	v11 =	vld.idx.msk [tilespmem:v11+s13+$0x0], $0xffff  }
0x2ea: {  	v18 =	vadd.s32 v2, v48;
	v17 =	vld.idx.msk [tilespmem:v17+s13+$0x0], $0xffff;
	v16 =	vand.u32 $0x7, v47;
	[tilespmem:s29+$0x1BBD0] =	vst v3;
	v3 =	vand.u32 $0xFFFFFFF8, v49  }
0x2eb: {  	v12 =	vand.u32 $0x7, v49;
	v16 =	vor.u32 v16, v18;
	v13 =	vld.idx.msk [tilespmem:v13+s13+$0x0], $0xffff;
	v3 =	vadd.s32 v10, v3;
	[tilespmem:s29+$0x1BBC0] =	vst v46  }
0x2ec: {  	v3 =	vor.u32 v12, v3;
	v50 =	vld.idx.msk [tilespmem:v33+s13+$0x0], $0xffff;
	_ =	sdelay $0x1  }
0x2ed: {  	v51 =	vadd.s32 $0x1E, v1;
	v53 =	vadd.s32 $0x1E, v4;
	[tilespmem:s28+$0x1BD00] =	vst v11  }
0x2ee: {  	v1 =	vadd.s32 $0x1F, v1;
	v52 =	vand.u32 $0xFFFFFFF8, v51;
	v11 =	vand.u32 $0x7, v53;
	v6 =	vld.idx.msk [tilespmem:v6+s13+$0x0], $0xffff;
	[tilespmem:s28+$0x1BD10] =	vst v17  }
0x2ef: {  	v54 =	vand.u32 $0xFFFFFFF8, v53;
	v15 =	vand.u32 $0x7, v51;
	v17 =	vadd.s32 v2, v52;
	v16 =	vld.idx.msk [tilespmem:v16+s13+$0x0], $0xffff;
	[tilespmem:s29+$0x1BD10] =	vst v13  }
0x2f0: {  	v55 =	vand.u32 $0xFFFFFFF8, v30;
	v15 =	vor.u32 v15, v17;
	v13 =	vadd.s32 v10, v54;
	v3 =	vld.idx.msk [tilespmem:v3+s13+$0x0], $0xffff;
	[tilespmem:s29+$0x1BD00] =	vst v50  }
0x2f1: {  	v56 =	vand.u32 $0x7, v30;
	v17 =	vadd.s32 v14, v55;
	v11 =	vor.u32 v11, v13;
	v57 =	vld.idx.msk [tilespmem:v31+s13+$0x0], $0xffff  }
0x2f2: {  	v58 =	vand.u32 $0xFFFFFFF8, v1;
	v12 =	vor.u32 v56, v17  }
0x2f3: {  	[tilespmem:s28+$0x1BE40] =	vst v6;
	v1 =	vand.u32 $0x7, v1;
	v2 =	vadd.s32 v2, v58  }
0x2f4: {  	v59 =	vadd.s32 $0x1F, v4;
	v1 =	vor.u32 v1, v2;
	v2 =	vld.idx.msk [tilespmem:v5+s13+$0x0], $0xffff;
	[tilespmem:s28+$0x1BE50] =	vst v16  }
0x2f5: {  	v8 =	vadd.s32 $0x1F, v8;
	v60 =	vor.u32 v7, v9;
	v15 =	vld.idx.msk [tilespmem:v15+s13+$0x0], $0xffff;
	[tilespmem:s29+$0x1BE50] =	vst v3;
	v3 =	vand.u32 $0xFFFFFFF8, v59  }
0x2f6: {  	v61 =	vand.u32 $0xFFFFFFF8, v8;
	v4 =	vand.u32 $0x7, v59;
	v62 =	vld.idx.msk [tilespmem:v11+s13+$0x0], $0xffff;
	v3 =	vadd.s32 v10, v3;
	[tilespmem:s29+$0x1BE40] =	vst v57  }
0x2f7: {  	v8 =	vand.u32 $0x7, v8;
	v5 =	vadd.s32 v14, v61;
	v3 =	vor.u32 v4, v3;
	v63 =	vld.idx.msk [tilespmem:v12+s13+$0x0], $0xffff  }
0x2f8: {  	v5 =	vor.u32 v8, v5  }
0x2f9: {  	[tilespmem:s28+$0x1BF80] =	vst v2  }
0x2fa: {  	v2 =	vld.idx.msk [tilespmem:v60+s13+$0x0], $0xffff;
	[tilespmem:s28+$0x1BF90] =	vst v15  }
0x2fb: {  	v1 =	vld.idx.msk [tilespmem:v1+s13+$0x0], $0xffff;
	[tilespmem:s29+$0x1BF90] =	vst v62  }
0x2fc: {  	v3 =	vld.idx.msk [tilespmem:v3+s13+$0x0], $0xffff;
	[tilespmem:s29+$0x1BF80] =	vst v63  }
0x2fd: {  	v4 =	vld.idx.msk [tilespmem:v5+s13+$0x0], $0xffff  }
0x2fe: {  	s0 =	smul.u32 $0x140, s26  }
.Ltmp4:
0x2ff: {  	[tilespmem:s28+$0x1C0C0] =	vst v2;
	(pc) =	sbr.rel @p1 .LBB2_8-.Ltmp4, $4  }
0x300: {  	s0 =	sadd.s32 s3, s0;
	[tilespmem:s28+$0x1C0D0] =	vst v1  }
0x301: {  	s0 =	sshrl.u32 s0, $0x3;
	[tilespmem:s29+$0x1C0D0] =	vst v3  }
0x302: {  	s0 =	sadd.s32 s2, s0;
	[tilespmem:s29+$0x1C0C0] =	vst v4  }
0x303: {  	[hbm4b:s0+s11] =	stream.strided.scatter [tilespmem:s18], [sflag:$0x4], $0x2800, s15, s11, $0x38;
	[tilespmem:$0x1C200] =	vst v63  }
.Ltmp5:
0x304: {  	(pc) =	sbr.rel .LBB2_2-.Ltmp5, $4  }
0x305: {  	_ = 	snop  }
0x306: {  	s0 =	sshra.s32 s25, $0x2;
	s24 =	sadd.s32 $0x1, s24  }
0x307: {  	s22 =	sadd.s32 $0x280, s22;
	s23 =	sadd.s32 $0x280, s23;
	s0 =	sadd.s32 $0x3C0, s0  }
0x308: {  	[tilespmem:s13], [sflag:$0x2] =	stream.indirect.gather [hbm4b:s5+s11], $0x80, s0, s11, $0xb8;
	[tilespmem:$0x1C200] =	vst v63  }
.LBB2_9:
0x309: {  	_ =	sfence.sel $0x180000  }
0x30a: {  	[bflag:$0x0] =	sbarrier.arrive $0xFFFF  }
0x30b: {  	_ =	strace $0x90000047  }
0x30c: {  	s0 =	stileid.u32;
	[bflag:$0x2] =	sbarrier.arrive $0xFFFF  }
0x30d: {  	p0 =	sne.s32 s0, $0x0;
	s0 =	rddreg [dreg:$0x2]  }
0x30e: {  	s0 =	sadd.s32 @!p0 $0x100000, s0  }
0x30f: {  	[sflag:s0] =	ssyncadd.tile.s32 @!p0 $0x1;
	_ =	shalt  }
.Lfunc_end2:
_tile_overlayer_lowered:
.L_overlay_start_2:
0x310: {  	(tag) =	ssettag $0x2  }
0x311: {  	s0 =	rddreg [dreg:$0x0];
	s2 =	stileid.u32  }
0x312: {  	s1 =	rddreg [dreg:$0x1];
	p0 =	sne.s32 s2, $0x0  }
0x313: {  	s3 =	rddreg [dreg:$0x2];
	[bflag:$0x3] =	sbarrier.arrive $0xFFFF;
	s2 =	simm.s32 @!p0 $0x1C05  }
0x314: {  	[timem:s3], [sflag:s2] =	dma.local @!p0 [hbm:s0], s1  }
0x315: {  	s0 =	simm.s32 @!p0 $0x5  }
0x316: {  	_ =	swait.ge @!p0 [sflag:s0], s1  }
0x317: {  	s1 =	ssub.s32 @!p0 $0x0, s1;
	[sflag:s0] =	ssyncset.done @!p0 $0x0  }
0x318: {  	[sflag:s0] =	ssyncadd.s32 @!p0 s1  }
0x319: {  	[bflag:$0x3] =	sbarrier.arrive $0xFFFF  }
0x31a: {  	_ =	shalt  }

</sc_bundles>
